<compile_context>
chip_gen: v7x
topology: tpu7x:2x2x1
jax: 0.10.2.dev20260603
libtpu: 0.0.44.dev20260713+nightly
codegen_flags: <defaults>
</compile_context>

<pallas_src>
import functools

import jax
import jax.numpy as jnp
from jax import lax
from jax.experimental import pallas as pl
from jax.experimental.pallas import tpu as pltpu
from jax.experimental.pallas import tpu_sc as plsc

_NC = 2
_NS = 16
_NW = _NC * _NS
_L = 16

_B = 16384
_D = 32
_V = 1000000
_BPW = _B // _NW
_CH = 128
_NCH = _BPW // _CH
_PH = 4
_RPP = _BPW // _PH
_NBLK = _RPP // _L


def _rsqrt16(x):
    i = plsc.bitcast(x, jnp.int32)
    y = plsc.bitcast(jnp.int32(0x5F3759DF) - (i >> 1), jnp.float32)
    for _ in range(3):
        y = y * (1.5 - 0.5 * x * y * y)
    return y


def _body(lbl_hbm, hash_hbm, crxt_hbm, pt_hbm, out_hbm,
          hidx, pidx, bkt, g, crxv, outv, sem, gsem):
    c = lax.axis_index("c")
    s = lax.axis_index("s")
    wid = s * _NC + c
    base = wid * _BPW

    pltpu.sync_copy(hash_hbm.at[pl.ds(base, _BPW)], hidx)

    cps = [pltpu.async_copy(lbl_hbm.at[hidx.at[pl.ds(k * _CH, _CH)]],
                            pidx.at[pl.ds(k * _CH, _CH)], sem)
           for k in range(_NCH)]
    for cp in cps:
        cp.wait()

    ccp = pltpu.async_copy(crxt_hbm.at[:, pl.ds(base, _BPW)], crxv, sem)

    iota = lax.iota(jnp.int32, _L)
    ccp.wait()

    def phase(ph, pcarry):
        pbase = ph * _RPP

        def build(b, cnts):
            vec = pidx[pl.ds(pbase + b * _L, _L)]
            p = (vec >> 7) * 256 + (b * _L + iota)
            sgr = (vec >> 4) & 7
            new = []
            for sb in range(8):
                m = sgr == sb
                plsc.store_compressed(bkt.at[sb, pl.ds(cnts[sb], _L)],
                                      p, mask=m)
                pc = plsc.all_reduce_population_count(m)
                new.append(cnts[sb] + pc[0])
            return tuple(new)

        zero = jnp.int32(0)
        cnts = lax.fori_loop(0, _NBLK, build, (zero,) * 8)

        nchunks = []
        for sb in range(8):
            n = cnts[sb]
            bkt[sb, pl.ds(n, _L)] = jnp.full((_L,), _RPP, jnp.int32)
            nchunk = n
            nchunks.append(nchunk)

            def chunk(k, carry, sb=sb):
                ch = bkt[sb, pl.ds(k, _L)]
                for t in range(1):
                    pv = ch[t]
                    al = pl.multiple_of((pv >> 8) * 128, 128)
                    r = pv & 255
                    win = pt_hbm.at[:, :, pl.ds(al, 128)]
                    pltpu.async_copy(win.at[:, :, pl.ds(sb * _L, _L)],
                                     g.at[:, :, pl.ds(r * _L, _L)], gsem)
                return carry

            lax.fori_loop(0, nchunk, chunk, 0)

        def drain(k, carry):
            pltpu.make_async_copy(
                pt_hbm.at[:, :, pl.ds(0, _L)],
                g.at[:, :, pl.ds(0, _L)], gsem).wait()
            return carry
        lax.fori_loop(0, sum(nchunks), drain, 0)

        def blk(b, carry):
            o = pbase + b * _L
            low = pidx[pl.ds(o, _L)] & (_L - 1)
            lane = b * (_L * _L) + iota * _L + low
            acc_d = jnp.zeros((_L,), jnp.float32)
            acc_s = jnp.zeros((_L,), jnp.float32)
            for j in range(_D):
                a = crxv[j, pl.ds(o, _L)]
                p = plsc.load_gather(
                    g, [jnp.full((_L,), j // 8, jnp.int32),
                        jnp.full((_L,), j % 8, jnp.int32), lane])
                acc_s = acc_s + a * a
                acc_d = acc_d + a * p
            outv[pl.ds(o, _L)] = acc_d * _rsqrt16(acc_s)
            return carry

        lax.fori_loop(0, _NBLK, blk, 0)
        return pcarry

    lax.fori_loop(0, _PH, phase, 0)

    pltpu.sync_copy(outv, out_hbm.at[pl.ds(base, _BPW)])


_clf = functools.partial(
    pl.kernel,
    out_type=jax.ShapeDtypeStruct((_B,), jnp.float32),
    mesh=plsc.VectorSubcoreMesh(core_axis_name="c", subcore_axis_name="s"),
    compiler_params=pltpu.CompilerParams(
        needs_layout_passes=False, use_tc_tiling_on_sc=True),
    scratch_types=[
        pltpu.VMEM((_BPW,), jnp.int32),
        pltpu.VMEM((_BPW,), jnp.int32),
        pltpu.VMEM((8, _RPP + _L), jnp.int32),
        pltpu.VMEM((4, 8, (_RPP + 1) * _L), jnp.float32),
        pltpu.VMEM((_D, _BPW), jnp.float32),
        pltpu.VMEM((_BPW,), jnp.float32),
        pltpu.SemaphoreType.DMA,
        pltpu.SemaphoreType.DMA,
    ],
)(_body)


def kernel(lbl_indx, hash_map, crx_vect, preset):
    lbl = lbl_indx.astype(jnp.int32)
    hm = hash_map.astype(jnp.int32)
    crxt = crx_vect.T
    pt = preset.T.reshape(4, 8, _V)
    return _clf(lbl, hm, crxt, pt)

# --- scband reference (transcript-rebuilt; emitter-appended) ---
"""Pipeline reference for scband-clfbase-22703197126753 (READ-ONLY COPY).

The authoritative reference and input builder live on the scoring server;
editing this copy changes nothing except your own understanding.
"""

import jax, jax.numpy as jnp
import numpy as np


def l2_norm(v, axis=-1, eps=1e-12):
    n = jnp.linalg.norm(v, axis=axis, keepdims=True)
    return v / jnp.maximum(n, eps)


def setup_inputs(seed: int = 0) -> dict:
    key = jax.random.key(seed)
    k1, k2, k3, k4 = jax.random.split(key, 4)
    lbl_indx = jax.random.randint(k1, (100000,), 0, 1000000, dtype=jnp.int64) if jax.config.jax_enable_x64 else jax.random.randint(k1, (100000,), 0, 1000000, dtype=jnp.int32)
    hash_map = jax.random.randint(k2, (16384,), 0, 100000, dtype=jnp.int32)
    crx_vect = jax.random.normal(k3, (16384, 32), dtype=jnp.float32)
    preset = jax.random.normal(k4, (1000000, 32), dtype=jnp.float32)
    return {"lbl_indx": lbl_indx, "hash_map": hash_map, "crx_vect": crx_vect, "preset": preset}


def reference(lbl_indx, hash_map, crx_vect, preset):
    # predict_forward: index = batch['lbl_indx'][batch['hash_map']]
    index = jnp.take(lbl_indx, hash_map, axis=0)
    # clf_vect = F.embedding(index, self.__preset__)
    clf_vect = jnp.take(preset, index, axis=0)
    # crx_vect = l2_norm(batch['crx_vect']['clf_docs'], dim=-1)
    crx = l2_norm(crx_vect, axis=-1)
    # (clf_vect * crx_vect).sum(dim=-1)
    return (clf_vect * crx).sum(axis=-1)

if __name__ == "__main__":
    import jax
    _d = setup_inputs()
    print(jax.jit(kernel)(*tuple(_d.values())))

</pallas_src>

<mosaic_0001>
#map = affine_map<(d0, d1) -> (0)>
#map1 = affine_map<(d0, d1) -> (0, 0)>
#map2 = affine_map<(d0, d1) -> (0, 0, 0)>
module attributes {stable_mosaic.version = 14 : i64} {
  func.func @_body(%arg0: i32, %arg1: i32, %arg2: memref<100000xi32, #tpu.memory_space<hbm>>, %arg3: memref<16384xi32, #tpu.memory_space<hbm>>, %arg4: memref<32x16384xf32, #tpu.memory_space<hbm>>, %arg5: memref<4x8x1000000xf32, #tpu.memory_space<hbm>>, %arg6: memref<16384xf32, #tpu.memory_space<hbm>>, %arg7: memref<512xi32, #tpu.memory_space<vmem>>, %arg8: memref<512xi32, #tpu.memory_space<vmem>>, %arg9: memref<8x144xi32, #tpu.memory_space<vmem>>, %arg10: memref<4x8x2064xf32, #tpu.memory_space<vmem>>, %arg11: memref<32x512xf32, #tpu.memory_space<vmem>>, %arg12: memref<512xf32, #tpu.memory_space<vmem>>, %arg13: memref<!tpu.dma_semaphore, #tpu.memory_space<semaphore_mem>>, %arg14: memref<!tpu.dma_semaphore, #tpu.memory_space<semaphore_mem>>) attributes {dimension_semantics = [#tpu.dimension_semantics<core_parallel>, #tpu.dimension_semantics<subcore_parallel>], iteration_bounds = array<i64: 2, 16>, scalar_prefetch = 0 : i64, scratch_operands = 8 : i64, tpu.core_type = #tpu.core_type<sc_vector_subcore>, window_params = [{transform_indices = #map}, {transform_indices = #map}, {transform_indices = #map1}, {transform_indices = #map2}, {transform_indices = #map}]} {
    %mul3A = arith.constant 2 : i32
    %mul3A_0 = arith.muli %arg1, %mul3A : i32
    %add3A = arith.addi %mul3A_0, %arg0 : i32
    %mul3A_1 = arith.constant 512 : i32
    %mul3A_2 = arith.muli %add3A, %mul3A_1 : i32
    "tpu.region"() ({
      %run_scoped3A = tpu.sem_alloc : memref<!tpu.dma_semaphore, #tpu.memory_space<semaphore_mem>>
      %dma_start3A_62 = tpu.memref_slice %arg3[%mul3A_2] : memref<16384xi32, #tpu.memory_space<hbm>> -> memref<512xi32, #tpu.memory_space<hbm>>
      %dma_start3A_63 = tpu.memref_slice %arg3[%mul3A_2] : memref<16384xi32, #tpu.memory_space<hbm>> -> memref<512xi32, #tpu.memory_space<hbm>>
      tpu.enqueue_dma source(%dma_start3A_63 : memref<512xi32, #tpu.memory_space<hbm>>) target(%arg7 : memref<512xi32, #tpu.memory_space<vmem>>) target_semaphore(%run_scoped3A : memref<!tpu.dma_semaphore, #tpu.memory_space<semaphore_mem>>)
      %dma_wait3A_64 = tpu.memref_slice %arg3[%mul3A_2] : memref<16384xi32, #tpu.memory_space<hbm>> -> memref<512xi32, #tpu.memory_space<hbm>>
      %dma_wait3A_65 = tpu.memref_slice %arg3[%mul3A_2] : memref<16384xi32, #tpu.memory_space<hbm>> -> memref<512xi32, #tpu.memory_space<hbm>>
      tpu.wait_dma2 semaphore(%run_scoped3A : memref<!tpu.dma_semaphore, #tpu.memory_space<semaphore_mem>>) src(%dma_wait3A_65 : memref<512xi32, #tpu.memory_space<hbm>>) dst(%arg7 : memref<512xi32, #tpu.memory_space<vmem>>)
      tpu.yield
    }) : () -> ()
    %dma_start3A = arith.constant 0 : i32
    %dma_start3A_3 = tpu.memref_slice %arg8[%dma_start3A] : memref<512xi32, #tpu.memory_space<vmem>> -> memref<128xi32, #tpu.memory_space<vmem>>
    %dma_start3A_4 = arith.constant 0 : i32
    %dma_start3A_5 = tpu.memref_slice %arg7[%dma_start3A_4] : memref<512xi32, #tpu.memory_space<vmem>> -> memref<128xi32, #tpu.memory_space<vmem>>
    %dma_start3A_6 = arith.constant 0 : i32
    %dma_start3A_7 = tpu.memref_slice %arg2[%dma_start3A_6] : memref<100000xi32, #tpu.memory_space<hbm>> -> memref<100000xi32, #tpu.memory_space<hbm>>
    tpu.enqueue_indirect_dma source(%dma_start3A_7 : memref<100000xi32, #tpu.memory_space<hbm>>) target(%dma_start3A_3 : memref<128xi32, #tpu.memory_space<vmem>>) offsets(%dma_start3A_5 : memref<128xi32, #tpu.memory_space<vmem>>) semaphore(%arg13 : memref<!tpu.dma_semaphore, #tpu.memory_space<semaphore_mem>>)
    %dma_start3A_8 = arith.constant 128 : i32
    %dma_start3A_9 = tpu.memref_slice %arg8[%dma_start3A_8] : memref<512xi32, #tpu.memory_space<vmem>> -> memref<128xi32, #tpu.memory_space<vmem>>
    %dma_start3A_10 = arith.constant 128 : i32
    %dma_start3A_11 = tpu.memref_slice %arg7[%dma_start3A_10] : memref<512xi32, #tpu.memory_space<vmem>> -> memref<128xi32, #tpu.memory_space<vmem>>
    %dma_start3A_12 = arith.constant 0 : i32
    %dma_start3A_13 = tpu.memref_slice %arg2[%dma_start3A_12] : memref<100000xi32, #tpu.memory_space<hbm>> -> memref<100000xi32, #tpu.memory_space<hbm>>
    tpu.enqueue_indirect_dma source(%dma_start3A_13 : memref<100000xi32, #tpu.memory_space<hbm>>) target(%dma_start3A_9 : memref<128xi32, #tpu.memory_space<vmem>>) offsets(%dma_start3A_11 : memref<128xi32, #tpu.memory_space<vmem>>) semaphore(%arg13 : memref<!tpu.dma_semaphore, #tpu.memory_space<semaphore_mem>>)
    %dma_start3A_14 = arith.constant 256 : i32
    %dma_start3A_15 = tpu.memref_slice %arg8[%dma_start3A_14] : memref<512xi32, #tpu.memory_space<vmem>> -> memref<128xi32, #tpu.memory_space<vmem>>
    %dma_start3A_16 = arith.constant 256 : i32
    %dma_start3A_17 = tpu.memref_slice %arg7[%dma_start3A_16] : memref<512xi32, #tpu.memory_space<vmem>> -> memref<128xi32, #tpu.memory_space<vmem>>
    %dma_start3A_18 = arith.constant 0 : i32
    %dma_start3A_19 = tpu.memref_slice %arg2[%dma_start3A_18] : memref<100000xi32, #tpu.memory_space<hbm>> -> memref<100000xi32, #tpu.memory_space<hbm>>
    tpu.enqueue_indirect_dma source(%dma_start3A_19 : memref<100000xi32, #tpu.memory_space<hbm>>) target(%dma_start3A_15 : memref<128xi32, #tpu.memory_space<vmem>>) offsets(%dma_start3A_17 : memref<128xi32, #tpu.memory_space<vmem>>) semaphore(%arg13 : memref<!tpu.dma_semaphore, #tpu.memory_space<semaphore_mem>>)
    %dma_start3A_20 = arith.constant 384 : i32
    %dma_start3A_21 = tpu.memref_slice %arg8[%dma_start3A_20] : memref<512xi32, #tpu.memory_space<vmem>> -> memref<128xi32, #tpu.memory_space<vmem>>
    %dma_start3A_22 = arith.constant 384 : i32
    %dma_start3A_23 = tpu.memref_slice %arg7[%dma_start3A_22] : memref<512xi32, #tpu.memory_space<vmem>> -> memref<128xi32, #tpu.memory_space<vmem>>
    %dma_start3A_24 = arith.constant 0 : i32
    %dma_start3A_25 = tpu.memref_slice %arg2[%dma_start3A_24] : memref<100000xi32, #tpu.memory_space<hbm>> -> memref<100000xi32, #tpu.memory_space<hbm>>
    tpu.enqueue_indirect_dma source(%dma_start3A_25 : memref<100000xi32, #tpu.memory_space<hbm>>) target(%dma_start3A_21 : memref<128xi32, #tpu.memory_space<vmem>>) offsets(%dma_start3A_23 : memref<128xi32, #tpu.memory_space<vmem>>) semaphore(%arg13 : memref<!tpu.dma_semaphore, #tpu.memory_space<semaphore_mem>>)
    %dma_wait3A = arith.constant 0 : i32
    %dma_wait3A_26 = tpu.memref_slice %arg8[%dma_wait3A] : memref<512xi32, #tpu.memory_space<vmem>> -> memref<128xi32, #tpu.memory_space<vmem>>
    %dma_wait3A_27 = arith.constant 0 : i32
    %dma_wait3A_28 = tpu.memref_slice %arg7[%dma_wait3A_27] : memref<512xi32, #tpu.memory_space<vmem>> -> memref<128xi32, #tpu.memory_space<vmem>>
    %dma_wait3A_29 = arith.constant 0 : i32
    %dma_wait3A_30 = tpu.memref_slice %arg2[%dma_wait3A_29] : memref<100000xi32, #tpu.memory_space<hbm>> -> memref<100000xi32, #tpu.memory_space<hbm>>
    tpu.wait_indirect_dma semaphore(%arg13 : memref<!tpu.dma_semaphore, #tpu.memory_space<semaphore_mem>>) src(%dma_wait3A_30 : memref<100000xi32, #tpu.memory_space<hbm>>) dst(%dma_wait3A_26 : memref<128xi32, #tpu.memory_space<vmem>>)
    %dma_wait3A_31 = arith.constant 128 : i32
    %dma_wait3A_32 = tpu.memref_slice %arg8[%dma_wait3A_31] : memref<512xi32, #tpu.memory_space<vmem>> -> memref<128xi32, #tpu.memory_space<vmem>>
    %dma_wait3A_33 = arith.constant 128 : i32
    %dma_wait3A_34 = tpu.memref_slice %arg7[%dma_wait3A_33] : memref<512xi32, #tpu.memory_space<vmem>> -> memref<128xi32, #tpu.memory_space<vmem>>
    %dma_wait3A_35 = arith.constant 0 : i32
    %dma_wait3A_36 = tpu.memref_slice %arg2[%dma_wait3A_35] : memref<100000xi32, #tpu.memory_space<hbm>> -> memref<100000xi32, #tpu.memory_space<hbm>>
    tpu.wait_indirect_dma semaphore(%arg13 : memref<!tpu.dma_semaphore, #tpu.memory_space<semaphore_mem>>) src(%dma_wait3A_36 : memref<100000xi32, #tpu.memory_space<hbm>>) dst(%dma_wait3A_32 : memref<128xi32, #tpu.memory_space<vmem>>)
    %dma_wait3A_37 = arith.constant 256 : i32
    %dma_wait3A_38 = tpu.memref_slice %arg8[%dma_wait3A_37] : memref<512xi32, #tpu.memory_space<vmem>> -> memref<128xi32, #tpu.memory_space<vmem>>
    %dma_wait3A_39 = arith.constant 256 : i32
    %dma_wait3A_40 = tpu.memref_slice %arg7[%dma_wait3A_39] : memref<512xi32, #tpu.memory_space<vmem>> -> memref<128xi32, #tpu.memory_space<vmem>>
    %dma_wait3A_41 = arith.constant 0 : i32
    %dma_wait3A_42 = tpu.memref_slice %arg2[%dma_wait3A_41] : memref<100000xi32, #tpu.memory_space<hbm>> -> memref<100000xi32, #tpu.memory_space<hbm>>
    tpu.wait_indirect_dma semaphore(%arg13 : memref<!tpu.dma_semaphore, #tpu.memory_space<semaphore_mem>>) src(%dma_wait3A_42 : memref<100000xi32, #tpu.memory_space<hbm>>) dst(%dma_wait3A_38 : memref<128xi32, #tpu.memory_space<vmem>>)
    %dma_wait3A_43 = arith.constant 384 : i32
    %dma_wait3A_44 = tpu.memref_slice %arg8[%dma_wait3A_43] : memref<512xi32, #tpu.memory_space<vmem>> -> memref<128xi32, #tpu.memory_space<vmem>>
    %dma_wait3A_45 = arith.constant 384 : i32
    %dma_wait3A_46 = tpu.memref_slice %arg7[%dma_wait3A_45] : memref<512xi32, #tpu.memory_space<vmem>> -> memref<128xi32, #tpu.memory_space<vmem>>
    %dma_wait3A_47 = arith.constant 0 : i32
    %dma_wait3A_48 = tpu.memref_slice %arg2[%dma_wait3A_47] : memref<100000xi32, #tpu.memory_space<hbm>> -> memref<100000xi32, #tpu.memory_space<hbm>>
    tpu.wait_indirect_dma semaphore(%arg13 : memref<!tpu.dma_semaphore, #tpu.memory_space<semaphore_mem>>) src(%dma_wait3A_48 : memref<100000xi32, #tpu.memory_space<hbm>>) dst(%dma_wait3A_44 : memref<128xi32, #tpu.memory_space<vmem>>)
    %dma_start3A_49 = arith.constant 0 : i32
    %dma_start3A_50 = tpu.memref_slice %arg4[%dma_start3A_49, %mul3A_2] : memref<32x16384xf32, #tpu.memory_space<hbm>> -> memref<32x512xf32, #tpu.memory_space<hbm>>
    %dma_start3A_51 = arith.constant 0 : i32
    %dma_start3A_52 = tpu.memref_slice %arg4[%dma_start3A_51, %mul3A_2] : memref<32x16384xf32, #tpu.memory_space<hbm>> -> memref<32x512xf32, #tpu.memory_space<hbm>>
    tpu.enqueue_dma source(%dma_start3A_52 : memref<32x512xf32, #tpu.memory_space<hbm>>) target(%arg11 : memref<32x512xf32, #tpu.memory_space<vmem>>) target_semaphore(%arg13 : memref<!tpu.dma_semaphore, #tpu.memory_space<semaphore_mem>>)
    %iota3A = tpu.iota {dimensions = array<i32: 0>} : vector<16xi32>
    %dma_wait3A_53 = arith.constant 0 : i32
    %dma_wait3A_54 = tpu.memref_slice %arg4[%dma_wait3A_53, %mul3A_2] : memref<32x16384xf32, #tpu.memory_space<hbm>> -> memref<32x512xf32, #tpu.memory_space<hbm>>
    %dma_wait3A_55 = arith.constant 0 : i32
    %dma_wait3A_56 = tpu.memref_slice %arg4[%dma_wait3A_55, %mul3A_2] : memref<32x16384xf32, #tpu.memory_space<hbm>> -> memref<32x512xf32, #tpu.memory_space<hbm>>
    tpu.wait_dma2 semaphore(%arg13 : memref<!tpu.dma_semaphore, #tpu.memory_space<semaphore_mem>>) src(%dma_wait3A_56 : memref<32x512xf32, #tpu.memory_space<hbm>>) dst(%arg11 : memref<32x512xf32, #tpu.memory_space<vmem>>)
    %scan3A = arith.constant 0 : i32
    %scan3A_57 = arith.constant 0 : i32
    %scan3A_58 = arith.constant 4 : i32
    %scan3A_59 = arith.addi %scan3A_57, %scan3A_58 : i32
    %scan3A_60 = arith.constant 1 : i32
    scf.for %scan3A_62 = %scan3A_57 to %scan3A_59 step %scan3A_60  : i32 {
      %mul3A_63 = arith.constant 128 : i32
      %mul3A_64 = arith.muli %scan3A_62, %mul3A_63 : i32
      %scan3A_65 = arith.constant 0 : i32
      %scan3A_66 = arith.constant 0 : i32
      %scan3A_67 = arith.constant 0 : i32
      %scan3A_68 = arith.constant 0 : i32
      %scan3A_69 = arith.constant 0 : i32
      %scan3A_70 = arith.constant 0 : i32
      %scan3A_71 = arith.constant 0 : i32
      %scan3A_72 = arith.constant 0 : i32
      %scan3A_73 = arith.constant 0 : i32
      %scan3A_74 = arith.constant 8 : i32
      %scan3A_75 = arith.addi %scan3A_73, %scan3A_74 : i32
      %scan3A_76 = arith.constant 1 : i32
      %scan3A_77:8 = scf.for %scan3A_229 = %scan3A_73 to %scan3A_75 step %scan3A_76 iter_args(%scan3A_230 = %scan3A_65, %scan3A_231 = %scan3A_66, %scan3A_232 = %scan3A_67, %scan3A_233 = %scan3A_68, %scan3A_234 = %scan3A_69, %scan3A_235 = %scan3A_70, %scan3A_236 = %scan3A_71, %scan3A_237 = %scan3A_72) -> (i32, i32, i32, i32, i32, i32, i32, i32)  : i32 {
        %mul3A_238 = arith.constant 16 : i32
        %mul3A_239 = arith.muli %scan3A_229, %mul3A_238 : i32
        %add3A_240 = arith.addi %mul3A_64, %mul3A_239 : i32
        %get3A = arith.index_cast %add3A_240 : i32 to index
        %get3A_241 = tpu.vector_load %arg8[%get3A] {strides = array<i32>} : memref<512xi32, #tpu.memory_space<vmem>>, vector<16xi32>,
        %shift_right_arithmetic3A = arith.constant 7 : i32
        %shift_right_arithmetic3A_242 = vector.broadcast %shift_right_arithmetic3A : i32 to vector<16xi32>
        %shift_right_arithmetic3A_243 = arith.shrsi %get3A_241, %shift_right_arithmetic3A_242 : vector<16xi32>
        %mul3A_244 = arith.constant 256 : i32
        %mul3A_245 = vector.broadcast %mul3A_244 : i32 to vector<16xi32>
        %mul3A_246 = arith.muli %shift_right_arithmetic3A_243, %mul3A_245 : vector<16xi32>
        %mul3A_247 = arith.constant 16 : i32
        %mul3A_248 = arith.muli %scan3A_229, %mul3A_247 : i32
        %add3A_249 = vector.broadcast %mul3A_248 : i32 to vector<16xi32>
        %add3A_250 = arith.addi %add3A_249, %iota3A : vector<16xi32>
        %add3A_251 = arith.addi %mul3A_246, %add3A_250 : vector<16xi32>
        %shift_right_arithmetic3A_252 = arith.constant 4 : i32
        %shift_right_arithmetic3A_253 = vector.broadcast %shift_right_arithmetic3A_252 : i32 to vector<16xi32>
        %shift_right_arithmetic3A_254 = arith.shrsi %get3A_241, %shift_right_arithmetic3A_253 : vector<16xi32>
        %and3A = arith.constant 7 : i32
        %and3A_255 = vector.broadcast %and3A : i32 to vector<16xi32>
        %and3A_256 = arith.andi %shift_right_arithmetic3A_254, %and3A_255 : vector<16xi32>
        %eq3A = arith.constant 0 : i32
        %eq3A_257 = vector.broadcast %eq3A : i32 to vector<16xi32>
        %eq3A_258 = arith.cmpi eq, %and3A_256, %eq3A_257 : vector<16xi32>
        %swap3A_259 = arith.constant 0 : i32
        %swap3A_260 = arith.index_cast %swap3A_259 : i32 to index
        %swap3A_261 = arith.index_cast %scan3A_230 : i32 to index
        %swap3A_262 = tpu.vector_load %arg9[%swap3A_260, %swap3A_261] masked %eq3A_258 {strides = array<i32>} : memref<8x144xi32, #tpu.memory_space<vmem>>, vector<16xi32>, vector<16xi1>
        tpu.vector_store %arg9[%swap3A_260, %swap3A_261], %add3A_251 masked %eq3A_258 {strides = array<i32>} : memref<8x144xi32, #tpu.memory_space<vmem>>, vector<16xi32>, vector<16xi1>
        %all_reduce_population_count3A = tpu.all_reduce %eq3A_258 {dim = 0 : i64, kind = #tpu.reduction_kind<sum>} : vector<16xi1> -> vector<16xi32>
        %slice3A = vector.extract_strided_slice %all_reduce_population_count3A {offsets = [0], sizes = [1], strides = [1]} : vector<16xi32> to vector<1xi32>
        %squeeze3A = vector.extract %slice3A[0] : i32 from vector<1xi32>
        %add3A_263 = arith.addi %scan3A_230, %squeeze3A : i32
        %eq3A_264 = arith.constant 1 : i32
        %eq3A_265 = vector.broadcast %eq3A_264 : i32 to vector<16xi32>
        %eq3A_266 = arith.cmpi eq, %and3A_256, %eq3A_265 : vector<16xi32>
        %swap3A_267 = arith.constant 1 : i32
        %swap3A_268 = arith.index_cast %swap3A_267 : i32 to index
        %swap3A_269 = arith.index_cast %scan3A_231 : i32 to index
        %swap3A_270 = tpu.vector_load %arg9[%swap3A_268, %swap3A_269] masked %eq3A_266 {strides = array<i32>} : memref<8x144xi32, #tpu.memory_space<vmem>>, vector<16xi32>, vector<16xi1>
        tpu.vector_store %arg9[%swap3A_268, %swap3A_269], %add3A_251 masked %eq3A_266 {strides = array<i32>} : memref<8x144xi32, #tpu.memory_space<vmem>>, vector<16xi32>, vector<16xi1>
        %all_reduce_population_count3A_271 = tpu.all_reduce %eq3A_266 {dim = 0 : i64, kind = #tpu.reduction_kind<sum>} : vector<16xi1> -> vector<16xi32>
        %slice3A_272 = vector.extract_strided_slice %all_reduce_population_count3A_271 {offsets = [0], sizes = [1], strides = [1]} : vector<16xi32> to vector<1xi32>
        %squeeze3A_273 = vector.extract %slice3A_272[0] : i32 from vector<1xi32>
        %add3A_274 = arith.addi %scan3A_231, %squeeze3A_273 : i32
        %eq3A_275 = arith.constant 2 : i32
        %eq3A_276 = vector.broadcast %eq3A_275 : i32 to vector<16xi32>
        %eq3A_277 = arith.cmpi eq, %and3A_256, %eq3A_276 : vector<16xi32>
        %swap3A_278 = arith.constant 2 : i32
        %swap3A_279 = arith.index_cast %swap3A_278 : i32 to index
        %swap3A_280 = arith.index_cast %scan3A_232 : i32 to index
        %swap3A_281 = tpu.vector_load %arg9[%swap3A_279, %swap3A_280] masked %eq3A_277 {strides = array<i32>} : memref<8x144xi32, #tpu.memory_space<vmem>>, vector<16xi32>, vector<16xi1>
        tpu.vector_store %arg9[%swap3A_279, %swap3A_280], %add3A_251 masked %eq3A_277 {strides = array<i32>} : memref<8x144xi32, #tpu.memory_space<vmem>>, vector<16xi32>, vector<16xi1>
        %all_reduce_population_count3A_282 = tpu.all_reduce %eq3A_277 {dim = 0 : i64, kind = #tpu.reduction_kind<sum>} : vector<16xi1> -> vector<16xi32>
        %slice3A_283 = vector.extract_strided_slice %all_reduce_population_count3A_282 {offsets = [0], sizes = [1], strides = [1]} : vector<16xi32> to vector<1xi32>
        %squeeze3A_284 = vector.extract %slice3A_283[0] : i32 from vector<1xi32>
        %add3A_285 = arith.addi %scan3A_232, %squeeze3A_284 : i32
        %eq3A_286 = arith.constant 3 : i32
        %eq3A_287 = vector.broadcast %eq3A_286 : i32 to vector<16xi32>
        %eq3A_288 = arith.cmpi eq, %and3A_256, %eq3A_287 : vector<16xi32>
        %swap3A_289 = arith.constant 3 : i32
        %swap3A_290 = arith.index_cast %swap3A_289 : i32 to index
        %swap3A_291 = arith.index_cast %scan3A_233 : i32 to index
        %swap3A_292 = tpu.vector_load %arg9[%swap3A_290, %swap3A_291] masked %eq3A_288 {strides = array<i32>} : memref<8x144xi32, #tpu.memory_space<vmem>>, vector<16xi32>, vector<16xi1>
        tpu.vector_store %arg9[%swap3A_290, %swap3A_291], %add3A_251 masked %eq3A_288 {strides = array<i32>} : memref<8x144xi32, #tpu.memory_space<vmem>>, vector<16xi32>, vector<16xi1>
        %all_reduce_population_count3A_293 = tpu.all_reduce %eq3A_288 {dim = 0 : i64, kind = #tpu.reduction_kind<sum>} : vector<16xi1> -> vector<16xi32>
        %slice3A_294 = vector.extract_strided_slice %all_reduce_population_count3A_293 {offsets = [0], sizes = [1], strides = [1]} : vector<16xi32> to vector<1xi32>
        %squeeze3A_295 = vector.extract %slice3A_294[0] : i32 from vector<1xi32>
        %add3A_296 = arith.addi %scan3A_233, %squeeze3A_295 : i32
        %eq3A_297 = arith.constant 4 : i32
        %eq3A_298 = vector.broadcast %eq3A_297 : i32 to vector<16xi32>
        %eq3A_299 = arith.cmpi eq, %and3A_256, %eq3A_298 : vector<16xi32>
        %swap3A_300 = arith.constant 4 : i32
        %swap3A_301 = arith.index_cast %swap3A_300 : i32 to index
        %swap3A_302 = arith.index_cast %scan3A_234 : i32 to index
        %swap3A_303 = tpu.vector_load %arg9[%swap3A_301, %swap3A_302] masked %eq3A_299 {strides = array<i32>} : memref<8x144xi32, #tpu.memory_space<vmem>>, vector<16xi32>, vector<16xi1>
        tpu.vector_store %arg9[%swap3A_301, %swap3A_302], %add3A_251 masked %eq3A_299 {strides = array<i32>} : memref<8x144xi32, #tpu.memory_space<vmem>>, vector<16xi32>, vector<16xi1>
        %all_reduce_population_count3A_304 = tpu.all_reduce %eq3A_299 {dim = 0 : i64, kind = #tpu.reduction_kind<sum>} : vector<16xi1> -> vector<16xi32>
        %slice3A_305 = vector.extract_strided_slice %all_reduce_population_count3A_304 {offsets = [0], sizes = [1], strides = [1]} : vector<16xi32> to vector<1xi32>
        %squeeze3A_306 = vector.extract %slice3A_305[0] : i32 from vector<1xi32>
        %add3A_307 = arith.addi %scan3A_234, %squeeze3A_306 : i32
        %eq3A_308 = arith.constant 5 : i32
        %eq3A_309 = vector.broadcast %eq3A_308 : i32 to vector<16xi32>
        %eq3A_310 = arith.cmpi eq, %and3A_256, %eq3A_309 : vector<16xi32>
        %swap3A_311 = arith.constant 5 : i32
        %swap3A_312 = arith.index_cast %swap3A_311 : i32 to index
        %swap3A_313 = arith.index_cast %scan3A_235 : i32 to index
        %swap3A_314 = tpu.vector_load %arg9[%swap3A_312, %swap3A_313] masked %eq3A_310 {strides = array<i32>} : memref<8x144xi32, #tpu.memory_space<vmem>>, vector<16xi32>, vector<16xi1>
        tpu.vector_store %arg9[%swap3A_312, %swap3A_313], %add3A_251 masked %eq3A_310 {strides = array<i32>} : memref<8x144xi32, #tpu.memory_space<vmem>>, vector<16xi32>, vector<16xi1>
        %all_reduce_population_count3A_315 = tpu.all_reduce %eq3A_310 {dim = 0 : i64, kind = #tpu.reduction_kind<sum>} : vector<16xi1> -> vector<16xi32>
        %slice3A_316 = vector.extract_strided_slice %all_reduce_population_count3A_315 {offsets = [0], sizes = [1], strides = [1]} : vector<16xi32> to vector<1xi32>
        %squeeze3A_317 = vector.extract %slice3A_316[0] : i32 from vector<1xi32>
        %add3A_318 = arith.addi %scan3A_235, %squeeze3A_317 : i32
        %eq3A_319 = arith.constant 6 : i32
        %eq3A_320 = vector.broadcast %eq3A_319 : i32 to vector<16xi32>
        %eq3A_321 = arith.cmpi eq, %and3A_256, %eq3A_320 : vector<16xi32>
        %swap3A_322 = arith.constant 6 : i32
        %swap3A_323 = arith.index_cast %swap3A_322 : i32 to index
        %swap3A_324 = arith.index_cast %scan3A_236 : i32 to index
        %swap3A_325 = tpu.vector_load %arg9[%swap3A_323, %swap3A_324] masked %eq3A_321 {strides = array<i32>} : memref<8x144xi32, #tpu.memory_space<vmem>>, vector<16xi32>, vector<16xi1>
        tpu.vector_store %arg9[%swap3A_323, %swap3A_324], %add3A_251 masked %eq3A_321 {strides = array<i32>} : memref<8x144xi32, #tpu.memory_space<vmem>>, vector<16xi32>, vector<16xi1>
        %all_reduce_population_count3A_326 = tpu.all_reduce %eq3A_321 {dim = 0 : i64, kind = #tpu.reduction_kind<sum>} : vector<16xi1> -> vector<16xi32>
        %slice3A_327 = vector.extract_strided_slice %all_reduce_population_count3A_326 {offsets = [0], sizes = [1], strides = [1]} : vector<16xi32> to vector<1xi32>
        %squeeze3A_328 = vector.extract %slice3A_327[0] : i32 from vector<1xi32>
        %add3A_329 = arith.addi %scan3A_236, %squeeze3A_328 : i32
        %eq3A_330 = arith.constant 7 : i32
        %eq3A_331 = vector.broadcast %eq3A_330 : i32 to vector<16xi32>
        %eq3A_332 = arith.cmpi eq, %and3A_256, %eq3A_331 : vector<16xi32>
        %swap3A_333 = arith.constant 7 : i32
        %swap3A_334 = arith.index_cast %swap3A_333 : i32 to index
        %swap3A_335 = arith.index_cast %scan3A_237 : i32 to index
        %swap3A_336 = tpu.vector_load %arg9[%swap3A_334, %swap3A_335] masked %eq3A_332 {strides = array<i32>} : memref<8x144xi32, #tpu.memory_space<vmem>>, vector<16xi32>, vector<16xi1>
        tpu.vector_store %arg9[%swap3A_334, %swap3A_335], %add3A_251 masked %eq3A_332 {strides = array<i32>} : memref<8x144xi32, #tpu.memory_space<vmem>>, vector<16xi32>, vector<16xi1>
        %all_reduce_population_count3A_337 = tpu.all_reduce %eq3A_332 {dim = 0 : i64, kind = #tpu.reduction_kind<sum>} : vector<16xi1> -> vector<16xi32>
        %slice3A_338 = vector.extract_strided_slice %all_reduce_population_count3A_337 {offsets = [0], sizes = [1], strides = [1]} : vector<16xi32> to vector<1xi32>
        %squeeze3A_339 = vector.extract %slice3A_338[0] : i32 from vector<1xi32>
        %add3A_340 = arith.addi %scan3A_237, %squeeze3A_339 : i32
        scf.yield %add3A_263, %add3A_274, %add3A_285, %add3A_296, %add3A_307, %add3A_318, %add3A_329, %add3A_340 : i32, i32, i32, i32, i32, i32, i32, i32
      }
      %scan3A_78 = arith.constant 8 : i32
      %broadcast_in_dim3A = arith.constant 128 : i32
      %broadcast_in_dim3A_79 = vector.broadcast %broadcast_in_dim3A : i32 to vector<16xi32>
      %swap3A = arith.constant 0 : i32
      %swap3A_80 = arith.index_cast %swap3A : i32 to index
      %swap3A_81 = arith.index_cast %scan3A_77#0 : i32 to index
      %swap3A_82 = tpu.vector_load %arg9[%swap3A_80, %swap3A_81] {strides = array<i32>} : memref<8x144xi32, #tpu.memory_space<vmem>>, vector<16xi32>,
      tpu.vector_store %arg9[%swap3A_80, %swap3A_81], %broadcast_in_dim3A_79 {strides = array<i32>} : memref<8x144xi32, #tpu.memory_space<vmem>>, vector<16xi32>,
      %while3A = arith.constant 0 : i32
      %while3A_83 = arith.constant 0 : i32
      %while3A_84 = arith.subi %scan3A_77#0, %while3A_83 : i32
      %while3A_85 = arith.addi %while3A_83, %while3A_84 : i32
      %while3A_86 = arith.constant 1 : i32
      %while3A_87 = arith.divsi %while3A_84, %while3A_86 : i32
      %while3A_88 = arith.muli %while3A_87, %while3A_86 : i32
      %while3A_89 = arith.addi %while3A_83, %while3A_88 : i32
      %while3A_90 = arith.constant 1 : i32
      scf.for %while3A_229 = %while3A_83 to %while3A_89 step %while3A_90  : i32 {
        %get3A = arith.constant 0 : i32
        %get3A_230 = arith.index_cast %get3A : i32 to index
        %get3A_231 = arith.index_cast %while3A_229 : i32 to index
        %get3A_232 = tpu.vector_load %arg9[%get3A_230, %get3A_231] {strides = array<i32>} : memref<8x144xi32, #tpu.memory_space<vmem>>, vector<16xi32>,
        %slice3A = vector.extract_strided_slice %get3A_232 {offsets = [0], sizes = [1], strides = [1]} : vector<16xi32> to vector<1xi32>
        %squeeze3A = vector.extract %slice3A[0] : i32 from vector<1xi32>
        %shift_right_arithmetic3A = arith.constant 8 : i32
        %shift_right_arithmetic3A_233 = arith.shrsi %squeeze3A, %shift_right_arithmetic3A : i32
        %mul3A_234 = arith.constant 128 : i32
        %mul3A_235 = arith.muli %shift_right_arithmetic3A_233, %mul3A_234 : i32
        %multiple_of3A = tpu.assume_multiple %mul3A_235, 128 : i32
        %and3A = arith.constant 255 : i32
        %and3A_236 = arith.andi %squeeze3A, %and3A : i32
        %mul3A_237 = arith.constant 16 : i32
        %mul3A_238 = arith.muli %and3A_236, %mul3A_237 : i32
        %dma_start3A_239 = arith.constant 0 : i32
        %dma_start3A_240 = arith.constant 0 : i32
        %dma_start3A_241 = tpu.memref_slice %arg10[%dma_start3A_239, %dma_start3A_240, %mul3A_238] : memref<4x8x2064xf32, #tpu.memory_space<vmem>> -> memref<4x8x16xf32, #tpu.memory_space<vmem>>
        %dma_start3A_242 = arith.constant 0 : i32
        %dma_start3A_243 = arith.constant 0 : i32
        %dma_start3A_244 = tpu.memref_slice %arg5[%dma_start3A_242, %dma_start3A_243, %multiple_of3A] : memref<4x8x1000000xf32, #tpu.memory_space<hbm>> -> memref<4x8x128xf32, #tpu.memory_space<hbm>>
        %dma_start3A_245 = arith.constant 0 : i32
        %dma_start3A_246 = arith.constant 0 : i32
        %dma_start3A_247 = arith.constant 0 : i32
        %dma_start3A_248 = tpu.memref_slice %dma_start3A_244[%dma_start3A_245, %dma_start3A_246, %dma_start3A_247] : memref<4x8x128xf32, #tpu.memory_space<hbm>> -> memref<4x8x16xf32, #tpu.memory_space<hbm>>
        %dma_start3A_249 = arith.constant 0 : i32
        %dma_start3A_250 = arith.constant 0 : i32
        %dma_start3A_251 = tpu.memref_slice %arg10[%dma_start3A_249, %dma_start3A_250, %mul3A_238] : memref<4x8x2064xf32, #tpu.memory_space<vmem>> -> memref<4x8x16xf32, #tpu.memory_space<vmem>>
        %dma_start3A_252 = arith.constant 0 : i32
        %dma_start3A_253 = arith.constant 0 : i32
        %dma_start3A_254 = tpu.memref_slice %arg5[%dma_start3A_252, %dma_start3A_253, %multiple_of3A] : memref<4x8x1000000xf32, #tpu.memory_space<hbm>> -> memref<4x8x128xf32, #tpu.memory_space<hbm>>
        %dma_start3A_255 = arith.constant 0 : i32
        %dma_start3A_256 = arith.constant 0 : i32
        %dma_start3A_257 = arith.constant 0 : i32
        %dma_start3A_258 = tpu.memref_slice %dma_start3A_254[%dma_start3A_255, %dma_start3A_256, %dma_start3A_257] : memref<4x8x128xf32, #tpu.memory_space<hbm>> -> memref<4x8x16xf32, #tpu.memory_space<hbm>>
        tpu.enqueue_dma source(%dma_start3A_258 : memref<4x8x16xf32, #tpu.memory_space<hbm>>) target(%dma_start3A_251 : memref<4x8x16xf32, #tpu.memory_space<vmem>>) target_semaphore(%arg14 : memref<!tpu.dma_semaphore, #tpu.memory_space<semaphore_mem>>)
      }
      %while3A_91 = arith.constant 1 : i32
      scf.for %while3A_229 = %while3A_89 to %while3A_85 step %while3A_91  : i32 {
        %get3A = arith.constant 0 : i32
        %get3A_230 = arith.index_cast %get3A : i32 to index
        %get3A_231 = arith.index_cast %while3A_229 : i32 to index
        %get3A_232 = tpu.vector_load %arg9[%get3A_230, %get3A_231] {strides = array<i32>} : memref<8x144xi32, #tpu.memory_space<vmem>>, vector<16xi32>,
        %slice3A = vector.extract_strided_slice %get3A_232 {offsets = [0], sizes = [1], strides = [1]} : vector<16xi32> to vector<1xi32>
        %squeeze3A = vector.extract %slice3A[0] : i32 from vector<1xi32>
        %shift_right_arithmetic3A = arith.constant 8 : i32
        %shift_right_arithmetic3A_233 = arith.shrsi %squeeze3A, %shift_right_arithmetic3A : i32
        %mul3A_234 = arith.constant 128 : i32
        %mul3A_235 = arith.muli %shift_right_arithmetic3A_233, %mul3A_234 : i32
        %multiple_of3A = tpu.assume_multiple %mul3A_235, 128 : i32
        %and3A = arith.constant 255 : i32
        %and3A_236 = arith.andi %squeeze3A, %and3A : i32
        %mul3A_237 = arith.constant 16 : i32
        %mul3A_238 = arith.muli %and3A_236, %mul3A_237 : i32
        %dma_start3A_239 = arith.constant 0 : i32
        %dma_start3A_240 = arith.constant 0 : i32
        %dma_start3A_241 = tpu.memref_slice %arg10[%dma_start3A_239, %dma_start3A_240, %mul3A_238] : memref<4x8x2064xf32, #tpu.memory_space<vmem>> -> memref<4x8x16xf32, #tpu.memory_space<vmem>>
        %dma_start3A_242 = arith.constant 0 : i32
        %dma_start3A_243 = arith.constant 0 : i32
        %dma_start3A_244 = tpu.memref_slice %arg5[%dma_start3A_242, %dma_start3A_243, %multiple_of3A] : memref<4x8x1000000xf32, #tpu.memory_space<hbm>> -> memref<4x8x128xf32, #tpu.memory_space<hbm>>
        %dma_start3A_245 = arith.constant 0 : i32
        %dma_start3A_246 = arith.constant 0 : i32
        %dma_start3A_247 = arith.constant 0 : i32
        %dma_start3A_248 = tpu.memref_slice %dma_start3A_244[%dma_start3A_245, %dma_start3A_246, %dma_start3A_247] : memref<4x8x128xf32, #tpu.memory_space<hbm>> -> memref<4x8x16xf32, #tpu.memory_space<hbm>>
        %dma_start3A_249 = arith.constant 0 : i32
        %dma_start3A_250 = arith.constant 0 : i32
        %dma_start3A_251 = tpu.memref_slice %arg10[%dma_start3A_249, %dma_start3A_250, %mul3A_238] : memref<4x8x2064xf32, #tpu.memory_space<vmem>> -> memref<4x8x16xf32, #tpu.memory_space<vmem>>
        %dma_start3A_252 = arith.constant 0 : i32
        %dma_start3A_253 = arith.constant 0 : i32
        %dma_start3A_254 = tpu.memref_slice %arg5[%dma_start3A_252, %dma_start3A_253, %multiple_of3A] : memref<4x8x1000000xf32, #tpu.memory_space<hbm>> -> memref<4x8x128xf32, #tpu.memory_space<hbm>>
        %dma_start3A_255 = arith.constant 0 : i32
        %dma_start3A_256 = arith.constant 0 : i32
        %dma_start3A_257 = arith.constant 0 : i32
        %dma_start3A_258 = tpu.memref_slice %dma_start3A_254[%dma_start3A_255, %dma_start3A_256, %dma_start3A_257] : memref<4x8x128xf32, #tpu.memory_space<hbm>> -> memref<4x8x16xf32, #tpu.memory_space<hbm>>
        tpu.enqueue_dma source(%dma_start3A_258 : memref<4x8x16xf32, #tpu.memory_space<hbm>>) target(%dma_start3A_251 : memref<4x8x16xf32, #tpu.memory_space<vmem>>) target_semaphore(%arg14 : memref<!tpu.dma_semaphore, #tpu.memory_space<semaphore_mem>>)
      }
      %broadcast_in_dim3A_92 = arith.constant 128 : i32
      %broadcast_in_dim3A_93 = vector.broadcast %broadcast_in_dim3A_92 : i32 to vector<16xi32>
      %swap3A_94 = arith.constant 1 : i32
      %swap3A_95 = arith.index_cast %swap3A_94 : i32 to index
      %swap3A_96 = arith.index_cast %scan3A_77#1 : i32 to index
      %swap3A_97 = tpu.vector_load %arg9[%swap3A_95, %swap3A_96] {strides = array<i32>} : memref<8x144xi32, #tpu.memory_space<vmem>>, vector<16xi32>,
      tpu.vector_store %arg9[%swap3A_95, %swap3A_96], %broadcast_in_dim3A_93 {strides = array<i32>} : memref<8x144xi32, #tpu.memory_space<vmem>>, vector<16xi32>,
      %while3A_98 = arith.constant 0 : i32
      %while3A_99 = arith.constant 0 : i32
      %while3A_100 = arith.subi %scan3A_77#1, %while3A_99 : i32
      %while3A_101 = arith.addi %while3A_99, %while3A_100 : i32
      %while3A_102 = arith.constant 1 : i32
      %while3A_103 = arith.divsi %while3A_100, %while3A_102 : i32
      %while3A_104 = arith.muli %while3A_103, %while3A_102 : i32
      %while3A_105 = arith.addi %while3A_99, %while3A_104 : i32
      %while3A_106 = arith.constant 1 : i32
      scf.for %while3A_229 = %while3A_99 to %while3A_105 step %while3A_106  : i32 {
        %get3A = arith.constant 1 : i32
        %get3A_230 = arith.index_cast %get3A : i32 to index
        %get3A_231 = arith.index_cast %while3A_229 : i32 to index
        %get3A_232 = tpu.vector_load %arg9[%get3A_230, %get3A_231] {strides = array<i32>} : memref<8x144xi32, #tpu.memory_space<vmem>>, vector<16xi32>,
        %slice3A = vector.extract_strided_slice %get3A_232 {offsets = [0], sizes = [1], strides = [1]} : vector<16xi32> to vector<1xi32>
        %squeeze3A = vector.extract %slice3A[0] : i32 from vector<1xi32>
        %shift_right_arithmetic3A = arith.constant 8 : i32
        %shift_right_arithmetic3A_233 = arith.shrsi %squeeze3A, %shift_right_arithmetic3A : i32
        %mul3A_234 = arith.constant 128 : i32
        %mul3A_235 = arith.muli %shift_right_arithmetic3A_233, %mul3A_234 : i32
        %multiple_of3A = tpu.assume_multiple %mul3A_235, 128 : i32
        %and3A = arith.constant 255 : i32
        %and3A_236 = arith.andi %squeeze3A, %and3A : i32
        %mul3A_237 = arith.constant 16 : i32
        %mul3A_238 = arith.muli %and3A_236, %mul3A_237 : i32
        %dma_start3A_239 = arith.constant 0 : i32
        %dma_start3A_240 = arith.constant 0 : i32
        %dma_start3A_241 = tpu.memref_slice %arg10[%dma_start3A_239, %dma_start3A_240, %mul3A_238] : memref<4x8x2064xf32, #tpu.memory_space<vmem>> -> memref<4x8x16xf32, #tpu.memory_space<vmem>>
        %dma_start3A_242 = arith.constant 0 : i32
        %dma_start3A_243 = arith.constant 0 : i32
        %dma_start3A_244 = tpu.memref_slice %arg5[%dma_start3A_242, %dma_start3A_243, %multiple_of3A] : memref<4x8x1000000xf32, #tpu.memory_space<hbm>> -> memref<4x8x128xf32, #tpu.memory_space<hbm>>
        %dma_start3A_245 = arith.constant 0 : i32
        %dma_start3A_246 = arith.constant 0 : i32
        %dma_start3A_247 = arith.constant 16 : i32
        %dma_start3A_248 = tpu.memref_slice %dma_start3A_244[%dma_start3A_245, %dma_start3A_246, %dma_start3A_247] : memref<4x8x128xf32, #tpu.memory_space<hbm>> -> memref<4x8x16xf32, #tpu.memory_space<hbm>>
        %dma_start3A_249 = arith.constant 0 : i32
        %dma_start3A_250 = arith.constant 0 : i32
        %dma_start3A_251 = tpu.memref_slice %arg10[%dma_start3A_249, %dma_start3A_250, %mul3A_238] : memref<4x8x2064xf32, #tpu.memory_space<vmem>> -> memref<4x8x16xf32, #tpu.memory_space<vmem>>
        %dma_start3A_252 = arith.constant 0 : i32
        %dma_start3A_253 = arith.constant 0 : i32
        %dma_start3A_254 = tpu.memref_slice %arg5[%dma_start3A_252, %dma_start3A_253, %multiple_of3A] : memref<4x8x1000000xf32, #tpu.memory_space<hbm>> -> memref<4x8x128xf32, #tpu.memory_space<hbm>>
        %dma_start3A_255 = arith.constant 0 : i32
        %dma_start3A_256 = arith.constant 0 : i32
        %dma_start3A_257 = arith.constant 16 : i32
        %dma_start3A_258 = tpu.memref_slice %dma_start3A_254[%dma_start3A_255, %dma_start3A_256, %dma_start3A_257] : memref<4x8x128xf32, #tpu.memory_space<hbm>> -> memref<4x8x16xf32, #tpu.memory_space<hbm>>
        tpu.enqueue_dma source(%dma_start3A_258 : memref<4x8x16xf32, #tpu.memory_space<hbm>>) target(%dma_start3A_251 : memref<4x8x16xf32, #tpu.memory_space<vmem>>) target_semaphore(%arg14 : memref<!tpu.dma_semaphore, #tpu.memory_space<semaphore_mem>>)
      }
      %while3A_107 = arith.constant 1 : i32
      scf.for %while3A_229 = %while3A_105 to %while3A_101 step %while3A_107  : i32 {
        %get3A = arith.constant 1 : i32
        %get3A_230 = arith.index_cast %get3A : i32 to index
        %get3A_231 = arith.index_cast %while3A_229 : i32 to index
        %get3A_232 = tpu.vector_load %arg9[%get3A_230, %get3A_231] {strides = array<i32>} : memref<8x144xi32, #tpu.memory_space<vmem>>, vector<16xi32>,
        %slice3A = vector.extract_strided_slice %get3A_232 {offsets = [0], sizes = [1], strides = [1]} : vector<16xi32> to vector<1xi32>
        %squeeze3A = vector.extract %slice3A[0] : i32 from vector<1xi32>
        %shift_right_arithmetic3A = arith.constant 8 : i32
        %shift_right_arithmetic3A_233 = arith.shrsi %squeeze3A, %shift_right_arithmetic3A : i32
        %mul3A_234 = arith.constant 128 : i32
        %mul3A_235 = arith.muli %shift_right_arithmetic3A_233, %mul3A_234 : i32
        %multiple_of3A = tpu.assume_multiple %mul3A_235, 128 : i32
        %and3A = arith.constant 255 : i32
        %and3A_236 = arith.andi %squeeze3A, %and3A : i32
        %mul3A_237 = arith.constant 16 : i32
        %mul3A_238 = arith.muli %and3A_236, %mul3A_237 : i32
        %dma_start3A_239 = arith.constant 0 : i32
        %dma_start3A_240 = arith.constant 0 : i32
        %dma_start3A_241 = tpu.memref_slice %arg10[%dma_start3A_239, %dma_start3A_240, %mul3A_238] : memref<4x8x2064xf32, #tpu.memory_space<vmem>> -> memref<4x8x16xf32, #tpu.memory_space<vmem>>
        %dma_start3A_242 = arith.constant 0 : i32
        %dma_start3A_243 = arith.constant 0 : i32
        %dma_start3A_244 = tpu.memref_slice %arg5[%dma_start3A_242, %dma_start3A_243, %multiple_of3A] : memref<4x8x1000000xf32, #tpu.memory_space<hbm>> -> memref<4x8x128xf32, #tpu.memory_space<hbm>>
        %dma_start3A_245 = arith.constant 0 : i32
        %dma_start3A_246 = arith.constant 0 : i32
        %dma_start3A_247 = arith.constant 16 : i32
        %dma_start3A_248 = tpu.memref_slice %dma_start3A_244[%dma_start3A_245, %dma_start3A_246, %dma_start3A_247] : memref<4x8x128xf32, #tpu.memory_space<hbm>> -> memref<4x8x16xf32, #tpu.memory_space<hbm>>
        %dma_start3A_249 = arith.constant 0 : i32
        %dma_start3A_250 = arith.constant 0 : i32
        %dma_start3A_251 = tpu.memref_slice %arg10[%dma_start3A_249, %dma_start3A_250, %mul3A_238] : memref<4x8x2064xf32, #tpu.memory_space<vmem>> -> memref<4x8x16xf32, #tpu.memory_space<vmem>>
        %dma_start3A_252 = arith.constant 0 : i32
        %dma_start3A_253 = arith.constant 0 : i32
        %dma_start3A_254 = tpu.memref_slice %arg5[%dma_start3A_252, %dma_start3A_253, %multiple_of3A] : memref<4x8x1000000xf32, #tpu.memory_space<hbm>> -> memref<4x8x128xf32, #tpu.memory_space<hbm>>
        %dma_start3A_255 = arith.constant 0 : i32
        %dma_start3A_256 = arith.constant 0 : i32
        %dma_start3A_257 = arith.constant 16 : i32
        %dma_start3A_258 = tpu.memref_slice %dma_start3A_254[%dma_start3A_255, %dma_start3A_256, %dma_start3A_257] : memref<4x8x128xf32, #tpu.memory_space<hbm>> -> memref<4x8x16xf32, #tpu.memory_space<hbm>>
        tpu.enqueue_dma source(%dma_start3A_258 : memref<4x8x16xf32, #tpu.memory_space<hbm>>) target(%dma_start3A_251 : memref<4x8x16xf32, #tpu.memory_space<vmem>>) target_semaphore(%arg14 : memref<!tpu.dma_semaphore, #tpu.memory_space<semaphore_mem>>)
      }
      %broadcast_in_dim3A_108 = arith.constant 128 : i32
      %broadcast_in_dim3A_109 = vector.broadcast %broadcast_in_dim3A_108 : i32 to vector<16xi32>
      %swap3A_110 = arith.constant 2 : i32
      %swap3A_111 = arith.index_cast %swap3A_110 : i32 to index
      %swap3A_112 = arith.index_cast %scan3A_77#2 : i32 to index
      %swap3A_113 = tpu.vector_load %arg9[%swap3A_111, %swap3A_112] {strides = array<i32>} : memref<8x144xi32, #tpu.memory_space<vmem>>, vector<16xi32>,
      tpu.vector_store %arg9[%swap3A_111, %swap3A_112], %broadcast_in_dim3A_109 {strides = array<i32>} : memref<8x144xi32, #tpu.memory_space<vmem>>, vector<16xi32>,
      %while3A_114 = arith.constant 0 : i32
      %while3A_115 = arith.constant 0 : i32
      %while3A_116 = arith.subi %scan3A_77#2, %while3A_115 : i32
      %while3A_117 = arith.addi %while3A_115, %while3A_116 : i32
      %while3A_118 = arith.constant 1 : i32
      %while3A_119 = arith.divsi %while3A_116, %while3A_118 : i32
      %while3A_120 = arith.muli %while3A_119, %while3A_118 : i32
      %while3A_121 = arith.addi %while3A_115, %while3A_120 : i32
      %while3A_122 = arith.constant 1 : i32
      scf.for %while3A_229 = %while3A_115 to %while3A_121 step %while3A_122  : i32 {
        %get3A = arith.constant 2 : i32
        %get3A_230 = arith.index_cast %get3A : i32 to index
        %get3A_231 = arith.index_cast %while3A_229 : i32 to index
        %get3A_232 = tpu.vector_load %arg9[%get3A_230, %get3A_231] {strides = array<i32>} : memref<8x144xi32, #tpu.memory_space<vmem>>, vector<16xi32>,
        %slice3A = vector.extract_strided_slice %get3A_232 {offsets = [0], sizes = [1], strides = [1]} : vector<16xi32> to vector<1xi32>
        %squeeze3A = vector.extract %slice3A[0] : i32 from vector<1xi32>
        %shift_right_arithmetic3A = arith.constant 8 : i32
        %shift_right_arithmetic3A_233 = arith.shrsi %squeeze3A, %shift_right_arithmetic3A : i32
        %mul3A_234 = arith.constant 128 : i32
        %mul3A_235 = arith.muli %shift_right_arithmetic3A_233, %mul3A_234 : i32
        %multiple_of3A = tpu.assume_multiple %mul3A_235, 128 : i32
        %and3A = arith.constant 255 : i32
        %and3A_236 = arith.andi %squeeze3A, %and3A : i32
        %mul3A_237 = arith.constant 16 : i32
        %mul3A_238 = arith.muli %and3A_236, %mul3A_237 : i32
        %dma_start3A_239 = arith.constant 0 : i32
        %dma_start3A_240 = arith.constant 0 : i32
        %dma_start3A_241 = tpu.memref_slice %arg10[%dma_start3A_239, %dma_start3A_240, %mul3A_238] : memref<4x8x2064xf32, #tpu.memory_space<vmem>> -> memref<4x8x16xf32, #tpu.memory_space<vmem>>
        %dma_start3A_242 = arith.constant 0 : i32
        %dma_start3A_243 = arith.constant 0 : i32
        %dma_start3A_244 = tpu.memref_slice %arg5[%dma_start3A_242, %dma_start3A_243, %multiple_of3A] : memref<4x8x1000000xf32, #tpu.memory_space<hbm>> -> memref<4x8x128xf32, #tpu.memory_space<hbm>>
        %dma_start3A_245 = arith.constant 0 : i32
        %dma_start3A_246 = arith.constant 0 : i32
        %dma_start3A_247 = arith.constant 32 : i32
        %dma_start3A_248 = tpu.memref_slice %dma_start3A_244[%dma_start3A_245, %dma_start3A_246, %dma_start3A_247] : memref<4x8x128xf32, #tpu.memory_space<hbm>> -> memref<4x8x16xf32, #tpu.memory_space<hbm>>
        %dma_start3A_249 = arith.constant 0 : i32
        %dma_start3A_250 = arith.constant 0 : i32
        %dma_start3A_251 = tpu.memref_slice %arg10[%dma_start3A_249, %dma_start3A_250, %mul3A_238] : memref<4x8x2064xf32, #tpu.memory_space<vmem>> -> memref<4x8x16xf32, #tpu.memory_space<vmem>>
        %dma_start3A_252 = arith.constant 0 : i32
        %dma_start3A_253 = arith.constant 0 : i32
        %dma_start3A_254 = tpu.memref_slice %arg5[%dma_start3A_252, %dma_start3A_253, %multiple_of3A] : memref<4x8x1000000xf32, #tpu.memory_space<hbm>> -> memref<4x8x128xf32, #tpu.memory_space<hbm>>
        %dma_start3A_255 = arith.constant 0 : i32
        %dma_start3A_256 = arith.constant 0 : i32
        %dma_start3A_257 = arith.constant 32 : i32
        %dma_start3A_258 = tpu.memref_slice %dma_start3A_254[%dma_start3A_255, %dma_start3A_256, %dma_start3A_257] : memref<4x8x128xf32, #tpu.memory_space<hbm>> -> memref<4x8x16xf32, #tpu.memory_space<hbm>>
        tpu.enqueue_dma source(%dma_start3A_258 : memref<4x8x16xf32, #tpu.memory_space<hbm>>) target(%dma_start3A_251 : memref<4x8x16xf32, #tpu.memory_space<vmem>>) target_semaphore(%arg14 : memref<!tpu.dma_semaphore, #tpu.memory_space<semaphore_mem>>)
      }
      %while3A_123 = arith.constant 1 : i32
      scf.for %while3A_229 = %while3A_121 to %while3A_117 step %while3A_123  : i32 {
        %get3A = arith.constant 2 : i32
        %get3A_230 = arith.index_cast %get3A : i32 to index
        %get3A_231 = arith.index_cast %while3A_229 : i32 to index
        %get3A_232 = tpu.vector_load %arg9[%get3A_230, %get3A_231] {strides = array<i32>} : memref<8x144xi32, #tpu.memory_space<vmem>>, vector<16xi32>,
        %slice3A = vector.extract_strided_slice %get3A_232 {offsets = [0], sizes = [1], strides = [1]} : vector<16xi32> to vector<1xi32>
        %squeeze3A = vector.extract %slice3A[0] : i32 from vector<1xi32>
        %shift_right_arithmetic3A = arith.constant 8 : i32
        %shift_right_arithmetic3A_233 = arith.shrsi %squeeze3A, %shift_right_arithmetic3A : i32
        %mul3A_234 = arith.constant 128 : i32
        %mul3A_235 = arith.muli %shift_right_arithmetic3A_233, %mul3A_234 : i32
        %multiple_of3A = tpu.assume_multiple %mul3A_235, 128 : i32
        %and3A = arith.constant 255 : i32
        %and3A_236 = arith.andi %squeeze3A, %and3A : i32
        %mul3A_237 = arith.constant 16 : i32
        %mul3A_238 = arith.muli %and3A_236, %mul3A_237 : i32
        %dma_start3A_239 = arith.constant 0 : i32
        %dma_start3A_240 = arith.constant 0 : i32
        %dma_start3A_241 = tpu.memref_slice %arg10[%dma_start3A_239, %dma_start3A_240, %mul3A_238] : memref<4x8x2064xf32, #tpu.memory_space<vmem>> -> memref<4x8x16xf32, #tpu.memory_space<vmem>>
        %dma_start3A_242 = arith.constant 0 : i32
        %dma_start3A_243 = arith.constant 0 : i32
        %dma_start3A_244 = tpu.memref_slice %arg5[%dma_start3A_242, %dma_start3A_243, %multiple_of3A] : memref<4x8x1000000xf32, #tpu.memory_space<hbm>> -> memref<4x8x128xf32, #tpu.memory_space<hbm>>
        %dma_start3A_245 = arith.constant 0 : i32
        %dma_start3A_246 = arith.constant 0 : i32
        %dma_start3A_247 = arith.constant 32 : i32
        %dma_start3A_248 = tpu.memref_slice %dma_start3A_244[%dma_start3A_245, %dma_start3A_246, %dma_start3A_247] : memref<4x8x128xf32, #tpu.memory_space<hbm>> -> memref<4x8x16xf32, #tpu.memory_space<hbm>>
        %dma_start3A_249 = arith.constant 0 : i32
        %dma_start3A_250 = arith.constant 0 : i32
        %dma_start3A_251 = tpu.memref_slice %arg10[%dma_start3A_249, %dma_start3A_250, %mul3A_238] : memref<4x8x2064xf32, #tpu.memory_space<vmem>> -> memref<4x8x16xf32, #tpu.memory_space<vmem>>
        %dma_start3A_252 = arith.constant 0 : i32
        %dma_start3A_253 = arith.constant 0 : i32
        %dma_start3A_254 = tpu.memref_slice %arg5[%dma_start3A_252, %dma_start3A_253, %multiple_of3A] : memref<4x8x1000000xf32, #tpu.memory_space<hbm>> -> memref<4x8x128xf32, #tpu.memory_space<hbm>>
        %dma_start3A_255 = arith.constant 0 : i32
        %dma_start3A_256 = arith.constant 0 : i32
        %dma_start3A_257 = arith.constant 32 : i32
        %dma_start3A_258 = tpu.memref_slice %dma_start3A_254[%dma_start3A_255, %dma_start3A_256, %dma_start3A_257] : memref<4x8x128xf32, #tpu.memory_space<hbm>> -> memref<4x8x16xf32, #tpu.memory_space<hbm>>
        tpu.enqueue_dma source(%dma_start3A_258 : memref<4x8x16xf32, #tpu.memory_space<hbm>>) target(%dma_start3A_251 : memref<4x8x16xf32, #tpu.memory_space<vmem>>) target_semaphore(%arg14 : memref<!tpu.dma_semaphore, #tpu.memory_space<semaphore_mem>>)
      }
      %broadcast_in_dim3A_124 = arith.constant 128 : i32
      %broadcast_in_dim3A_125 = vector.broadcast %broadcast_in_dim3A_124 : i32 to vector<16xi32>
      %swap3A_126 = arith.constant 3 : i32
      %swap3A_127 = arith.index_cast %swap3A_126 : i32 to index
      %swap3A_128 = arith.index_cast %scan3A_77#3 : i32 to index
      %swap3A_129 = tpu.vector_load %arg9[%swap3A_127, %swap3A_128] {strides = array<i32>} : memref<8x144xi32, #tpu.memory_space<vmem>>, vector<16xi32>,
      tpu.vector_store %arg9[%swap3A_127, %swap3A_128], %broadcast_in_dim3A_125 {strides = array<i32>} : memref<8x144xi32, #tpu.memory_space<vmem>>, vector<16xi32>,
      %while3A_130 = arith.constant 0 : i32
      %while3A_131 = arith.constant 0 : i32
      %while3A_132 = arith.subi %scan3A_77#3, %while3A_131 : i32
      %while3A_133 = arith.addi %while3A_131, %while3A_132 : i32
      %while3A_134 = arith.constant 1 : i32
      %while3A_135 = arith.divsi %while3A_132, %while3A_134 : i32
      %while3A_136 = arith.muli %while3A_135, %while3A_134 : i32
      %while3A_137 = arith.addi %while3A_131, %while3A_136 : i32
      %while3A_138 = arith.constant 1 : i32
      scf.for %while3A_229 = %while3A_131 to %while3A_137 step %while3A_138  : i32 {
        %get3A = arith.constant 3 : i32
        %get3A_230 = arith.index_cast %get3A : i32 to index
        %get3A_231 = arith.index_cast %while3A_229 : i32 to index
        %get3A_232 = tpu.vector_load %arg9[%get3A_230, %get3A_231] {strides = array<i32>} : memref<8x144xi32, #tpu.memory_space<vmem>>, vector<16xi32>,
        %slice3A = vector.extract_strided_slice %get3A_232 {offsets = [0], sizes = [1], strides = [1]} : vector<16xi32> to vector<1xi32>
        %squeeze3A = vector.extract %slice3A[0] : i32 from vector<1xi32>
        %shift_right_arithmetic3A = arith.constant 8 : i32
        %shift_right_arithmetic3A_233 = arith.shrsi %squeeze3A, %shift_right_arithmetic3A : i32
        %mul3A_234 = arith.constant 128 : i32
        %mul3A_235 = arith.muli %shift_right_arithmetic3A_233, %mul3A_234 : i32
        %multiple_of3A = tpu.assume_multiple %mul3A_235, 128 : i32
        %and3A = arith.constant 255 : i32
        %and3A_236 = arith.andi %squeeze3A, %and3A : i32
        %mul3A_237 = arith.constant 16 : i32
        %mul3A_238 = arith.muli %and3A_236, %mul3A_237 : i32
        %dma_start3A_239 = arith.constant 0 : i32
        %dma_start3A_240 = arith.constant 0 : i32
        %dma_start3A_241 = tpu.memref_slice %arg10[%dma_start3A_239, %dma_start3A_240, %mul3A_238] : memref<4x8x2064xf32, #tpu.memory_space<vmem>> -> memref<4x8x16xf32, #tpu.memory_space<vmem>>
        %dma_start3A_242 = arith.constant 0 : i32
        %dma_start3A_243 = arith.constant 0 : i32
        %dma_start3A_244 = tpu.memref_slice %arg5[%dma_start3A_242, %dma_start3A_243, %multiple_of3A] : memref<4x8x1000000xf32, #tpu.memory_space<hbm>> -> memref<4x8x128xf32, #tpu.memory_space<hbm>>
        %dma_start3A_245 = arith.constant 0 : i32
        %dma_start3A_246 = arith.constant 0 : i32
        %dma_start3A_247 = arith.constant 48 : i32
        %dma_start3A_248 = tpu.memref_slice %dma_start3A_244[%dma_start3A_245, %dma_start3A_246, %dma_start3A_247] : memref<4x8x128xf32, #tpu.memory_space<hbm>> -> memref<4x8x16xf32, #tpu.memory_space<hbm>>
        %dma_start3A_249 = arith.constant 0 : i32
        %dma_start3A_250 = arith.constant 0 : i32
        %dma_start3A_251 = tpu.memref_slice %arg10[%dma_start3A_249, %dma_start3A_250, %mul3A_238] : memref<4x8x2064xf32, #tpu.memory_space<vmem>> -> memref<4x8x16xf32, #tpu.memory_space<vmem>>
        %dma_start3A_252 = arith.constant 0 : i32
        %dma_start3A_253 = arith.constant 0 : i32
        %dma_start3A_254 = tpu.memref_slice %arg5[%dma_start3A_252, %dma_start3A_253, %multiple_of3A] : memref<4x8x1000000xf32, #tpu.memory_space<hbm>> -> memref<4x8x128xf32, #tpu.memory_space<hbm>>
        %dma_start3A_255 = arith.constant 0 : i32
        %dma_start3A_256 = arith.constant 0 : i32
        %dma_start3A_257 = arith.constant 48 : i32
        %dma_start3A_258 = tpu.memref_slice %dma_start3A_254[%dma_start3A_255, %dma_start3A_256, %dma_start3A_257] : memref<4x8x128xf32, #tpu.memory_space<hbm>> -> memref<4x8x16xf32, #tpu.memory_space<hbm>>
        tpu.enqueue_dma source(%dma_start3A_258 : memref<4x8x16xf32, #tpu.memory_space<hbm>>) target(%dma_start3A_251 : memref<4x8x16xf32, #tpu.memory_space<vmem>>) target_semaphore(%arg14 : memref<!tpu.dma_semaphore, #tpu.memory_space<semaphore_mem>>)
      }
      %while3A_139 = arith.constant 1 : i32
      scf.for %while3A_229 = %while3A_137 to %while3A_133 step %while3A_139  : i32 {
        %get3A = arith.constant 3 : i32
        %get3A_230 = arith.index_cast %get3A : i32 to index
        %get3A_231 = arith.index_cast %while3A_229 : i32 to index
        %get3A_232 = tpu.vector_load %arg9[%get3A_230, %get3A_231] {strides = array<i32>} : memref<8x144xi32, #tpu.memory_space<vmem>>, vector<16xi32>,
        %slice3A = vector.extract_strided_slice %get3A_232 {offsets = [0], sizes = [1], strides = [1]} : vector<16xi32> to vector<1xi32>
        %squeeze3A = vector.extract %slice3A[0] : i32 from vector<1xi32>
        %shift_right_arithmetic3A = arith.constant 8 : i32
        %shift_right_arithmetic3A_233 = arith.shrsi %squeeze3A, %shift_right_arithmetic3A : i32
        %mul3A_234 = arith.constant 128 : i32
        %mul3A_235 = arith.muli %shift_right_arithmetic3A_233, %mul3A_234 : i32
        %multiple_of3A = tpu.assume_multiple %mul3A_235, 128 : i32
        %and3A = arith.constant 255 : i32
        %and3A_236 = arith.andi %squeeze3A, %and3A : i32
        %mul3A_237 = arith.constant 16 : i32
        %mul3A_238 = arith.muli %and3A_236, %mul3A_237 : i32
        %dma_start3A_239 = arith.constant 0 : i32
        %dma_start3A_240 = arith.constant 0 : i32
        %dma_start3A_241 = tpu.memref_slice %arg10[%dma_start3A_239, %dma_start3A_240, %mul3A_238] : memref<4x8x2064xf32, #tpu.memory_space<vmem>> -> memref<4x8x16xf32, #tpu.memory_space<vmem>>
        %dma_start3A_242 = arith.constant 0 : i32
        %dma_start3A_243 = arith.constant 0 : i32
        %dma_start3A_244 = tpu.memref_slice %arg5[%dma_start3A_242, %dma_start3A_243, %multiple_of3A] : memref<4x8x1000000xf32, #tpu.memory_space<hbm>> -> memref<4x8x128xf32, #tpu.memory_space<hbm>>
        %dma_start3A_245 = arith.constant 0 : i32
        %dma_start3A_246 = arith.constant 0 : i32
        %dma_start3A_247 = arith.constant 48 : i32
        %dma_start3A_248 = tpu.memref_slice %dma_start3A_244[%dma_start3A_245, %dma_start3A_246, %dma_start3A_247] : memref<4x8x128xf32, #tpu.memory_space<hbm>> -> memref<4x8x16xf32, #tpu.memory_space<hbm>>
        %dma_start3A_249 = arith.constant 0 : i32
        %dma_start3A_250 = arith.constant 0 : i32
        %dma_start3A_251 = tpu.memref_slice %arg10[%dma_start3A_249, %dma_start3A_250, %mul3A_238] : memref<4x8x2064xf32, #tpu.memory_space<vmem>> -> memref<4x8x16xf32, #tpu.memory_space<vmem>>
        %dma_start3A_252 = arith.constant 0 : i32
        %dma_start3A_253 = arith.constant 0 : i32
        %dma_start3A_254 = tpu.memref_slice %arg5[%dma_start3A_252, %dma_start3A_253, %multiple_of3A] : memref<4x8x1000000xf32, #tpu.memory_space<hbm>> -> memref<4x8x128xf32, #tpu.memory_space<hbm>>
        %dma_start3A_255 = arith.constant 0 : i32
        %dma_start3A_256 = arith.constant 0 : i32
        %dma_start3A_257 = arith.constant 48 : i32
        %dma_start3A_258 = tpu.memref_slice %dma_start3A_254[%dma_start3A_255, %dma_start3A_256, %dma_start3A_257] : memref<4x8x128xf32, #tpu.memory_space<hbm>> -> memref<4x8x16xf32, #tpu.memory_space<hbm>>
        tpu.enqueue_dma source(%dma_start3A_258 : memref<4x8x16xf32, #tpu.memory_space<hbm>>) target(%dma_start3A_251 : memref<4x8x16xf32, #tpu.memory_space<vmem>>) target_semaphore(%arg14 : memref<!tpu.dma_semaphore, #tpu.memory_space<semaphore_mem>>)
      }
      %broadcast_in_dim3A_140 = arith.constant 128 : i32
      %broadcast_in_dim3A_141 = vector.broadcast %broadcast_in_dim3A_140 : i32 to vector<16xi32>
      %swap3A_142 = arith.constant 4 : i32
      %swap3A_143 = arith.index_cast %swap3A_142 : i32 to index
      %swap3A_144 = arith.index_cast %scan3A_77#4 : i32 to index
      %swap3A_145 = tpu.vector_load %arg9[%swap3A_143, %swap3A_144] {strides = array<i32>} : memref<8x144xi32, #tpu.memory_space<vmem>>, vector<16xi32>,
      tpu.vector_store %arg9[%swap3A_143, %swap3A_144], %broadcast_in_dim3A_141 {strides = array<i32>} : memref<8x144xi32, #tpu.memory_space<vmem>>, vector<16xi32>,
      %while3A_146 = arith.constant 0 : i32
      %while3A_147 = arith.constant 0 : i32
      %while3A_148 = arith.subi %scan3A_77#4, %while3A_147 : i32
      %while3A_149 = arith.addi %while3A_147, %while3A_148 : i32
      %while3A_150 = arith.constant 1 : i32
      %while3A_151 = arith.divsi %while3A_148, %while3A_150 : i32
      %while3A_152 = arith.muli %while3A_151, %while3A_150 : i32
      %while3A_153 = arith.addi %while3A_147, %while3A_152 : i32
      %while3A_154 = arith.constant 1 : i32
      scf.for %while3A_229 = %while3A_147 to %while3A_153 step %while3A_154  : i32 {
        %get3A = arith.constant 4 : i32
        %get3A_230 = arith.index_cast %get3A : i32 to index
        %get3A_231 = arith.index_cast %while3A_229 : i32 to index
        %get3A_232 = tpu.vector_load %arg9[%get3A_230, %get3A_231] {strides = array<i32>} : memref<8x144xi32, #tpu.memory_space<vmem>>, vector<16xi32>,
        %slice3A = vector.extract_strided_slice %get3A_232 {offsets = [0], sizes = [1], strides = [1]} : vector<16xi32> to vector<1xi32>
        %squeeze3A = vector.extract %slice3A[0] : i32 from vector<1xi32>
        %shift_right_arithmetic3A = arith.constant 8 : i32
        %shift_right_arithmetic3A_233 = arith.shrsi %squeeze3A, %shift_right_arithmetic3A : i32
        %mul3A_234 = arith.constant 128 : i32
        %mul3A_235 = arith.muli %shift_right_arithmetic3A_233, %mul3A_234 : i32
        %multiple_of3A = tpu.assume_multiple %mul3A_235, 128 : i32
        %and3A = arith.constant 255 : i32
        %and3A_236 = arith.andi %squeeze3A, %and3A : i32
        %mul3A_237 = arith.constant 16 : i32
        %mul3A_238 = arith.muli %and3A_236, %mul3A_237 : i32
        %dma_start3A_239 = arith.constant 0 : i32
        %dma_start3A_240 = arith.constant 0 : i32
        %dma_start3A_241 = tpu.memref_slice %arg10[%dma_start3A_239, %dma_start3A_240, %mul3A_238] : memref<4x8x2064xf32, #tpu.memory_space<vmem>> -> memref<4x8x16xf32, #tpu.memory_space<vmem>>
        %dma_start3A_242 = arith.constant 0 : i32
        %dma_start3A_243 = arith.constant 0 : i32
        %dma_start3A_244 = tpu.memref_slice %arg5[%dma_start3A_242, %dma_start3A_243, %multiple_of3A] : memref<4x8x1000000xf32, #tpu.memory_space<hbm>> -> memref<4x8x128xf32, #tpu.memory_space<hbm>>
        %dma_start3A_245 = arith.constant 0 : i32
        %dma_start3A_246 = arith.constant 0 : i32
        %dma_start3A_247 = arith.constant 64 : i32
        %dma_start3A_248 = tpu.memref_slice %dma_start3A_244[%dma_start3A_245, %dma_start3A_246, %dma_start3A_247] : memref<4x8x128xf32, #tpu.memory_space<hbm>> -> memref<4x8x16xf32, #tpu.memory_space<hbm>>
        %dma_start3A_249 = arith.constant 0 : i32
        %dma_start3A_250 = arith.constant 0 : i32
        %dma_start3A_251 = tpu.memref_slice %arg10[%dma_start3A_249, %dma_start3A_250, %mul3A_238] : memref<4x8x2064xf32, #tpu.memory_space<vmem>> -> memref<4x8x16xf32, #tpu.memory_space<vmem>>
        %dma_start3A_252 = arith.constant 0 : i32
        %dma_start3A_253 = arith.constant 0 : i32
        %dma_start3A_254 = tpu.memref_slice %arg5[%dma_start3A_252, %dma_start3A_253, %multiple_of3A] : memref<4x8x1000000xf32, #tpu.memory_space<hbm>> -> memref<4x8x128xf32, #tpu.memory_space<hbm>>
        %dma_start3A_255 = arith.constant 0 : i32
        %dma_start3A_256 = arith.constant 0 : i32
        %dma_start3A_257 = arith.constant 64 : i32
        %dma_start3A_258 = tpu.memref_slice %dma_start3A_254[%dma_start3A_255, %dma_start3A_256, %dma_start3A_257] : memref<4x8x128xf32, #tpu.memory_space<hbm>> -> memref<4x8x16xf32, #tpu.memory_space<hbm>>
        tpu.enqueue_dma source(%dma_start3A_258 : memref<4x8x16xf32, #tpu.memory_space<hbm>>) target(%dma_start3A_251 : memref<4x8x16xf32, #tpu.memory_space<vmem>>) target_semaphore(%arg14 : memref<!tpu.dma_semaphore, #tpu.memory_space<semaphore_mem>>)
      }
      %while3A_155 = arith.constant 1 : i32
      scf.for %while3A_229 = %while3A_153 to %while3A_149 step %while3A_155  : i32 {
        %get3A = arith.constant 4 : i32
        %get3A_230 = arith.index_cast %get3A : i32 to index
        %get3A_231 = arith.index_cast %while3A_229 : i32 to index
        %get3A_232 = tpu.vector_load %arg9[%get3A_230, %get3A_231] {strides = array<i32>} : memref<8x144xi32, #tpu.memory_space<vmem>>, vector<16xi32>,
        %slice3A = vector.extract_strided_slice %get3A_232 {offsets = [0], sizes = [1], strides = [1]} : vector<16xi32> to vector<1xi32>
        %squeeze3A = vector.extract %slice3A[0] : i32 from vector<1xi32>
        %shift_right_arithmetic3A = arith.constant 8 : i32
        %shift_right_arithmetic3A_233 = arith.shrsi %squeeze3A, %shift_right_arithmetic3A : i32
        %mul3A_234 = arith.constant 128 : i32
        %mul3A_235 = arith.muli %shift_right_arithmetic3A_233, %mul3A_234 : i32
        %multiple_of3A = tpu.assume_multiple %mul3A_235, 128 : i32
        %and3A = arith.constant 255 : i32
        %and3A_236 = arith.andi %squeeze3A, %and3A : i32
        %mul3A_237 = arith.constant 16 : i32
        %mul3A_238 = arith.muli %and3A_236, %mul3A_237 : i32
        %dma_start3A_239 = arith.constant 0 : i32
        %dma_start3A_240 = arith.constant 0 : i32
        %dma_start3A_241 = tpu.memref_slice %arg10[%dma_start3A_239, %dma_start3A_240, %mul3A_238] : memref<4x8x2064xf32, #tpu.memory_space<vmem>> -> memref<4x8x16xf32, #tpu.memory_space<vmem>>
        %dma_start3A_242 = arith.constant 0 : i32
        %dma_start3A_243 = arith.constant 0 : i32
        %dma_start3A_244 = tpu.memref_slice %arg5[%dma_start3A_242, %dma_start3A_243, %multiple_of3A] : memref<4x8x1000000xf32, #tpu.memory_space<hbm>> -> memref<4x8x128xf32, #tpu.memory_space<hbm>>
        %dma_start3A_245 = arith.constant 0 : i32
        %dma_start3A_246 = arith.constant 0 : i32
        %dma_start3A_247 = arith.constant 64 : i32
        %dma_start3A_248 = tpu.memref_slice %dma_start3A_244[%dma_start3A_245, %dma_start3A_246, %dma_start3A_247] : memref<4x8x128xf32, #tpu.memory_space<hbm>> -> memref<4x8x16xf32, #tpu.memory_space<hbm>>
        %dma_start3A_249 = arith.constant 0 : i32
        %dma_start3A_250 = arith.constant 0 : i32
        %dma_start3A_251 = tpu.memref_slice %arg10[%dma_start3A_249, %dma_start3A_250, %mul3A_238] : memref<4x8x2064xf32, #tpu.memory_space<vmem>> -> memref<4x8x16xf32, #tpu.memory_space<vmem>>
        %dma_start3A_252 = arith.constant 0 : i32
        %dma_start3A_253 = arith.constant 0 : i32
        %dma_start3A_254 = tpu.memref_slice %arg5[%dma_start3A_252, %dma_start3A_253, %multiple_of3A] : memref<4x8x1000000xf32, #tpu.memory_space<hbm>> -> memref<4x8x128xf32, #tpu.memory_space<hbm>>
        %dma_start3A_255 = arith.constant 0 : i32
        %dma_start3A_256 = arith.constant 0 : i32
        %dma_start3A_257 = arith.constant 64 : i32
        %dma_start3A_258 = tpu.memref_slice %dma_start3A_254[%dma_start3A_255, %dma_start3A_256, %dma_start3A_257] : memref<4x8x128xf32, #tpu.memory_space<hbm>> -> memref<4x8x16xf32, #tpu.memory_space<hbm>>
        tpu.enqueue_dma source(%dma_start3A_258 : memref<4x8x16xf32, #tpu.memory_space<hbm>>) target(%dma_start3A_251 : memref<4x8x16xf32, #tpu.memory_space<vmem>>) target_semaphore(%arg14 : memref<!tpu.dma_semaphore, #tpu.memory_space<semaphore_mem>>)
      }
      %broadcast_in_dim3A_156 = arith.constant 128 : i32
      %broadcast_in_dim3A_157 = vector.broadcast %broadcast_in_dim3A_156 : i32 to vector<16xi32>
      %swap3A_158 = arith.constant 5 : i32
      %swap3A_159 = arith.index_cast %swap3A_158 : i32 to index
      %swap3A_160 = arith.index_cast %scan3A_77#5 : i32 to index
      %swap3A_161 = tpu.vector_load %arg9[%swap3A_159, %swap3A_160] {strides = array<i32>} : memref<8x144xi32, #tpu.memory_space<vmem>>, vector<16xi32>,
      tpu.vector_store %arg9[%swap3A_159, %swap3A_160], %broadcast_in_dim3A_157 {strides = array<i32>} : memref<8x144xi32, #tpu.memory_space<vmem>>, vector<16xi32>,
      %while3A_162 = arith.constant 0 : i32
      %while3A_163 = arith.constant 0 : i32
      %while3A_164 = arith.subi %scan3A_77#5, %while3A_163 : i32
      %while3A_165 = arith.addi %while3A_163, %while3A_164 : i32
      %while3A_166 = arith.constant 1 : i32
      %while3A_167 = arith.divsi %while3A_164, %while3A_166 : i32
      %while3A_168 = arith.muli %while3A_167, %while3A_166 : i32
      %while3A_169 = arith.addi %while3A_163, %while3A_168 : i32
      %while3A_170 = arith.constant 1 : i32
      scf.for %while3A_229 = %while3A_163 to %while3A_169 step %while3A_170  : i32 {
        %get3A = arith.constant 5 : i32
        %get3A_230 = arith.index_cast %get3A : i32 to index
        %get3A_231 = arith.index_cast %while3A_229 : i32 to index
        %get3A_232 = tpu.vector_load %arg9[%get3A_230, %get3A_231] {strides = array<i32>} : memref<8x144xi32, #tpu.memory_space<vmem>>, vector<16xi32>,
        %slice3A = vector.extract_strided_slice %get3A_232 {offsets = [0], sizes = [1], strides = [1]} : vector<16xi32> to vector<1xi32>
        %squeeze3A = vector.extract %slice3A[0] : i32 from vector<1xi32>
        %shift_right_arithmetic3A = arith.constant 8 : i32
        %shift_right_arithmetic3A_233 = arith.shrsi %squeeze3A, %shift_right_arithmetic3A : i32
        %mul3A_234 = arith.constant 128 : i32
        %mul3A_235 = arith.muli %shift_right_arithmetic3A_233, %mul3A_234 : i32
        %multiple_of3A = tpu.assume_multiple %mul3A_235, 128 : i32
        %and3A = arith.constant 255 : i32
        %and3A_236 = arith.andi %squeeze3A, %and3A : i32
        %mul3A_237 = arith.constant 16 : i32
        %mul3A_238 = arith.muli %and3A_236, %mul3A_237 : i32
        %dma_start3A_239 = arith.constant 0 : i32
        %dma_start3A_240 = arith.constant 0 : i32
        %dma_start3A_241 = tpu.memref_slice %arg10[%dma_start3A_239, %dma_start3A_240, %mul3A_238] : memref<4x8x2064xf32, #tpu.memory_space<vmem>> -> memref<4x8x16xf32, #tpu.memory_space<vmem>>
        %dma_start3A_242 = arith.constant 0 : i32
        %dma_start3A_243 = arith.constant 0 : i32
        %dma_start3A_244 = tpu.memref_slice %arg5[%dma_start3A_242, %dma_start3A_243, %multiple_of3A] : memref<4x8x1000000xf32, #tpu.memory_space<hbm>> -> memref<4x8x128xf32, #tpu.memory_space<hbm>>
        %dma_start3A_245 = arith.constant 0 : i32
        %dma_start3A_246 = arith.constant 0 : i32
        %dma_start3A_247 = arith.constant 80 : i32
        %dma_start3A_248 = tpu.memref_slice %dma_start3A_244[%dma_start3A_245, %dma_start3A_246, %dma_start3A_247] : memref<4x8x128xf32, #tpu.memory_space<hbm>> -> memref<4x8x16xf32, #tpu.memory_space<hbm>>
        %dma_start3A_249 = arith.constant 0 : i32
        %dma_start3A_250 = arith.constant 0 : i32
        %dma_start3A_251 = tpu.memref_slice %arg10[%dma_start3A_249, %dma_start3A_250, %mul3A_238] : memref<4x8x2064xf32, #tpu.memory_space<vmem>> -> memref<4x8x16xf32, #tpu.memory_space<vmem>>
        %dma_start3A_252 = arith.constant 0 : i32
        %dma_start3A_253 = arith.constant 0 : i32
        %dma_start3A_254 = tpu.memref_slice %arg5[%dma_start3A_252, %dma_start3A_253, %multiple_of3A] : memref<4x8x1000000xf32, #tpu.memory_space<hbm>> -> memref<4x8x128xf32, #tpu.memory_space<hbm>>
        %dma_start3A_255 = arith.constant 0 : i32
        %dma_start3A_256 = arith.constant 0 : i32
        %dma_start3A_257 = arith.constant 80 : i32
        %dma_start3A_258 = tpu.memref_slice %dma_start3A_254[%dma_start3A_255, %dma_start3A_256, %dma_start3A_257] : memref<4x8x128xf32, #tpu.memory_space<hbm>> -> memref<4x8x16xf32, #tpu.memory_space<hbm>>
        tpu.enqueue_dma source(%dma_start3A_258 : memref<4x8x16xf32, #tpu.memory_space<hbm>>) target(%dma_start3A_251 : memref<4x8x16xf32, #tpu.memory_space<vmem>>) target_semaphore(%arg14 : memref<!tpu.dma_semaphore, #tpu.memory_space<semaphore_mem>>)
      }
      %while3A_171 = arith.constant 1 : i32
      scf.for %while3A_229 = %while3A_169 to %while3A_165 step %while3A_171  : i32 {
        %get3A = arith.constant 5 : i32
        %get3A_230 = arith.index_cast %get3A : i32 to index
        %get3A_231 = arith.index_cast %while3A_229 : i32 to index
        %get3A_232 = tpu.vector_load %arg9[%get3A_230, %get3A_231] {strides = array<i32>} : memref<8x144xi32, #tpu.memory_space<vmem>>, vector<16xi32>,
        %slice3A = vector.extract_strided_slice %get3A_232 {offsets = [0], sizes = [1], strides = [1]} : vector<16xi32> to vector<1xi32>
        %squeeze3A = vector.extract %slice3A[0] : i32 from vector<1xi32>
        %shift_right_arithmetic3A = arith.constant 8 : i32
        %shift_right_arithmetic3A_233 = arith.shrsi %squeeze3A, %shift_right_arithmetic3A : i32
        %mul3A_234 = arith.constant 128 : i32
        %mul3A_235 = arith.muli %shift_right_arithmetic3A_233, %mul3A_234 : i32
        %multiple_of3A = tpu.assume_multiple %mul3A_235, 128 : i32
        %and3A = arith.constant 255 : i32
        %and3A_236 = arith.andi %squeeze3A, %and3A : i32
        %mul3A_237 = arith.constant 16 : i32
        %mul3A_238 = arith.muli %and3A_236, %mul3A_237 : i32
        %dma_start3A_239 = arith.constant 0 : i32
        %dma_start3A_240 = arith.constant 0 : i32
        %dma_start3A_241 = tpu.memref_slice %arg10[%dma_start3A_239, %dma_start3A_240, %mul3A_238] : memref<4x8x2064xf32, #tpu.memory_space<vmem>> -> memref<4x8x16xf32, #tpu.memory_space<vmem>>
        %dma_start3A_242 = arith.constant 0 : i32
        %dma_start3A_243 = arith.constant 0 : i32
        %dma_start3A_244 = tpu.memref_slice %arg5[%dma_start3A_242, %dma_start3A_243, %multiple_of3A] : memref<4x8x1000000xf32, #tpu.memory_space<hbm>> -> memref<4x8x128xf32, #tpu.memory_space<hbm>>
        %dma_start3A_245 = arith.constant 0 : i32
        %dma_start3A_246 = arith.constant 0 : i32
        %dma_start3A_247 = arith.constant 80 : i32
        %dma_start3A_248 = tpu.memref_slice %dma_start3A_244[%dma_start3A_245, %dma_start3A_246, %dma_start3A_247] : memref<4x8x128xf32, #tpu.memory_space<hbm>> -> memref<4x8x16xf32, #tpu.memory_space<hbm>>
        %dma_start3A_249 = arith.constant 0 : i32
        %dma_start3A_250 = arith.constant 0 : i32
        %dma_start3A_251 = tpu.memref_slice %arg10[%dma_start3A_249, %dma_start3A_250, %mul3A_238] : memref<4x8x2064xf32, #tpu.memory_space<vmem>> -> memref<4x8x16xf32, #tpu.memory_space<vmem>>
        %dma_start3A_252 = arith.constant 0 : i32
        %dma_start3A_253 = arith.constant 0 : i32
        %dma_start3A_254 = tpu.memref_slice %arg5[%dma_start3A_252, %dma_start3A_253, %multiple_of3A] : memref<4x8x1000000xf32, #tpu.memory_space<hbm>> -> memref<4x8x128xf32, #tpu.memory_space<hbm>>
        %dma_start3A_255 = arith.constant 0 : i32
        %dma_start3A_256 = arith.constant 0 : i32
        %dma_start3A_257 = arith.constant 80 : i32
        %dma_start3A_258 = tpu.memref_slice %dma_start3A_254[%dma_start3A_255, %dma_start3A_256, %dma_start3A_257] : memref<4x8x128xf32, #tpu.memory_space<hbm>> -> memref<4x8x16xf32, #tpu.memory_space<hbm>>
        tpu.enqueue_dma source(%dma_start3A_258 : memref<4x8x16xf32, #tpu.memory_space<hbm>>) target(%dma_start3A_251 : memref<4x8x16xf32, #tpu.memory_space<vmem>>) target_semaphore(%arg14 : memref<!tpu.dma_semaphore, #tpu.memory_space<semaphore_mem>>)
      }
      %broadcast_in_dim3A_172 = arith.constant 128 : i32
      %broadcast_in_dim3A_173 = vector.broadcast %broadcast_in_dim3A_172 : i32 to vector<16xi32>
      %swap3A_174 = arith.constant 6 : i32
      %swap3A_175 = arith.index_cast %swap3A_174 : i32 to index
      %swap3A_176 = arith.index_cast %scan3A_77#6 : i32 to index
      %swap3A_177 = tpu.vector_load %arg9[%swap3A_175, %swap3A_176] {strides = array<i32>} : memref<8x144xi32, #tpu.memory_space<vmem>>, vector<16xi32>,
      tpu.vector_store %arg9[%swap3A_175, %swap3A_176], %broadcast_in_dim3A_173 {strides = array<i32>} : memref<8x144xi32, #tpu.memory_space<vmem>>, vector<16xi32>,
      %while3A_178 = arith.constant 0 : i32
      %while3A_179 = arith.constant 0 : i32
      %while3A_180 = arith.subi %scan3A_77#6, %while3A_179 : i32
      %while3A_181 = arith.addi %while3A_179, %while3A_180 : i32
      %while3A_182 = arith.constant 1 : i32
      %while3A_183 = arith.divsi %while3A_180, %while3A_182 : i32
      %while3A_184 = arith.muli %while3A_183, %while3A_182 : i32
      %while3A_185 = arith.addi %while3A_179, %while3A_184 : i32
      %while3A_186 = arith.constant 1 : i32
      scf.for %while3A_229 = %while3A_179 to %while3A_185 step %while3A_186  : i32 {
        %get3A = arith.constant 6 : i32
        %get3A_230 = arith.index_cast %get3A : i32 to index
        %get3A_231 = arith.index_cast %while3A_229 : i32 to index
        %get3A_232 = tpu.vector_load %arg9[%get3A_230, %get3A_231] {strides = array<i32>} : memref<8x144xi32, #tpu.memory_space<vmem>>, vector<16xi32>,
        %slice3A = vector.extract_strided_slice %get3A_232 {offsets = [0], sizes = [1], strides = [1]} : vector<16xi32> to vector<1xi32>
        %squeeze3A = vector.extract %slice3A[0] : i32 from vector<1xi32>
        %shift_right_arithmetic3A = arith.constant 8 : i32
        %shift_right_arithmetic3A_233 = arith.shrsi %squeeze3A, %shift_right_arithmetic3A : i32
        %mul3A_234 = arith.constant 128 : i32
        %mul3A_235 = arith.muli %shift_right_arithmetic3A_233, %mul3A_234 : i32
        %multiple_of3A = tpu.assume_multiple %mul3A_235, 128 : i32
        %and3A = arith.constant 255 : i32
        %and3A_236 = arith.andi %squeeze3A, %and3A : i32
        %mul3A_237 = arith.constant 16 : i32
        %mul3A_238 = arith.muli %and3A_236, %mul3A_237 : i32
        %dma_start3A_239 = arith.constant 0 : i32
        %dma_start3A_240 = arith.constant 0 : i32
        %dma_start3A_241 = tpu.memref_slice %arg10[%dma_start3A_239, %dma_start3A_240, %mul3A_238] : memref<4x8x2064xf32, #tpu.memory_space<vmem>> -> memref<4x8x16xf32, #tpu.memory_space<vmem>>
        %dma_start3A_242 = arith.constant 0 : i32
        %dma_start3A_243 = arith.constant 0 : i32
        %dma_start3A_244 = tpu.memref_slice %arg5[%dma_start3A_242, %dma_start3A_243, %multiple_of3A] : memref<4x8x1000000xf32, #tpu.memory_space<hbm>> -> memref<4x8x128xf32, #tpu.memory_space<hbm>>
        %dma_start3A_245 = arith.constant 0 : i32
        %dma_start3A_246 = arith.constant 0 : i32
        %dma_start3A_247 = arith.constant 96 : i32
        %dma_start3A_248 = tpu.memref_slice %dma_start3A_244[%dma_start3A_245, %dma_start3A_246, %dma_start3A_247] : memref<4x8x128xf32, #tpu.memory_space<hbm>> -> memref<4x8x16xf32, #tpu.memory_space<hbm>>
        %dma_start3A_249 = arith.constant 0 : i32
        %dma_start3A_250 = arith.constant 0 : i32
        %dma_start3A_251 = tpu.memref_slice %arg10[%dma_start3A_249, %dma_start3A_250, %mul3A_238] : memref<4x8x2064xf32, #tpu.memory_space<vmem>> -> memref<4x8x16xf32, #tpu.memory_space<vmem>>
        %dma_start3A_252 = arith.constant 0 : i32
        %dma_start3A_253 = arith.constant 0 : i32
        %dma_start3A_254 = tpu.memref_slice %arg5[%dma_start3A_252, %dma_start3A_253, %multiple_of3A] : memref<4x8x1000000xf32, #tpu.memory_space<hbm>> -> memref<4x8x128xf32, #tpu.memory_space<hbm>>
        %dma_start3A_255 = arith.constant 0 : i32
        %dma_start3A_256 = arith.constant 0 : i32
        %dma_start3A_257 = arith.constant 96 : i32
        %dma_start3A_258 = tpu.memref_slice %dma_start3A_254[%dma_start3A_255, %dma_start3A_256, %dma_start3A_257] : memref<4x8x128xf32, #tpu.memory_space<hbm>> -> memref<4x8x16xf32, #tpu.memory_space<hbm>>
        tpu.enqueue_dma source(%dma_start3A_258 : memref<4x8x16xf32, #tpu.memory_space<hbm>>) target(%dma_start3A_251 : memref<4x8x16xf32, #tpu.memory_space<vmem>>) target_semaphore(%arg14 : memref<!tpu.dma_semaphore, #tpu.memory_space<semaphore_mem>>)
      }
      %while3A_187 = arith.constant 1 : i32
      scf.for %while3A_229 = %while3A_185 to %while3A_181 step %while3A_187  : i32 {
        %get3A = arith.constant 6 : i32
        %get3A_230 = arith.index_cast %get3A : i32 to index
        %get3A_231 = arith.index_cast %while3A_229 : i32 to index
        %get3A_232 = tpu.vector_load %arg9[%get3A_230, %get3A_231] {strides = array<i32>} : memref<8x144xi32, #tpu.memory_space<vmem>>, vector<16xi32>,
        %slice3A = vector.extract_strided_slice %get3A_232 {offsets = [0], sizes = [1], strides = [1]} : vector<16xi32> to vector<1xi32>
        %squeeze3A = vector.extract %slice3A[0] : i32 from vector<1xi32>
        %shift_right_arithmetic3A = arith.constant 8 : i32
        %shift_right_arithmetic3A_233 = arith.shrsi %squeeze3A, %shift_right_arithmetic3A : i32
        %mul3A_234 = arith.constant 128 : i32
        %mul3A_235 = arith.muli %shift_right_arithmetic3A_233, %mul3A_234 : i32
        %multiple_of3A = tpu.assume_multiple %mul3A_235, 128 : i32
        %and3A = arith.constant 255 : i32
        %and3A_236 = arith.andi %squeeze3A, %and3A : i32
        %mul3A_237 = arith.constant 16 : i32
        %mul3A_238 = arith.muli %and3A_236, %mul3A_237 : i32
        %dma_start3A_239 = arith.constant 0 : i32
        %dma_start3A_240 = arith.constant 0 : i32
        %dma_start3A_241 = tpu.memref_slice %arg10[%dma_start3A_239, %dma_start3A_240, %mul3A_238] : memref<4x8x2064xf32, #tpu.memory_space<vmem>> -> memref<4x8x16xf32, #tpu.memory_space<vmem>>
        %dma_start3A_242 = arith.constant 0 : i32
        %dma_start3A_243 = arith.constant 0 : i32
        %dma_start3A_244 = tpu.memref_slice %arg5[%dma_start3A_242, %dma_start3A_243, %multiple_of3A] : memref<4x8x1000000xf32, #tpu.memory_space<hbm>> -> memref<4x8x128xf32, #tpu.memory_space<hbm>>
        %dma_start3A_245 = arith.constant 0 : i32
        %dma_start3A_246 = arith.constant 0 : i32
        %dma_start3A_247 = arith.constant 96 : i32
        %dma_start3A_248 = tpu.memref_slice %dma_start3A_244[%dma_start3A_245, %dma_start3A_246, %dma_start3A_247] : memref<4x8x128xf32, #tpu.memory_space<hbm>> -> memref<4x8x16xf32, #tpu.memory_space<hbm>>
        %dma_start3A_249 = arith.constant 0 : i32
        %dma_start3A_250 = arith.constant 0 : i32
        %dma_start3A_251 = tpu.memref_slice %arg10[%dma_start3A_249, %dma_start3A_250, %mul3A_238] : memref<4x8x2064xf32, #tpu.memory_space<vmem>> -> memref<4x8x16xf32, #tpu.memory_space<vmem>>
        %dma_start3A_252 = arith.constant 0 : i32
        %dma_start3A_253 = arith.constant 0 : i32
        %dma_start3A_254 = tpu.memref_slice %arg5[%dma_start3A_252, %dma_start3A_253, %multiple_of3A] : memref<4x8x1000000xf32, #tpu.memory_space<hbm>> -> memref<4x8x128xf32, #tpu.memory_space<hbm>>
        %dma_start3A_255 = arith.constant 0 : i32
        %dma_start3A_256 = arith.constant 0 : i32
        %dma_start3A_257 = arith.constant 96 : i32
        %dma_start3A_258 = tpu.memref_slice %dma_start3A_254[%dma_start3A_255, %dma_start3A_256, %dma_start3A_257] : memref<4x8x128xf32, #tpu.memory_space<hbm>> -> memref<4x8x16xf32, #tpu.memory_space<hbm>>
        tpu.enqueue_dma source(%dma_start3A_258 : memref<4x8x16xf32, #tpu.memory_space<hbm>>) target(%dma_start3A_251 : memref<4x8x16xf32, #tpu.memory_space<vmem>>) target_semaphore(%arg14 : memref<!tpu.dma_semaphore, #tpu.memory_space<semaphore_mem>>)
      }
      %broadcast_in_dim3A_188 = arith.constant 128 : i32
      %broadcast_in_dim3A_189 = vector.broadcast %broadcast_in_dim3A_188 : i32 to vector<16xi32>
      %swap3A_190 = arith.constant 7 : i32
      %swap3A_191 = arith.index_cast %swap3A_190 : i32 to index
      %swap3A_192 = arith.index_cast %scan3A_77#7 : i32 to index
      %swap3A_193 = tpu.vector_load %arg9[%swap3A_191, %swap3A_192] {strides = array<i32>} : memref<8x144xi32, #tpu.memory_space<vmem>>, vector<16xi32>,
      tpu.vector_store %arg9[%swap3A_191, %swap3A_192], %broadcast_in_dim3A_189 {strides = array<i32>} : memref<8x144xi32, #tpu.memory_space<vmem>>, vector<16xi32>,
      %while3A_194 = arith.constant 0 : i32
      %while3A_195 = arith.constant 0 : i32
      %while3A_196 = arith.subi %scan3A_77#7, %while3A_195 : i32
      %while3A_197 = arith.addi %while3A_195, %while3A_196 : i32
      %while3A_198 = arith.constant 1 : i32
      %while3A_199 = arith.divsi %while3A_196, %while3A_198 : i32
      %while3A_200 = arith.muli %while3A_199, %while3A_198 : i32
      %while3A_201 = arith.addi %while3A_195, %while3A_200 : i32
      %while3A_202 = arith.constant 1 : i32
      scf.for %while3A_229 = %while3A_195 to %while3A_201 step %while3A_202  : i32 {
        %get3A = arith.constant 7 : i32
        %get3A_230 = arith.index_cast %get3A : i32 to index
        %get3A_231 = arith.index_cast %while3A_229 : i32 to index
        %get3A_232 = tpu.vector_load %arg9[%get3A_230, %get3A_231] {strides = array<i32>} : memref<8x144xi32, #tpu.memory_space<vmem>>, vector<16xi32>,
        %slice3A = vector.extract_strided_slice %get3A_232 {offsets = [0], sizes = [1], strides = [1]} : vector<16xi32> to vector<1xi32>
        %squeeze3A = vector.extract %slice3A[0] : i32 from vector<1xi32>
        %shift_right_arithmetic3A = arith.constant 8 : i32
        %shift_right_arithmetic3A_233 = arith.shrsi %squeeze3A, %shift_right_arithmetic3A : i32
        %mul3A_234 = arith.constant 128 : i32
        %mul3A_235 = arith.muli %shift_right_arithmetic3A_233, %mul3A_234 : i32
        %multiple_of3A = tpu.assume_multiple %mul3A_235, 128 : i32
        %and3A = arith.constant 255 : i32
        %and3A_236 = arith.andi %squeeze3A, %and3A : i32
        %mul3A_237 = arith.constant 16 : i32
        %mul3A_238 = arith.muli %and3A_236, %mul3A_237 : i32
        %dma_start3A_239 = arith.constant 0 : i32
        %dma_start3A_240 = arith.constant 0 : i32
        %dma_start3A_241 = tpu.memref_slice %arg10[%dma_start3A_239, %dma_start3A_240, %mul3A_238] : memref<4x8x2064xf32, #tpu.memory_space<vmem>> -> memref<4x8x16xf32, #tpu.memory_space<vmem>>
        %dma_start3A_242 = arith.constant 0 : i32
        %dma_start3A_243 = arith.constant 0 : i32
        %dma_start3A_244 = tpu.memref_slice %arg5[%dma_start3A_242, %dma_start3A_243, %multiple_of3A] : memref<4x8x1000000xf32, #tpu.memory_space<hbm>> -> memref<4x8x128xf32, #tpu.memory_space<hbm>>
        %dma_start3A_245 = arith.constant 0 : i32
        %dma_start3A_246 = arith.constant 0 : i32
        %dma_start3A_247 = arith.constant 112 : i32
        %dma_start3A_248 = tpu.memref_slice %dma_start3A_244[%dma_start3A_245, %dma_start3A_246, %dma_start3A_247] : memref<4x8x128xf32, #tpu.memory_space<hbm>> -> memref<4x8x16xf32, #tpu.memory_space<hbm>>
        %dma_start3A_249 = arith.constant 0 : i32
        %dma_start3A_250 = arith.constant 0 : i32
        %dma_start3A_251 = tpu.memref_slice %arg10[%dma_start3A_249, %dma_start3A_250, %mul3A_238] : memref<4x8x2064xf32, #tpu.memory_space<vmem>> -> memref<4x8x16xf32, #tpu.memory_space<vmem>>
        %dma_start3A_252 = arith.constant 0 : i32
        %dma_start3A_253 = arith.constant 0 : i32
        %dma_start3A_254 = tpu.memref_slice %arg5[%dma_start3A_252, %dma_start3A_253, %multiple_of3A] : memref<4x8x1000000xf32, #tpu.memory_space<hbm>> -> memref<4x8x128xf32, #tpu.memory_space<hbm>>
        %dma_start3A_255 = arith.constant 0 : i32
        %dma_start3A_256 = arith.constant 0 : i32
        %dma_start3A_257 = arith.constant 112 : i32
        %dma_start3A_258 = tpu.memref_slice %dma_start3A_254[%dma_start3A_255, %dma_start3A_256, %dma_start3A_257] : memref<4x8x128xf32, #tpu.memory_space<hbm>> -> memref<4x8x16xf32, #tpu.memory_space<hbm>>
        tpu.enqueue_dma source(%dma_start3A_258 : memref<4x8x16xf32, #tpu.memory_space<hbm>>) target(%dma_start3A_251 : memref<4x8x16xf32, #tpu.memory_space<vmem>>) target_semaphore(%arg14 : memref<!tpu.dma_semaphore, #tpu.memory_space<semaphore_mem>>)
      }
      %while3A_203 = arith.constant 1 : i32
      scf.for %while3A_229 = %while3A_201 to %while3A_197 step %while3A_203  : i32 {
        %get3A = arith.constant 7 : i32
        %get3A_230 = arith.index_cast %get3A : i32 to index
        %get3A_231 = arith.index_cast %while3A_229 : i32 to index
        %get3A_232 = tpu.vector_load %arg9[%get3A_230, %get3A_231] {strides = array<i32>} : memref<8x144xi32, #tpu.memory_space<vmem>>, vector<16xi32>,
        %slice3A = vector.extract_strided_slice %get3A_232 {offsets = [0], sizes = [1], strides = [1]} : vector<16xi32> to vector<1xi32>
        %squeeze3A = vector.extract %slice3A[0] : i32 from vector<1xi32>
        %shift_right_arithmetic3A = arith.constant 8 : i32
        %shift_right_arithmetic3A_233 = arith.shrsi %squeeze3A, %shift_right_arithmetic3A : i32
        %mul3A_234 = arith.constant 128 : i32
        %mul3A_235 = arith.muli %shift_right_arithmetic3A_233, %mul3A_234 : i32
        %multiple_of3A = tpu.assume_multiple %mul3A_235, 128 : i32
        %and3A = arith.constant 255 : i32
        %and3A_236 = arith.andi %squeeze3A, %and3A : i32
        %mul3A_237 = arith.constant 16 : i32
        %mul3A_238 = arith.muli %and3A_236, %mul3A_237 : i32
        %dma_start3A_239 = arith.constant 0 : i32
        %dma_start3A_240 = arith.constant 0 : i32
        %dma_start3A_241 = tpu.memref_slice %arg10[%dma_start3A_239, %dma_start3A_240, %mul3A_238] : memref<4x8x2064xf32, #tpu.memory_space<vmem>> -> memref<4x8x16xf32, #tpu.memory_space<vmem>>
        %dma_start3A_242 = arith.constant 0 : i32
        %dma_start3A_243 = arith.constant 0 : i32
        %dma_start3A_244 = tpu.memref_slice %arg5[%dma_start3A_242, %dma_start3A_243, %multiple_of3A] : memref<4x8x1000000xf32, #tpu.memory_space<hbm>> -> memref<4x8x128xf32, #tpu.memory_space<hbm>>
        %dma_start3A_245 = arith.constant 0 : i32
        %dma_start3A_246 = arith.constant 0 : i32
        %dma_start3A_247 = arith.constant 112 : i32
        %dma_start3A_248 = tpu.memref_slice %dma_start3A_244[%dma_start3A_245, %dma_start3A_246, %dma_start3A_247] : memref<4x8x128xf32, #tpu.memory_space<hbm>> -> memref<4x8x16xf32, #tpu.memory_space<hbm>>
        %dma_start3A_249 = arith.constant 0 : i32
        %dma_start3A_250 = arith.constant 0 : i32
        %dma_start3A_251 = tpu.memref_slice %arg10[%dma_start3A_249, %dma_start3A_250, %mul3A_238] : memref<4x8x2064xf32, #tpu.memory_space<vmem>> -> memref<4x8x16xf32, #tpu.memory_space<vmem>>
        %dma_start3A_252 = arith.constant 0 : i32
        %dma_start3A_253 = arith.constant 0 : i32
        %dma_start3A_254 = tpu.memref_slice %arg5[%dma_start3A_252, %dma_start3A_253, %multiple_of3A] : memref<4x8x1000000xf32, #tpu.memory_space<hbm>> -> memref<4x8x128xf32, #tpu.memory_space<hbm>>
        %dma_start3A_255 = arith.constant 0 : i32
        %dma_start3A_256 = arith.constant 0 : i32
        %dma_start3A_257 = arith.constant 112 : i32
        %dma_start3A_258 = tpu.memref_slice %dma_start3A_254[%dma_start3A_255, %dma_start3A_256, %dma_start3A_257] : memref<4x8x128xf32, #tpu.memory_space<hbm>> -> memref<4x8x16xf32, #tpu.memory_space<hbm>>
        tpu.enqueue_dma source(%dma_start3A_258 : memref<4x8x16xf32, #tpu.memory_space<hbm>>) target(%dma_start3A_251 : memref<4x8x16xf32, #tpu.memory_space<vmem>>) target_semaphore(%arg14 : memref<!tpu.dma_semaphore, #tpu.memory_space<semaphore_mem>>)
      }
      %add3A_204 = arith.constant 0 : i32
      %add3A_205 = arith.addi %add3A_204, %scan3A_77#0 : i32
      %add3A_206 = arith.addi %add3A_205, %scan3A_77#1 : i32
      %add3A_207 = arith.addi %add3A_206, %scan3A_77#2 : i32
      %add3A_208 = arith.addi %add3A_207, %scan3A_77#3 : i32
      %add3A_209 = arith.addi %add3A_208, %scan3A_77#4 : i32
      %add3A_210 = arith.addi %add3A_209, %scan3A_77#5 : i32
      %add3A_211 = arith.addi %add3A_210, %scan3A_77#6 : i32
      %add3A_212 = arith.addi %add3A_211, %scan3A_77#7 : i32
      %while3A_213 = arith.constant 0 : i32
      %while3A_214 = arith.constant 0 : i32
      %while3A_215 = arith.subi %add3A_212, %while3A_214 : i32
      %while3A_216 = arith.addi %while3A_214, %while3A_215 : i32
      %while3A_217 = arith.constant 1 : i32
      %while3A_218 = arith.divsi %while3A_215, %while3A_217 : i32
      %while3A_219 = arith.muli %while3A_218, %while3A_217 : i32
      %while3A_220 = arith.addi %while3A_214, %while3A_219 : i32
      %while3A_221 = arith.constant 1 : i32
      scf.for %while3A_229 = %while3A_214 to %while3A_220 step %while3A_221  : i32 {
        %dma_wait3A_230 = arith.constant 0 : i32
        %dma_wait3A_231 = arith.constant 0 : i32
        %dma_wait3A_232 = arith.constant 0 : i32
        %dma_wait3A_233 = tpu.memref_slice %arg10[%dma_wait3A_230, %dma_wait3A_231, %dma_wait3A_232] : memref<4x8x2064xf32, #tpu.memory_space<vmem>> -> memref<4x8x16xf32, #tpu.memory_space<vmem>>
        %dma_wait3A_234 = arith.constant 0 : i32
        %dma_wait3A_235 = arith.constant 0 : i32
        %dma_wait3A_236 = arith.constant 0 : i32
        %dma_wait3A_237 = tpu.memref_slice %arg5[%dma_wait3A_234, %dma_wait3A_235, %dma_wait3A_236] : memref<4x8x1000000xf32, #tpu.memory_space<hbm>> -> memref<4x8x16xf32, #tpu.memory_space<hbm>>
        %dma_wait3A_238 = arith.constant 0 : i32
        %dma_wait3A_239 = arith.constant 0 : i32
        %dma_wait3A_240 = arith.constant 0 : i32
        %dma_wait3A_241 = tpu.memref_slice %arg10[%dma_wait3A_238, %dma_wait3A_239, %dma_wait3A_240] : memref<4x8x2064xf32, #tpu.memory_space<vmem>> -> memref<4x8x16xf32, #tpu.memory_space<vmem>>
        %dma_wait3A_242 = arith.constant 0 : i32
        %dma_wait3A_243 = arith.constant 0 : i32
        %dma_wait3A_244 = arith.constant 0 : i32
        %dma_wait3A_245 = tpu.memref_slice %arg5[%dma_wait3A_242, %dma_wait3A_243, %dma_wait3A_244] : memref<4x8x1000000xf32, #tpu.memory_space<hbm>> -> memref<4x8x16xf32, #tpu.memory_space<hbm>>
        tpu.wait_dma2 semaphore(%arg14 : memref<!tpu.dma_semaphore, #tpu.memory_space<semaphore_mem>>) src(%dma_wait3A_245 : memref<4x8x16xf32, #tpu.memory_space<hbm>>) dst(%dma_wait3A_241 : memref<4x8x16xf32, #tpu.memory_space<vmem>>)
      }
      %while3A_222 = arith.constant 1 : i32
      scf.for %while3A_229 = %while3A_220 to %while3A_216 step %while3A_222  : i32 {
        %dma_wait3A_230 = arith.constant 0 : i32
        %dma_wait3A_231 = arith.constant 0 : i32
        %dma_wait3A_232 = arith.constant 0 : i32
        %dma_wait3A_233 = tpu.memref_slice %arg10[%dma_wait3A_230, %dma_wait3A_231, %dma_wait3A_232] : memref<4x8x2064xf32, #tpu.memory_space<vmem>> -> memref<4x8x16xf32, #tpu.memory_space<vmem>>
        %dma_wait3A_234 = arith.constant 0 : i32
        %dma_wait3A_235 = arith.constant 0 : i32
        %dma_wait3A_236 = arith.constant 0 : i32
        %dma_wait3A_237 = tpu.memref_slice %arg5[%dma_wait3A_234, %dma_wait3A_235, %dma_wait3A_236] : memref<4x8x1000000xf32, #tpu.memory_space<hbm>> -> memref<4x8x16xf32, #tpu.memory_space<hbm>>
        %dma_wait3A_238 = arith.constant 0 : i32
        %dma_wait3A_239 = arith.constant 0 : i32
        %dma_wait3A_240 = arith.constant 0 : i32
        %dma_wait3A_241 = tpu.memref_slice %arg10[%dma_wait3A_238, %dma_wait3A_239, %dma_wait3A_240] : memref<4x8x2064xf32, #tpu.memory_space<vmem>> -> memref<4x8x16xf32, #tpu.memory_space<vmem>>
        %dma_wait3A_242 = arith.constant 0 : i32
        %dma_wait3A_243 = arith.constant 0 : i32
        %dma_wait3A_244 = arith.constant 0 : i32
        %dma_wait3A_245 = tpu.memref_slice %arg5[%dma_wait3A_242, %dma_wait3A_243, %dma_wait3A_244] : memref<4x8x1000000xf32, #tpu.memory_space<hbm>> -> memref<4x8x16xf32, #tpu.memory_space<hbm>>
        tpu.wait_dma2 semaphore(%arg14 : memref<!tpu.dma_semaphore, #tpu.memory_space<semaphore_mem>>) src(%dma_wait3A_245 : memref<4x8x16xf32, #tpu.memory_space<hbm>>) dst(%dma_wait3A_241 : memref<4x8x16xf32, #tpu.memory_space<vmem>>)
      }
      %scan3A_223 = arith.constant 0 : i32
      %scan3A_224 = arith.constant 0 : i32
      %scan3A_225 = arith.constant 8 : i32
      %scan3A_226 = arith.addi %scan3A_224, %scan3A_225 : i32
      %scan3A_227 = arith.constant 1 : i32
      scf.for %scan3A_229 = %scan3A_224 to %scan3A_226 step %scan3A_227  : i32 {
        %mul3A_230 = arith.constant 16 : i32
        %mul3A_231 = arith.muli %scan3A_229, %mul3A_230 : i32
        %add3A_232 = arith.addi %mul3A_64, %mul3A_231 : i32
        %get3A = arith.index_cast %add3A_232 : i32 to index
        %get3A_233 = tpu.vector_load %arg8[%get3A] {strides = array<i32>} : memref<512xi32, #tpu.memory_space<vmem>>, vector<16xi32>,
        %and3A = arith.constant 15 : i32
        %and3A_234 = vector.broadcast %and3A : i32 to vector<16xi32>
        %and3A_235 = arith.andi %get3A_233, %and3A_234 : vector<16xi32>
        %mul3A_236 = arith.constant 256 : i32
        %mul3A_237 = arith.muli %scan3A_229, %mul3A_236 : i32
        %mul3A_238 = arith.constant 16 : i32
        %mul3A_239 = vector.broadcast %mul3A_238 : i32 to vector<16xi32>
        %mul3A_240 = arith.muli %iota3A, %mul3A_239 : vector<16xi32>
        %add3A_241 = vector.broadcast %mul3A_237 : i32 to vector<16xi32>
        %add3A_242 = arith.addi %add3A_241, %mul3A_240 : vector<16xi32>
        %add3A_243 = arith.addi %add3A_242, %and3A_235 : vector<16xi32>
        %broadcast_in_dim3A_244 = arith.constant 0.000000e+00 : f32
        %broadcast_in_dim3A_245 = vector.broadcast %broadcast_in_dim3A_244 : f32 to vector<16xf32>
        %broadcast_in_dim3A_246 = arith.constant 0.000000e+00 : f32
        %broadcast_in_dim3A_247 = vector.broadcast %broadcast_in_dim3A_246 : f32 to vector<16xf32>
        %get3A_248 = arith.constant 0 : i32
        %get3A_249 = arith.index_cast %get3A_248 : i32 to index
        %get3A_250 = arith.index_cast %add3A_232 : i32 to index
        %get3A_251 = tpu.vector_load %arg11[%get3A_249, %get3A_250] {strides = array<i32>} : memref<32x512xf32, #tpu.memory_space<vmem>>, vector<16xf32>,
        %broadcast_in_dim3A_252 = arith.constant 0 : i32
        %broadcast_in_dim3A_253 = vector.broadcast %broadcast_in_dim3A_252 : i32 to vector<16xi32>
        %broadcast_in_dim3A_254 = arith.constant 0 : i32
        %broadcast_in_dim3A_255 = vector.broadcast %broadcast_in_dim3A_254 : i32 to vector<16xi32>
        %gather3A = tpu.vector_load_idx %arg10[%broadcast_in_dim3A_253, %broadcast_in_dim3A_255, %add3A_243] : memref<4x8x2064xf32, #tpu.memory_space<vmem>>[vector<16xi32>, vector<16xi32>, vector<16xi32>], vector<16xf32>,
        %mul3A_256 = arith.mulf %get3A_251, %get3A_251 : vector<16xf32>
        %add3A_257 = arith.addf %broadcast_in_dim3A_247, %mul3A_256 : vector<16xf32>
        %mul3A_258 = arith.mulf %get3A_251, %gather3A : vector<16xf32>
        %add3A_259 = arith.addf %broadcast_in_dim3A_245, %mul3A_258 : vector<16xf32>
        %get3A_260 = arith.constant 1 : i32
        %get3A_261 = arith.index_cast %get3A_260 : i32 to index
        %get3A_262 = arith.index_cast %add3A_232 : i32 to index
        %get3A_263 = tpu.vector_load %arg11[%get3A_261, %get3A_262] {strides = array<i32>} : memref<32x512xf32, #tpu.memory_space<vmem>>, vector<16xf32>,
        %broadcast_in_dim3A_264 = arith.constant 0 : i32
        %broadcast_in_dim3A_265 = vector.broadcast %broadcast_in_dim3A_264 : i32 to vector<16xi32>
        %broadcast_in_dim3A_266 = arith.constant 1 : i32
        %broadcast_in_dim3A_267 = vector.broadcast %broadcast_in_dim3A_266 : i32 to vector<16xi32>
        %gather3A_268 = tpu.vector_load_idx %arg10[%broadcast_in_dim3A_265, %broadcast_in_dim3A_267, %add3A_243] : memref<4x8x2064xf32, #tpu.memory_space<vmem>>[vector<16xi32>, vector<16xi32>, vector<16xi32>], vector<16xf32>,
        %mul3A_269 = arith.mulf %get3A_263, %get3A_263 : vector<16xf32>
        %add3A_270 = arith.addf %add3A_257, %mul3A_269 : vector<16xf32>
        %mul3A_271 = arith.mulf %get3A_263, %gather3A_268 : vector<16xf32>
        %add3A_272 = arith.addf %add3A_259, %mul3A_271 : vector<16xf32>
        %get3A_273 = arith.constant 2 : i32
        %get3A_274 = arith.index_cast %get3A_273 : i32 to index
        %get3A_275 = arith.index_cast %add3A_232 : i32 to index
        %get3A_276 = tpu.vector_load %arg11[%get3A_274, %get3A_275] {strides = array<i32>} : memref<32x512xf32, #tpu.memory_space<vmem>>, vector<16xf32>,
        %broadcast_in_dim3A_277 = arith.constant 0 : i32
        %broadcast_in_dim3A_278 = vector.broadcast %broadcast_in_dim3A_277 : i32 to vector<16xi32>
        %broadcast_in_dim3A_279 = arith.constant 2 : i32
        %broadcast_in_dim3A_280 = vector.broadcast %broadcast_in_dim3A_279 : i32 to vector<16xi32>
        %gather3A_281 = tpu.vector_load_idx %arg10[%broadcast_in_dim3A_278, %broadcast_in_dim3A_280, %add3A_243] : memref<4x8x2064xf32, #tpu.memory_space<vmem>>[vector<16xi32>, vector<16xi32>, vector<16xi32>], vector<16xf32>,
        %mul3A_282 = arith.mulf %get3A_276, %get3A_276 : vector<16xf32>
        %add3A_283 = arith.addf %add3A_270, %mul3A_282 : vector<16xf32>
        %mul3A_284 = arith.mulf %get3A_276, %gather3A_281 : vector<16xf32>
        %add3A_285 = arith.addf %add3A_272, %mul3A_284 : vector<16xf32>
        %get3A_286 = arith.constant 3 : i32
        %get3A_287 = arith.index_cast %get3A_286 : i32 to index
        %get3A_288 = arith.index_cast %add3A_232 : i32 to index
        %get3A_289 = tpu.vector_load %arg11[%get3A_287, %get3A_288] {strides = array<i32>} : memref<32x512xf32, #tpu.memory_space<vmem>>, vector<16xf32>,
        %broadcast_in_dim3A_290 = arith.constant 0 : i32
        %broadcast_in_dim3A_291 = vector.broadcast %broadcast_in_dim3A_290 : i32 to vector<16xi32>
        %broadcast_in_dim3A_292 = arith.constant 3 : i32
        %broadcast_in_dim3A_293 = vector.broadcast %broadcast_in_dim3A_292 : i32 to vector<16xi32>
        %gather3A_294 = tpu.vector_load_idx %arg10[%broadcast_in_dim3A_291, %broadcast_in_dim3A_293, %add3A_243] : memref<4x8x2064xf32, #tpu.memory_space<vmem>>[vector<16xi32>, vector<16xi32>, vector<16xi32>], vector<16xf32>,
        %mul3A_295 = arith.mulf %get3A_289, %get3A_289 : vector<16xf32>
        %add3A_296 = arith.addf %add3A_283, %mul3A_295 : vector<16xf32>
        %mul3A_297 = arith.mulf %get3A_289, %gather3A_294 : vector<16xf32>
        %add3A_298 = arith.addf %add3A_285, %mul3A_297 : vector<16xf32>
        %get3A_299 = arith.constant 4 : i32
        %get3A_300 = arith.index_cast %get3A_299 : i32 to index
        %get3A_301 = arith.index_cast %add3A_232 : i32 to index
        %get3A_302 = tpu.vector_load %arg11[%get3A_300, %get3A_301] {strides = array<i32>} : memref<32x512xf32, #tpu.memory_space<vmem>>, vector<16xf32>,
        %broadcast_in_dim3A_303 = arith.constant 0 : i32
        %broadcast_in_dim3A_304 = vector.broadcast %broadcast_in_dim3A_303 : i32 to vector<16xi32>
        %broadcast_in_dim3A_305 = arith.constant 4 : i32
        %broadcast_in_dim3A_306 = vector.broadcast %broadcast_in_dim3A_305 : i32 to vector<16xi32>
        %gather3A_307 = tpu.vector_load_idx %arg10[%broadcast_in_dim3A_304, %broadcast_in_dim3A_306, %add3A_243] : memref<4x8x2064xf32, #tpu.memory_space<vmem>>[vector<16xi32>, vector<16xi32>, vector<16xi32>], vector<16xf32>,
        %mul3A_308 = arith.mulf %get3A_302, %get3A_302 : vector<16xf32>
        %add3A_309 = arith.addf %add3A_296, %mul3A_308 : vector<16xf32>
        %mul3A_310 = arith.mulf %get3A_302, %gather3A_307 : vector<16xf32>
        %add3A_311 = arith.addf %add3A_298, %mul3A_310 : vector<16xf32>
        %get3A_312 = arith.constant 5 : i32
        %get3A_313 = arith.index_cast %get3A_312 : i32 to index
        %get3A_314 = arith.index_cast %add3A_232 : i32 to index
        %get3A_315 = tpu.vector_load %arg11[%get3A_313, %get3A_314] {strides = array<i32>} : memref<32x512xf32, #tpu.memory_space<vmem>>, vector<16xf32>,
        %broadcast_in_dim3A_316 = arith.constant 0 : i32
        %broadcast_in_dim3A_317 = vector.broadcast %broadcast_in_dim3A_316 : i32 to vector<16xi32>
        %broadcast_in_dim3A_318 = arith.constant 5 : i32
        %broadcast_in_dim3A_319 = vector.broadcast %broadcast_in_dim3A_318 : i32 to vector<16xi32>
        %gather3A_320 = tpu.vector_load_idx %arg10[%broadcast_in_dim3A_317, %broadcast_in_dim3A_319, %add3A_243] : memref<4x8x2064xf32, #tpu.memory_space<vmem>>[vector<16xi32>, vector<16xi32>, vector<16xi32>], vector<16xf32>,
        %mul3A_321 = arith.mulf %get3A_315, %get3A_315 : vector<16xf32>
        %add3A_322 = arith.addf %add3A_309, %mul3A_321 : vector<16xf32>
        %mul3A_323 = arith.mulf %get3A_315, %gather3A_320 : vector<16xf32>
        %add3A_324 = arith.addf %add3A_311, %mul3A_323 : vector<16xf32>
        %get3A_325 = arith.constant 6 : i32
        %get3A_326 = arith.index_cast %get3A_325 : i32 to index
        %get3A_327 = arith.index_cast %add3A_232 : i32 to index
        %get3A_328 = tpu.vector_load %arg11[%get3A_326, %get3A_327] {strides = array<i32>} : memref<32x512xf32, #tpu.memory_space<vmem>>, vector<16xf32>,
        %broadcast_in_dim3A_329 = arith.constant 0 : i32
        %broadcast_in_dim3A_330 = vector.broadcast %broadcast_in_dim3A_329 : i32 to vector<16xi32>
        %broadcast_in_dim3A_331 = arith.constant 6 : i32
        %broadcast_in_dim3A_332 = vector.broadcast %broadcast_in_dim3A_331 : i32 to vector<16xi32>
        %gather3A_333 = tpu.vector_load_idx %arg10[%broadcast_in_dim3A_330, %broadcast_in_dim3A_332, %add3A_243] : memref<4x8x2064xf32, #tpu.memory_space<vmem>>[vector<16xi32>, vector<16xi32>, vector<16xi32>], vector<16xf32>,
        %mul3A_334 = arith.mulf %get3A_328, %get3A_328 : vector<16xf32>
        %add3A_335 = arith.addf %add3A_322, %mul3A_334 : vector<16xf32>
        %mul3A_336 = arith.mulf %get3A_328, %gather3A_333 : vector<16xf32>
        %add3A_337 = arith.addf %add3A_324, %mul3A_336 : vector<16xf32>
        %get3A_338 = arith.constant 7 : i32
        %get3A_339 = arith.index_cast %get3A_338 : i32 to index
        %get3A_340 = arith.index_cast %add3A_232 : i32 to index
        %get3A_341 = tpu.vector_load %arg11[%get3A_339, %get3A_340] {strides = array<i32>} : memref<32x512xf32, #tpu.memory_space<vmem>>, vector<16xf32>,
        %broadcast_in_dim3A_342 = arith.constant 0 : i32
        %broadcast_in_dim3A_343 = vector.broadcast %broadcast_in_dim3A_342 : i32 to vector<16xi32>
        %broadcast_in_dim3A_344 = arith.constant 7 : i32
        %broadcast_in_dim3A_345 = vector.broadcast %broadcast_in_dim3A_344 : i32 to vector<16xi32>
        %gather3A_346 = tpu.vector_load_idx %arg10[%broadcast_in_dim3A_343, %broadcast_in_dim3A_345, %add3A_243] : memref<4x8x2064xf32, #tpu.memory_space<vmem>>[vector<16xi32>, vector<16xi32>, vector<16xi32>], vector<16xf32>,
        %mul3A_347 = arith.mulf %get3A_341, %get3A_341 : vector<16xf32>
        %add3A_348 = arith.addf %add3A_335, %mul3A_347 : vector<16xf32>
        %mul3A_349 = arith.mulf %get3A_341, %gather3A_346 : vector<16xf32>
        %add3A_350 = arith.addf %add3A_337, %mul3A_349 : vector<16xf32>
        %get3A_351 = arith.constant 8 : i32
        %get3A_352 = arith.index_cast %get3A_351 : i32 to index
        %get3A_353 = arith.index_cast %add3A_232 : i32 to index
        %get3A_354 = tpu.vector_load %arg11[%get3A_352, %get3A_353] {strides = array<i32>} : memref<32x512xf32, #tpu.memory_space<vmem>>, vector<16xf32>,
        %broadcast_in_dim3A_355 = arith.constant 1 : i32
        %broadcast_in_dim3A_356 = vector.broadcast %broadcast_in_dim3A_355 : i32 to vector<16xi32>
        %broadcast_in_dim3A_357 = arith.constant 0 : i32
        %broadcast_in_dim3A_358 = vector.broadcast %broadcast_in_dim3A_357 : i32 to vector<16xi32>
        %gather3A_359 = tpu.vector_load_idx %arg10[%broadcast_in_dim3A_356, %broadcast_in_dim3A_358, %add3A_243] : memref<4x8x2064xf32, #tpu.memory_space<vmem>>[vector<16xi32>, vector<16xi32>, vector<16xi32>], vector<16xf32>,
        %mul3A_360 = arith.mulf %get3A_354, %get3A_354 : vector<16xf32>
        %add3A_361 = arith.addf %add3A_348, %mul3A_360 : vector<16xf32>
        %mul3A_362 = arith.mulf %get3A_354, %gather3A_359 : vector<16xf32>
        %add3A_363 = arith.addf %add3A_350, %mul3A_362 : vector<16xf32>
        %get3A_364 = arith.constant 9 : i32
        %get3A_365 = arith.index_cast %get3A_364 : i32 to index
        %get3A_366 = arith.index_cast %add3A_232 : i32 to index
        %get3A_367 = tpu.vector_load %arg11[%get3A_365, %get3A_366] {strides = array<i32>} : memref<32x512xf32, #tpu.memory_space<vmem>>, vector<16xf32>,
        %broadcast_in_dim3A_368 = arith.constant 1 : i32
        %broadcast_in_dim3A_369 = vector.broadcast %broadcast_in_dim3A_368 : i32 to vector<16xi32>
        %broadcast_in_dim3A_370 = arith.constant 1 : i32
        %broadcast_in_dim3A_371 = vector.broadcast %broadcast_in_dim3A_370 : i32 to vector<16xi32>
        %gather3A_372 = tpu.vector_load_idx %arg10[%broadcast_in_dim3A_369, %broadcast_in_dim3A_371, %add3A_243] : memref<4x8x2064xf32, #tpu.memory_space<vmem>>[vector<16xi32>, vector<16xi32>, vector<16xi32>], vector<16xf32>,
        %mul3A_373 = arith.mulf %get3A_367, %get3A_367 : vector<16xf32>
        %add3A_374 = arith.addf %add3A_361, %mul3A_373 : vector<16xf32>
        %mul3A_375 = arith.mulf %get3A_367, %gather3A_372 : vector<16xf32>
        %add3A_376 = arith.addf %add3A_363, %mul3A_375 : vector<16xf32>
        %get3A_377 = arith.constant 10 : i32
        %get3A_378 = arith.index_cast %get3A_377 : i32 to index
        %get3A_379 = arith.index_cast %add3A_232 : i32 to index
        %get3A_380 = tpu.vector_load %arg11[%get3A_378, %get3A_379] {strides = array<i32>} : memref<32x512xf32, #tpu.memory_space<vmem>>, vector<16xf32>,
        %broadcast_in_dim3A_381 = arith.constant 1 : i32
        %broadcast_in_dim3A_382 = vector.broadcast %broadcast_in_dim3A_381 : i32 to vector<16xi32>
        %broadcast_in_dim3A_383 = arith.constant 2 : i32
        %broadcast_in_dim3A_384 = vector.broadcast %broadcast_in_dim3A_383 : i32 to vector<16xi32>
        %gather3A_385 = tpu.vector_load_idx %arg10[%broadcast_in_dim3A_382, %broadcast_in_dim3A_384, %add3A_243] : memref<4x8x2064xf32, #tpu.memory_space<vmem>>[vector<16xi32>, vector<16xi32>, vector<16xi32>], vector<16xf32>,
        %mul3A_386 = arith.mulf %get3A_380, %get3A_380 : vector<16xf32>
        %add3A_387 = arith.addf %add3A_374, %mul3A_386 : vector<16xf32>
        %mul3A_388 = arith.mulf %get3A_380, %gather3A_385 : vector<16xf32>
        %add3A_389 = arith.addf %add3A_376, %mul3A_388 : vector<16xf32>
        %get3A_390 = arith.constant 11 : i32
        %get3A_391 = arith.index_cast %get3A_390 : i32 to index
        %get3A_392 = arith.index_cast %add3A_232 : i32 to index
        %get3A_393 = tpu.vector_load %arg11[%get3A_391, %get3A_392] {strides = array<i32>} : memref<32x512xf32, #tpu.memory_space<vmem>>, vector<16xf32>,
        %broadcast_in_dim3A_394 = arith.constant 1 : i32
        %broadcast_in_dim3A_395 = vector.broadcast %broadcast_in_dim3A_394 : i32 to vector<16xi32>
        %broadcast_in_dim3A_396 = arith.constant 3 : i32
        %broadcast_in_dim3A_397 = vector.broadcast %broadcast_in_dim3A_396 : i32 to vector<16xi32>
        %gather3A_398 = tpu.vector_load_idx %arg10[%broadcast_in_dim3A_395, %broadcast_in_dim3A_397, %add3A_243] : memref<4x8x2064xf32, #tpu.memory_space<vmem>>[vector<16xi32>, vector<16xi32>, vector<16xi32>], vector<16xf32>,
        %mul3A_399 = arith.mulf %get3A_393, %get3A_393 : vector<16xf32>
        %add3A_400 = arith.addf %add3A_387, %mul3A_399 : vector<16xf32>
        %mul3A_401 = arith.mulf %get3A_393, %gather3A_398 : vector<16xf32>
        %add3A_402 = arith.addf %add3A_389, %mul3A_401 : vector<16xf32>
        %get3A_403 = arith.constant 12 : i32
        %get3A_404 = arith.index_cast %get3A_403 : i32 to index
        %get3A_405 = arith.index_cast %add3A_232 : i32 to index
        %get3A_406 = tpu.vector_load %arg11[%get3A_404, %get3A_405] {strides = array<i32>} : memref<32x512xf32, #tpu.memory_space<vmem>>, vector<16xf32>,
        %broadcast_in_dim3A_407 = arith.constant 1 : i32
        %broadcast_in_dim3A_408 = vector.broadcast %broadcast_in_dim3A_407 : i32 to vector<16xi32>
        %broadcast_in_dim3A_409 = arith.constant 4 : i32
        %broadcast_in_dim3A_410 = vector.broadcast %broadcast_in_dim3A_409 : i32 to vector<16xi32>
        %gather3A_411 = tpu.vector_load_idx %arg10[%broadcast_in_dim3A_408, %broadcast_in_dim3A_410, %add3A_243] : memref<4x8x2064xf32, #tpu.memory_space<vmem>>[vector<16xi32>, vector<16xi32>, vector<16xi32>], vector<16xf32>,
        %mul3A_412 = arith.mulf %get3A_406, %get3A_406 : vector<16xf32>
        %add3A_413 = arith.addf %add3A_400, %mul3A_412 : vector<16xf32>
        %mul3A_414 = arith.mulf %get3A_406, %gather3A_411 : vector<16xf32>
        %add3A_415 = arith.addf %add3A_402, %mul3A_414 : vector<16xf32>
        %get3A_416 = arith.constant 13 : i32
        %get3A_417 = arith.index_cast %get3A_416 : i32 to index
        %get3A_418 = arith.index_cast %add3A_232 : i32 to index
        %get3A_419 = tpu.vector_load %arg11[%get3A_417, %get3A_418] {strides = array<i32>} : memref<32x512xf32, #tpu.memory_space<vmem>>, vector<16xf32>,
        %broadcast_in_dim3A_420 = arith.constant 1 : i32
        %broadcast_in_dim3A_421 = vector.broadcast %broadcast_in_dim3A_420 : i32 to vector<16xi32>
        %broadcast_in_dim3A_422 = arith.constant 5 : i32
        %broadcast_in_dim3A_423 = vector.broadcast %broadcast_in_dim3A_422 : i32 to vector<16xi32>
        %gather3A_424 = tpu.vector_load_idx %arg10[%broadcast_in_dim3A_421, %broadcast_in_dim3A_423, %add3A_243] : memref<4x8x2064xf32, #tpu.memory_space<vmem>>[vector<16xi32>, vector<16xi32>, vector<16xi32>], vector<16xf32>,
        %mul3A_425 = arith.mulf %get3A_419, %get3A_419 : vector<16xf32>
        %add3A_426 = arith.addf %add3A_413, %mul3A_425 : vector<16xf32>
        %mul3A_427 = arith.mulf %get3A_419, %gather3A_424 : vector<16xf32>
        %add3A_428 = arith.addf %add3A_415, %mul3A_427 : vector<16xf32>
        %get3A_429 = arith.constant 14 : i32
        %get3A_430 = arith.index_cast %get3A_429 : i32 to index
        %get3A_431 = arith.index_cast %add3A_232 : i32 to index
        %get3A_432 = tpu.vector_load %arg11[%get3A_430, %get3A_431] {strides = array<i32>} : memref<32x512xf32, #tpu.memory_space<vmem>>, vector<16xf32>,
        %broadcast_in_dim3A_433 = arith.constant 1 : i32
        %broadcast_in_dim3A_434 = vector.broadcast %broadcast_in_dim3A_433 : i32 to vector<16xi32>
        %broadcast_in_dim3A_435 = arith.constant 6 : i32
        %broadcast_in_dim3A_436 = vector.broadcast %broadcast_in_dim3A_435 : i32 to vector<16xi32>
        %gather3A_437 = tpu.vector_load_idx %arg10[%broadcast_in_dim3A_434, %broadcast_in_dim3A_436, %add3A_243] : memref<4x8x2064xf32, #tpu.memory_space<vmem>>[vector<16xi32>, vector<16xi32>, vector<16xi32>], vector<16xf32>,
        %mul3A_438 = arith.mulf %get3A_432, %get3A_432 : vector<16xf32>
        %add3A_439 = arith.addf %add3A_426, %mul3A_438 : vector<16xf32>
        %mul3A_440 = arith.mulf %get3A_432, %gather3A_437 : vector<16xf32>
        %add3A_441 = arith.addf %add3A_428, %mul3A_440 : vector<16xf32>
        %get3A_442 = arith.constant 15 : i32
        %get3A_443 = arith.index_cast %get3A_442 : i32 to index
        %get3A_444 = arith.index_cast %add3A_232 : i32 to index
        %get3A_445 = tpu.vector_load %arg11[%get3A_443, %get3A_444] {strides = array<i32>} : memref<32x512xf32, #tpu.memory_space<vmem>>, vector<16xf32>,
        %broadcast_in_dim3A_446 = arith.constant 1 : i32
        %broadcast_in_dim3A_447 = vector.broadcast %broadcast_in_dim3A_446 : i32 to vector<16xi32>
        %broadcast_in_dim3A_448 = arith.constant 7 : i32
        %broadcast_in_dim3A_449 = vector.broadcast %broadcast_in_dim3A_448 : i32 to vector<16xi32>
        %gather3A_450 = tpu.vector_load_idx %arg10[%broadcast_in_dim3A_447, %broadcast_in_dim3A_449, %add3A_243] : memref<4x8x2064xf32, #tpu.memory_space<vmem>>[vector<16xi32>, vector<16xi32>, vector<16xi32>], vector<16xf32>,
        %mul3A_451 = arith.mulf %get3A_445, %get3A_445 : vector<16xf32>
        %add3A_452 = arith.addf %add3A_439, %mul3A_451 : vector<16xf32>
        %mul3A_453 = arith.mulf %get3A_445, %gather3A_450 : vector<16xf32>
        %add3A_454 = arith.addf %add3A_441, %mul3A_453 : vector<16xf32>
        %get3A_455 = arith.constant 16 : i32
        %get3A_456 = arith.index_cast %get3A_455 : i32 to index
        %get3A_457 = arith.index_cast %add3A_232 : i32 to index
        %get3A_458 = tpu.vector_load %arg11[%get3A_456, %get3A_457] {strides = array<i32>} : memref<32x512xf32, #tpu.memory_space<vmem>>, vector<16xf32>,
        %broadcast_in_dim3A_459 = arith.constant 2 : i32
        %broadcast_in_dim3A_460 = vector.broadcast %broadcast_in_dim3A_459 : i32 to vector<16xi32>
        %broadcast_in_dim3A_461 = arith.constant 0 : i32
        %broadcast_in_dim3A_462 = vector.broadcast %broadcast_in_dim3A_461 : i32 to vector<16xi32>
        %gather3A_463 = tpu.vector_load_idx %arg10[%broadcast_in_dim3A_460, %broadcast_in_dim3A_462, %add3A_243] : memref<4x8x2064xf32, #tpu.memory_space<vmem>>[vector<16xi32>, vector<16xi32>, vector<16xi32>], vector<16xf32>,
        %mul3A_464 = arith.mulf %get3A_458, %get3A_458 : vector<16xf32>
        %add3A_465 = arith.addf %add3A_452, %mul3A_464 : vector<16xf32>
        %mul3A_466 = arith.mulf %get3A_458, %gather3A_463 : vector<16xf32>
        %add3A_467 = arith.addf %add3A_454, %mul3A_466 : vector<16xf32>
        %get3A_468 = arith.constant 17 : i32
        %get3A_469 = arith.index_cast %get3A_468 : i32 to index
        %get3A_470 = arith.index_cast %add3A_232 : i32 to index
        %get3A_471 = tpu.vector_load %arg11[%get3A_469, %get3A_470] {strides = array<i32>} : memref<32x512xf32, #tpu.memory_space<vmem>>, vector<16xf32>,
        %broadcast_in_dim3A_472 = arith.constant 2 : i32
        %broadcast_in_dim3A_473 = vector.broadcast %broadcast_in_dim3A_472 : i32 to vector<16xi32>
        %broadcast_in_dim3A_474 = arith.constant 1 : i32
        %broadcast_in_dim3A_475 = vector.broadcast %broadcast_in_dim3A_474 : i32 to vector<16xi32>
        %gather3A_476 = tpu.vector_load_idx %arg10[%broadcast_in_dim3A_473, %broadcast_in_dim3A_475, %add3A_243] : memref<4x8x2064xf32, #tpu.memory_space<vmem>>[vector<16xi32>, vector<16xi32>, vector<16xi32>], vector<16xf32>,
        %mul3A_477 = arith.mulf %get3A_471, %get3A_471 : vector<16xf32>
        %add3A_478 = arith.addf %add3A_465, %mul3A_477 : vector<16xf32>
        %mul3A_479 = arith.mulf %get3A_471, %gather3A_476 : vector<16xf32>
        %add3A_480 = arith.addf %add3A_467, %mul3A_479 : vector<16xf32>
        %get3A_481 = arith.constant 18 : i32
        %get3A_482 = arith.index_cast %get3A_481 : i32 to index
        %get3A_483 = arith.index_cast %add3A_232 : i32 to index
        %get3A_484 = tpu.vector_load %arg11[%get3A_482, %get3A_483] {strides = array<i32>} : memref<32x512xf32, #tpu.memory_space<vmem>>, vector<16xf32>,
        %broadcast_in_dim3A_485 = arith.constant 2 : i32
        %broadcast_in_dim3A_486 = vector.broadcast %broadcast_in_dim3A_485 : i32 to vector<16xi32>
        %broadcast_in_dim3A_487 = arith.constant 2 : i32
        %broadcast_in_dim3A_488 = vector.broadcast %broadcast_in_dim3A_487 : i32 to vector<16xi32>
        %gather3A_489 = tpu.vector_load_idx %arg10[%broadcast_in_dim3A_486, %broadcast_in_dim3A_488, %add3A_243] : memref<4x8x2064xf32, #tpu.memory_space<vmem>>[vector<16xi32>, vector<16xi32>, vector<16xi32>], vector<16xf32>,
        %mul3A_490 = arith.mulf %get3A_484, %get3A_484 : vector<16xf32>
        %add3A_491 = arith.addf %add3A_478, %mul3A_490 : vector<16xf32>
        %mul3A_492 = arith.mulf %get3A_484, %gather3A_489 : vector<16xf32>
        %add3A_493 = arith.addf %add3A_480, %mul3A_492 : vector<16xf32>
        %get3A_494 = arith.constant 19 : i32
        %get3A_495 = arith.index_cast %get3A_494 : i32 to index
        %get3A_496 = arith.index_cast %add3A_232 : i32 to index
        %get3A_497 = tpu.vector_load %arg11[%get3A_495, %get3A_496] {strides = array<i32>} : memref<32x512xf32, #tpu.memory_space<vmem>>, vector<16xf32>,
        %broadcast_in_dim3A_498 = arith.constant 2 : i32
        %broadcast_in_dim3A_499 = vector.broadcast %broadcast_in_dim3A_498 : i32 to vector<16xi32>
        %broadcast_in_dim3A_500 = arith.constant 3 : i32
        %broadcast_in_dim3A_501 = vector.broadcast %broadcast_in_dim3A_500 : i32 to vector<16xi32>
        %gather3A_502 = tpu.vector_load_idx %arg10[%broadcast_in_dim3A_499, %broadcast_in_dim3A_501, %add3A_243] : memref<4x8x2064xf32, #tpu.memory_space<vmem>>[vector<16xi32>, vector<16xi32>, vector<16xi32>], vector<16xf32>,
        %mul3A_503 = arith.mulf %get3A_497, %get3A_497 : vector<16xf32>
        %add3A_504 = arith.addf %add3A_491, %mul3A_503 : vector<16xf32>
        %mul3A_505 = arith.mulf %get3A_497, %gather3A_502 : vector<16xf32>
        %add3A_506 = arith.addf %add3A_493, %mul3A_505 : vector<16xf32>
        %get3A_507 = arith.constant 20 : i32
        %get3A_508 = arith.index_cast %get3A_507 : i32 to index
        %get3A_509 = arith.index_cast %add3A_232 : i32 to index
        %get3A_510 = tpu.vector_load %arg11[%get3A_508, %get3A_509] {strides = array<i32>} : memref<32x512xf32, #tpu.memory_space<vmem>>, vector<16xf32>,
        %broadcast_in_dim3A_511 = arith.constant 2 : i32
        %broadcast_in_dim3A_512 = vector.broadcast %broadcast_in_dim3A_511 : i32 to vector<16xi32>
        %broadcast_in_dim3A_513 = arith.constant 4 : i32
        %broadcast_in_dim3A_514 = vector.broadcast %broadcast_in_dim3A_513 : i32 to vector<16xi32>
        %gather3A_515 = tpu.vector_load_idx %arg10[%broadcast_in_dim3A_512, %broadcast_in_dim3A_514, %add3A_243] : memref<4x8x2064xf32, #tpu.memory_space<vmem>>[vector<16xi32>, vector<16xi32>, vector<16xi32>], vector<16xf32>,
        %mul3A_516 = arith.mulf %get3A_510, %get3A_510 : vector<16xf32>
        %add3A_517 = arith.addf %add3A_504, %mul3A_516 : vector<16xf32>
        %mul3A_518 = arith.mulf %get3A_510, %gather3A_515 : vector<16xf32>
        %add3A_519 = arith.addf %add3A_506, %mul3A_518 : vector<16xf32>
        %get3A_520 = arith.constant 21 : i32
        %get3A_521 = arith.index_cast %get3A_520 : i32 to index
        %get3A_522 = arith.index_cast %add3A_232 : i32 to index
        %get3A_523 = tpu.vector_load %arg11[%get3A_521, %get3A_522] {strides = array<i32>} : memref<32x512xf32, #tpu.memory_space<vmem>>, vector<16xf32>,
        %broadcast_in_dim3A_524 = arith.constant 2 : i32
        %broadcast_in_dim3A_525 = vector.broadcast %broadcast_in_dim3A_524 : i32 to vector<16xi32>
        %broadcast_in_dim3A_526 = arith.constant 5 : i32
        %broadcast_in_dim3A_527 = vector.broadcast %broadcast_in_dim3A_526 : i32 to vector<16xi32>
        %gather3A_528 = tpu.vector_load_idx %arg10[%broadcast_in_dim3A_525, %broadcast_in_dim3A_527, %add3A_243] : memref<4x8x2064xf32, #tpu.memory_space<vmem>>[vector<16xi32>, vector<16xi32>, vector<16xi32>], vector<16xf32>,
        %mul3A_529 = arith.mulf %get3A_523, %get3A_523 : vector<16xf32>
        %add3A_530 = arith.addf %add3A_517, %mul3A_529 : vector<16xf32>
        %mul3A_531 = arith.mulf %get3A_523, %gather3A_528 : vector<16xf32>
        %add3A_532 = arith.addf %add3A_519, %mul3A_531 : vector<16xf32>
        %get3A_533 = arith.constant 22 : i32
        %get3A_534 = arith.index_cast %get3A_533 : i32 to index
        %get3A_535 = arith.index_cast %add3A_232 : i32 to index
        %get3A_536 = tpu.vector_load %arg11[%get3A_534, %get3A_535] {strides = array<i32>} : memref<32x512xf32, #tpu.memory_space<vmem>>, vector<16xf32>,
        %broadcast_in_dim3A_537 = arith.constant 2 : i32
        %broadcast_in_dim3A_538 = vector.broadcast %broadcast_in_dim3A_537 : i32 to vector<16xi32>
        %broadcast_in_dim3A_539 = arith.constant 6 : i32
        %broadcast_in_dim3A_540 = vector.broadcast %broadcast_in_dim3A_539 : i32 to vector<16xi32>
        %gather3A_541 = tpu.vector_load_idx %arg10[%broadcast_in_dim3A_538, %broadcast_in_dim3A_540, %add3A_243] : memref<4x8x2064xf32, #tpu.memory_space<vmem>>[vector<16xi32>, vector<16xi32>, vector<16xi32>], vector<16xf32>,
        %mul3A_542 = arith.mulf %get3A_536, %get3A_536 : vector<16xf32>
        %add3A_543 = arith.addf %add3A_530, %mul3A_542 : vector<16xf32>
        %mul3A_544 = arith.mulf %get3A_536, %gather3A_541 : vector<16xf32>
        %add3A_545 = arith.addf %add3A_532, %mul3A_544 : vector<16xf32>
        %get3A_546 = arith.constant 23 : i32
        %get3A_547 = arith.index_cast %get3A_546 : i32 to index
        %get3A_548 = arith.index_cast %add3A_232 : i32 to index
        %get3A_549 = tpu.vector_load %arg11[%get3A_547, %get3A_548] {strides = array<i32>} : memref<32x512xf32, #tpu.memory_space<vmem>>, vector<16xf32>,
        %broadcast_in_dim3A_550 = arith.constant 2 : i32
        %broadcast_in_dim3A_551 = vector.broadcast %broadcast_in_dim3A_550 : i32 to vector<16xi32>
        %broadcast_in_dim3A_552 = arith.constant 7 : i32
        %broadcast_in_dim3A_553 = vector.broadcast %broadcast_in_dim3A_552 : i32 to vector<16xi32>
        %gather3A_554 = tpu.vector_load_idx %arg10[%broadcast_in_dim3A_551, %broadcast_in_dim3A_553, %add3A_243] : memref<4x8x2064xf32, #tpu.memory_space<vmem>>[vector<16xi32>, vector<16xi32>, vector<16xi32>], vector<16xf32>,
        %mul3A_555 = arith.mulf %get3A_549, %get3A_549 : vector<16xf32>
        %add3A_556 = arith.addf %add3A_543, %mul3A_555 : vector<16xf32>
        %mul3A_557 = arith.mulf %get3A_549, %gather3A_554 : vector<16xf32>
        %add3A_558 = arith.addf %add3A_545, %mul3A_557 : vector<16xf32>
        %get3A_559 = arith.constant 24 : i32
        %get3A_560 = arith.index_cast %get3A_559 : i32 to index
        %get3A_561 = arith.index_cast %add3A_232 : i32 to index
        %get3A_562 = tpu.vector_load %arg11[%get3A_560, %get3A_561] {strides = array<i32>} : memref<32x512xf32, #tpu.memory_space<vmem>>, vector<16xf32>,
        %broadcast_in_dim3A_563 = arith.constant 3 : i32
        %broadcast_in_dim3A_564 = vector.broadcast %broadcast_in_dim3A_563 : i32 to vector<16xi32>
        %broadcast_in_dim3A_565 = arith.constant 0 : i32
        %broadcast_in_dim3A_566 = vector.broadcast %broadcast_in_dim3A_565 : i32 to vector<16xi32>
        %gather3A_567 = tpu.vector_load_idx %arg10[%broadcast_in_dim3A_564, %broadcast_in_dim3A_566, %add3A_243] : memref<4x8x2064xf32, #tpu.memory_space<vmem>>[vector<16xi32>, vector<16xi32>, vector<16xi32>], vector<16xf32>,
        %mul3A_568 = arith.mulf %get3A_562, %get3A_562 : vector<16xf32>
        %add3A_569 = arith.addf %add3A_556, %mul3A_568 : vector<16xf32>
        %mul3A_570 = arith.mulf %get3A_562, %gather3A_567 : vector<16xf32>
        %add3A_571 = arith.addf %add3A_558, %mul3A_570 : vector<16xf32>
        %get3A_572 = arith.constant 25 : i32
        %get3A_573 = arith.index_cast %get3A_572 : i32 to index
        %get3A_574 = arith.index_cast %add3A_232 : i32 to index
        %get3A_575 = tpu.vector_load %arg11[%get3A_573, %get3A_574] {strides = array<i32>} : memref<32x512xf32, #tpu.memory_space<vmem>>, vector<16xf32>,
        %broadcast_in_dim3A_576 = arith.constant 3 : i32
        %broadcast_in_dim3A_577 = vector.broadcast %broadcast_in_dim3A_576 : i32 to vector<16xi32>
        %broadcast_in_dim3A_578 = arith.constant 1 : i32
        %broadcast_in_dim3A_579 = vector.broadcast %broadcast_in_dim3A_578 : i32 to vector<16xi32>
        %gather3A_580 = tpu.vector_load_idx %arg10[%broadcast_in_dim3A_577, %broadcast_in_dim3A_579, %add3A_243] : memref<4x8x2064xf32, #tpu.memory_space<vmem>>[vector<16xi32>, vector<16xi32>, vector<16xi32>], vector<16xf32>,
        %mul3A_581 = arith.mulf %get3A_575, %get3A_575 : vector<16xf32>
        %add3A_582 = arith.addf %add3A_569, %mul3A_581 : vector<16xf32>
        %mul3A_583 = arith.mulf %get3A_575, %gather3A_580 : vector<16xf32>
        %add3A_584 = arith.addf %add3A_571, %mul3A_583 : vector<16xf32>
        %get3A_585 = arith.constant 26 : i32
        %get3A_586 = arith.index_cast %get3A_585 : i32 to index
        %get3A_587 = arith.index_cast %add3A_232 : i32 to index
        %get3A_588 = tpu.vector_load %arg11[%get3A_586, %get3A_587] {strides = array<i32>} : memref<32x512xf32, #tpu.memory_space<vmem>>, vector<16xf32>,
        %broadcast_in_dim3A_589 = arith.constant 3 : i32
        %broadcast_in_dim3A_590 = vector.broadcast %broadcast_in_dim3A_589 : i32 to vector<16xi32>
        %broadcast_in_dim3A_591 = arith.constant 2 : i32
        %broadcast_in_dim3A_592 = vector.broadcast %broadcast_in_dim3A_591 : i32 to vector<16xi32>
        %gather3A_593 = tpu.vector_load_idx %arg10[%broadcast_in_dim3A_590, %broadcast_in_dim3A_592, %add3A_243] : memref<4x8x2064xf32, #tpu.memory_space<vmem>>[vector<16xi32>, vector<16xi32>, vector<16xi32>], vector<16xf32>,
        %mul3A_594 = arith.mulf %get3A_588, %get3A_588 : vector<16xf32>
        %add3A_595 = arith.addf %add3A_582, %mul3A_594 : vector<16xf32>
        %mul3A_596 = arith.mulf %get3A_588, %gather3A_593 : vector<16xf32>
        %add3A_597 = arith.addf %add3A_584, %mul3A_596 : vector<16xf32>
        %get3A_598 = arith.constant 27 : i32
        %get3A_599 = arith.index_cast %get3A_598 : i32 to index
        %get3A_600 = arith.index_cast %add3A_232 : i32 to index
        %get3A_601 = tpu.vector_load %arg11[%get3A_599, %get3A_600] {strides = array<i32>} : memref<32x512xf32, #tpu.memory_space<vmem>>, vector<16xf32>,
        %broadcast_in_dim3A_602 = arith.constant 3 : i32
        %broadcast_in_dim3A_603 = vector.broadcast %broadcast_in_dim3A_602 : i32 to vector<16xi32>
        %broadcast_in_dim3A_604 = arith.constant 3 : i32
        %broadcast_in_dim3A_605 = vector.broadcast %broadcast_in_dim3A_604 : i32 to vector<16xi32>
        %gather3A_606 = tpu.vector_load_idx %arg10[%broadcast_in_dim3A_603, %broadcast_in_dim3A_605, %add3A_243] : memref<4x8x2064xf32, #tpu.memory_space<vmem>>[vector<16xi32>, vector<16xi32>, vector<16xi32>], vector<16xf32>,
        %mul3A_607 = arith.mulf %get3A_601, %get3A_601 : vector<16xf32>
        %add3A_608 = arith.addf %add3A_595, %mul3A_607 : vector<16xf32>
        %mul3A_609 = arith.mulf %get3A_601, %gather3A_606 : vector<16xf32>
        %add3A_610 = arith.addf %add3A_597, %mul3A_609 : vector<16xf32>
        %get3A_611 = arith.constant 28 : i32
        %get3A_612 = arith.index_cast %get3A_611 : i32 to index
        %get3A_613 = arith.index_cast %add3A_232 : i32 to index
        %get3A_614 = tpu.vector_load %arg11[%get3A_612, %get3A_613] {strides = array<i32>} : memref<32x512xf32, #tpu.memory_space<vmem>>, vector<16xf32>,
        %broadcast_in_dim3A_615 = arith.constant 3 : i32
        %broadcast_in_dim3A_616 = vector.broadcast %broadcast_in_dim3A_615 : i32 to vector<16xi32>
        %broadcast_in_dim3A_617 = arith.constant 4 : i32
        %broadcast_in_dim3A_618 = vector.broadcast %broadcast_in_dim3A_617 : i32 to vector<16xi32>
        %gather3A_619 = tpu.vector_load_idx %arg10[%broadcast_in_dim3A_616, %broadcast_in_dim3A_618, %add3A_243] : memref<4x8x2064xf32, #tpu.memory_space<vmem>>[vector<16xi32>, vector<16xi32>, vector<16xi32>], vector<16xf32>,
        %mul3A_620 = arith.mulf %get3A_614, %get3A_614 : vector<16xf32>
        %add3A_621 = arith.addf %add3A_608, %mul3A_620 : vector<16xf32>
        %mul3A_622 = arith.mulf %get3A_614, %gather3A_619 : vector<16xf32>
        %add3A_623 = arith.addf %add3A_610, %mul3A_622 : vector<16xf32>
        %get3A_624 = arith.constant 29 : i32
        %get3A_625 = arith.index_cast %get3A_624 : i32 to index
        %get3A_626 = arith.index_cast %add3A_232 : i32 to index
        %get3A_627 = tpu.vector_load %arg11[%get3A_625, %get3A_626] {strides = array<i32>} : memref<32x512xf32, #tpu.memory_space<vmem>>, vector<16xf32>,
        %broadcast_in_dim3A_628 = arith.constant 3 : i32
        %broadcast_in_dim3A_629 = vector.broadcast %broadcast_in_dim3A_628 : i32 to vector<16xi32>
        %broadcast_in_dim3A_630 = arith.constant 5 : i32
        %broadcast_in_dim3A_631 = vector.broadcast %broadcast_in_dim3A_630 : i32 to vector<16xi32>
        %gather3A_632 = tpu.vector_load_idx %arg10[%broadcast_in_dim3A_629, %broadcast_in_dim3A_631, %add3A_243] : memref<4x8x2064xf32, #tpu.memory_space<vmem>>[vector<16xi32>, vector<16xi32>, vector<16xi32>], vector<16xf32>,
        %mul3A_633 = arith.mulf %get3A_627, %get3A_627 : vector<16xf32>
        %add3A_634 = arith.addf %add3A_621, %mul3A_633 : vector<16xf32>
        %mul3A_635 = arith.mulf %get3A_627, %gather3A_632 : vector<16xf32>
        %add3A_636 = arith.addf %add3A_623, %mul3A_635 : vector<16xf32>
        %get3A_637 = arith.constant 30 : i32
        %get3A_638 = arith.index_cast %get3A_637 : i32 to index
        %get3A_639 = arith.index_cast %add3A_232 : i32 to index
        %get3A_640 = tpu.vector_load %arg11[%get3A_638, %get3A_639] {strides = array<i32>} : memref<32x512xf32, #tpu.memory_space<vmem>>, vector<16xf32>,
        %broadcast_in_dim3A_641 = arith.constant 3 : i32
        %broadcast_in_dim3A_642 = vector.broadcast %broadcast_in_dim3A_641 : i32 to vector<16xi32>
        %broadcast_in_dim3A_643 = arith.constant 6 : i32
        %broadcast_in_dim3A_644 = vector.broadcast %broadcast_in_dim3A_643 : i32 to vector<16xi32>
        %gather3A_645 = tpu.vector_load_idx %arg10[%broadcast_in_dim3A_642, %broadcast_in_dim3A_644, %add3A_243] : memref<4x8x2064xf32, #tpu.memory_space<vmem>>[vector<16xi32>, vector<16xi32>, vector<16xi32>], vector<16xf32>,
        %mul3A_646 = arith.mulf %get3A_640, %get3A_640 : vector<16xf32>
        %add3A_647 = arith.addf %add3A_634, %mul3A_646 : vector<16xf32>
        %mul3A_648 = arith.mulf %get3A_640, %gather3A_645 : vector<16xf32>
        %add3A_649 = arith.addf %add3A_636, %mul3A_648 : vector<16xf32>
        %get3A_650 = arith.constant 31 : i32
        %get3A_651 = arith.index_cast %get3A_650 : i32 to index
        %get3A_652 = arith.index_cast %add3A_232 : i32 to index
        %get3A_653 = tpu.vector_load %arg11[%get3A_651, %get3A_652] {strides = array<i32>} : memref<32x512xf32, #tpu.memory_space<vmem>>, vector<16xf32>,
        %broadcast_in_dim3A_654 = arith.constant 3 : i32
        %broadcast_in_dim3A_655 = vector.broadcast %broadcast_in_dim3A_654 : i32 to vector<16xi32>
        %broadcast_in_dim3A_656 = arith.constant 7 : i32
        %broadcast_in_dim3A_657 = vector.broadcast %broadcast_in_dim3A_656 : i32 to vector<16xi32>
        %gather3A_658 = tpu.vector_load_idx %arg10[%broadcast_in_dim3A_655, %broadcast_in_dim3A_657, %add3A_243] : memref<4x8x2064xf32, #tpu.memory_space<vmem>>[vector<16xi32>, vector<16xi32>, vector<16xi32>], vector<16xf32>,
        %mul3A_659 = arith.mulf %get3A_653, %get3A_653 : vector<16xf32>
        %add3A_660 = arith.addf %add3A_647, %mul3A_659 : vector<16xf32>
        %mul3A_661 = arith.mulf %get3A_653, %gather3A_658 : vector<16xf32>
        %add3A_662 = arith.addf %add3A_649, %mul3A_661 : vector<16xf32>
        %bitcast3A = vector.bitcast %add3A_660 : vector<16xf32> to vector<16xi32>
        %shift_right_arithmetic3A = arith.constant 1 : i32
        %shift_right_arithmetic3A_663 = vector.broadcast %shift_right_arithmetic3A : i32 to vector<16xi32>
        %shift_right_arithmetic3A_664 = arith.shrsi %bitcast3A, %shift_right_arithmetic3A_663 : vector<16xi32>
        %sub3A = arith.constant 1597463007 : i32
        %sub3A_665 = vector.broadcast %sub3A : i32 to vector<16xi32>
        %sub3A_666 = arith.subi %sub3A_665, %shift_right_arithmetic3A_664 : vector<16xi32>
        %bitcast3A_667 = vector.bitcast %sub3A_666 : vector<16xi32> to vector<16xf32>
        %mul3A_668 = arith.constant 5.000000e-01 : f32
        %mul3A_669 = vector.broadcast %mul3A_668 : f32 to vector<16xf32>
        %mul3A_670 = arith.mulf %mul3A_669, %add3A_660 : vector<16xf32>
        %mul3A_671 = arith.mulf %mul3A_670, %bitcast3A_667 : vector<16xf32>
        %mul3A_672 = arith.mulf %mul3A_671, %bitcast3A_667 : vector<16xf32>
        %sub3A_673 = arith.constant 1.500000e+00 : f32
        %sub3A_674 = vector.broadcast %sub3A_673 : f32 to vector<16xf32>
        %sub3A_675 = arith.subf %sub3A_674, %mul3A_672 : vector<16xf32>
        %mul3A_676 = arith.mulf %bitcast3A_667, %sub3A_675 : vector<16xf32>
        %mul3A_677 = arith.constant 5.000000e-01 : f32
        %mul3A_678 = vector.broadcast %mul3A_677 : f32 to vector<16xf32>
        %mul3A_679 = arith.mulf %mul3A_678, %add3A_660 : vector<16xf32>
        %mul3A_680 = arith.mulf %mul3A_679, %mul3A_676 : vector<16xf32>
        %mul3A_681 = arith.mulf %mul3A_680, %mul3A_676 : vector<16xf32>
        %sub3A_682 = arith.constant 1.500000e+00 : f32
        %sub3A_683 = vector.broadcast %sub3A_682 : f32 to vector<16xf32>
        %sub3A_684 = arith.subf %sub3A_683, %mul3A_681 : vector<16xf32>
        %mul3A_685 = arith.mulf %mul3A_676, %sub3A_684 : vector<16xf32>
        %mul3A_686 = arith.constant 5.000000e-01 : f32
        %mul3A_687 = vector.broadcast %mul3A_686 : f32 to vector<16xf32>
        %mul3A_688 = arith.mulf %mul3A_687, %add3A_660 : vector<16xf32>
        %mul3A_689 = arith.mulf %mul3A_688, %mul3A_685 : vector<16xf32>
        %mul3A_690 = arith.mulf %mul3A_689, %mul3A_685 : vector<16xf32>
        %sub3A_691 = arith.constant 1.500000e+00 : f32
        %sub3A_692 = vector.broadcast %sub3A_691 : f32 to vector<16xf32>
        %sub3A_693 = arith.subf %sub3A_692, %mul3A_690 : vector<16xf32>
        %mul3A_694 = arith.mulf %mul3A_685, %sub3A_693 : vector<16xf32>
        %mul3A_695 = arith.mulf %add3A_662, %mul3A_694 : vector<16xf32>
        %swap3A_696 = arith.index_cast %add3A_232 : i32 to index
        %swap3A_697 = tpu.vector_load %arg12[%swap3A_696] {strides = array<i32>} : memref<512xf32, #tpu.memory_space<vmem>>, vector<16xf32>,
        tpu.vector_store %arg12[%swap3A_696], %mul3A_695 {strides = array<i32>} : memref<512xf32, #tpu.memory_space<vmem>>, vector<16xf32>,
      }
      %scan3A_228 = arith.constant 8 : i32
    }
    %scan3A_61 = arith.constant 4 : i32
    "tpu.region"() ({
      %run_scoped3A = tpu.sem_alloc : memref<!tpu.dma_semaphore, #tpu.memory_space<semaphore_mem>>
      %dma_start3A_62 = tpu.memref_slice %arg6[%mul3A_2] : memref<16384xf32, #tpu.memory_space<hbm>> -> memref<512xf32, #tpu.memory_space<hbm>>
      %dma_start3A_63 = tpu.memref_slice %arg6[%mul3A_2] : memref<16384xf32, #tpu.memory_space<hbm>> -> memref<512xf32, #tpu.memory_space<hbm>>
      tpu.enqueue_dma source(%arg12 : memref<512xf32, #tpu.memory_space<vmem>>) target(%dma_start3A_63 : memref<512xf32, #tpu.memory_space<hbm>>) target_semaphore(%run_scoped3A : memref<!tpu.dma_semaphore, #tpu.memory_space<semaphore_mem>>)
      %dma_wait3A_64 = tpu.memref_slice %arg6[%mul3A_2] : memref<16384xf32, #tpu.memory_space<hbm>> -> memref<512xf32, #tpu.memory_space<hbm>>
      %dma_wait3A_65 = tpu.memref_slice %arg6[%mul3A_2] : memref<16384xf32, #tpu.memory_space<hbm>> -> memref<512xf32, #tpu.memory_space<hbm>>
      tpu.wait_dma2 semaphore(%run_scoped3A : memref<!tpu.dma_semaphore, #tpu.memory_space<semaphore_mem>>) src(%arg12 : memref<512xf32, #tpu.memory_space<vmem>>) dst(%dma_wait3A_65 : memref<512xf32, #tpu.memory_space<hbm>>)
      tpu.yield
    }) : () -> ()
    return
  }
}

</mosaic_0001>

<sc_bundles>
// kernel: kernel.3.cloned.1.call-start
scs
__scs_entry_jumppad:
0x0: {  	(pc) =	sbr.rel $0x88, $3  }
0x1: {  	(tag) =	ssettag $0x0;
	lr =	simm.s32 $0x1  }
0x2: {  	[smem:$0x3F9D] =	sst lr;
	_ =	strace $0xD0000000  }
0x3: {  	_ = 	snop  }
0x4: {  	_ = 	snop  }
0x5: {  	_ = 	snop  }
0x6: {  	_ = 	snop  }
0x7: {  	_ = 	snop  }
__scs_overlays_trampoline_lowered:
0x8: {  	[smem:$0x3FAC] =	sst s0  }
0x9: {  	[smem:$0x3FAD] =	sst s1  }
0xa: {  	[smem:$0x3FAE] =	sst s2  }
0xb: {  	[smem:$0x3FAF] =	sst s3  }
0xc: {  	[smem:$0x3FB0] =	sst s4  }
0xd: {  	[smem:$0x3FB1] =	sst s5  }
0xe: {  	[smem:$0x3FB2] =	sst s6  }
0xf: {  	[smem:$0x3FB3] =	sst s7  }
0x10: {  	[smem:$0x3FB4] =	sst s8  }
0x11: {  	[smem:$0x3FB5] =	sst s9;
	s0 =	simm.s32 @!p0 $0x0  }
0x12: {  	s1 =	sld [smem:$0x3F9B];
	s0 =	simm.s32 @p0 $0x1  }
0x13: {  	[smem:$0x3FB6] =	sst s0;
	s0 =	simm.s32 @!p1 $0x0  }
0x14: {  	s2 =	sld [smem:$0x3F9A];
	s0 =	simm.s32 @p1 $0x1  }
0x15: {  	[smem:$0x3FB7] =	sst s0;
	s0 =	simm.s32 @!p2 $0x0  }
0x16: {  	s3 =	sld [smem:$0x3FDB];
	s0 =	simm.s32 @p2 $0x1  }
0x17: {  	s4 =	simm.s32 $0x1BF5;
	[smem:$0x3FB9] =	sst s0  }
0x18: {  	s0 =	sld [smem:$0x3F9C];
	_ =	swait.ge [sflag:s4], $0x0  }
0x19: {  	s7 =	sld [smem:$0x3F9D]  }
0x1a: {  	s8 =	sadd.s32 $0xFFFFE003, lr  }
0x1b: {  	s9 =	sadd.s32 $0xFFFFFEF7, lr;
	s5 =	simm.s32 $0xFFFFFFFF;
	p2 =	slt.u32 s8, $0xFFFFF086  }
0x1c: {  	p1 =	slt.u32 s9, $0xF7A;
	s5 =	simm.s32 @!p2 $0x0  }
0x1d: {  	s5 =	simm.s32 @p1 $0x1;
	p0 =	seq.s32 s7, s2  }
0x1e: {  	s7 =	smul.u32 @!p0 $0xF7A, s2;
	p2 =	seq.s32 @!p0 s5, $0x0  }
0x1f: {  	s9 =	smul.u32 $0xF7A, s1;
	s8 =	simm.s32 @!p0 $0x1BF5;
	p2 =	por !p2, p0  }
0x20: {  	[sflag:s8] =	ssyncset.s32 @!p0 $0xFFFFF086;
	s6 =	sadd.s32 @!p0 s3, s7;
	s7 =	simm.s32 @!p0 $0x108  }
0x21: {  	s3 =	sadd.s32 s3, s9;
	s6 =	sadd.s32 @!p0 $0x88, s6;
	s7 =	simm.s32 @p2 $0x1082  }
0x22: {  	[simem:s7], [sflag:s8] =	dma.local @!p0 [hbm:s6], $0xF7A  }
0x23: {  	s9 =	sor.u32 $0xD0000000, s2;
	s6 =	simm.s32 $0x108;
	_ =	swait.ge @!p0 [sflag:s8], $0x0  }
0x24: {  	s3 =	sadd.s32 $0x88, s3;
	s6 =	simm.s32 @!p1 $0x1082;
	[sflag:s4] =	ssyncset.s32 $0xFFFFF086  }
0x25: {  	[simem:s6], [sflag:s4] =	dma.local [hbm:s3], $0xF7A  }
0x26: {  	[smem:$0x3F9D] =	sst s1;
	(tag) =	ssettag s2;
	_ =	strace s9  }
0x27: {  	s1 =	sld [smem:$0x3FAD]  }
0x28: {  	s2 =	sld [smem:$0x3FAE]  }
0x29: {  	s4 =	sld [smem:$0x3FB0]  }
0x2a: {  	p0 =	seq.s32 s5, $0x0;
	s5 =	sld [smem:$0x3FB1]  }
0x2b: {  	s6 =	sld [smem:$0x3FB2]  }
0x2c: {  	s7 =	sld [smem:$0x3FB3]  }
0x2d: {  	s3 =	simm.s32 $0x108;
	s8 =	sld [smem:$0x3FB4]  }
0x2e: {  	s3 =	simm.s32 @!p0 $0x1082;
	s9 =	sld [smem:$0x3FB5]  }
0x2f: {  	lr =	sadd.s32 s0, s3;
	s0 =	sld [smem:$0x3FAC]  }
0x30: {  	s3 =	sld [smem:$0x3FAF]  }
0x31: {  	[smem:$0x3FB8] =	sst s10  }
0x32: {  	s10 =	sld [smem:$0x3FB6];
	_ =	sdelay $0x3  }
0x33: {  	p0 =	seq.s32 s10, $0x1;
	s10 =	sld [smem:$0x3FB8];
	_ =	sdelay $0x3  }
0x34: {  	[smem:$0x3FB8] =	sst s10  }
0x35: {  	s10 =	sld [smem:$0x3FB7];
	_ =	sdelay $0x3  }
0x36: {  	p1 =	seq.s32 s10, $0x1;
	s10 =	sld [smem:$0x3FB8];
	_ =	sdelay $0x3  }
0x37: {  	[smem:$0x3FB8] =	sst s10  }
0x38: {  	s10 =	sld [smem:$0x3FB9]  }
0x39: {  	_ = 	snop;
	(pc) =	sbr.ind lr, $3  }
0x3a: {  	_ = 	snop  }
0x3b: {  	_ = 	snop  }
0x3c: {  	p2 =	seq.s32 s10, $0x1;
	s10 =	sld [smem:$0x3FB8]  }
0x3d: {  	_ =	shalt  }
0x3e: {  	_ =	shalt  }
0x3f: {  	_ =	shalt  }
0x40: {  	_ =	shalt  }
0x41: {  	_ =	shalt  }
0x42: {  	_ =	shalt  }
0x43: {  	_ =	shalt  }
0x44: {  	_ =	shalt  }
0x45: {  	_ =	shalt  }
0x46: {  	_ =	shalt  }
0x47: {  	_ =	shalt  }
0x48: {  	_ =	shalt  }
0x49: {  	_ =	shalt  }
0x4a: {  	_ =	shalt  }
0x4b: {  	_ =	shalt  }
0x4c: {  	_ =	shalt  }
0x4d: {  	_ =	shalt  }
0x4e: {  	_ =	shalt  }
0x4f: {  	_ =	shalt  }
0x50: {  	_ =	shalt  }
0x51: {  	_ =	shalt  }
0x52: {  	_ =	shalt  }
0x53: {  	_ =	shalt  }
0x54: {  	_ =	shalt  }
0x55: {  	_ =	shalt  }
0x56: {  	_ =	shalt  }
0x57: {  	_ =	shalt  }
0x58: {  	_ =	shalt  }
0x59: {  	_ =	shalt  }
0x5a: {  	_ =	shalt  }
0x5b: {  	_ =	shalt  }
0x5c: {  	_ =	shalt  }
0x5d: {  	_ =	shalt  }
0x5e: {  	_ =	shalt  }
0x5f: {  	_ =	shalt  }
0x60: {  	_ =	shalt  }
0x61: {  	_ =	shalt  }
0x62: {  	_ =	shalt  }
0x63: {  	_ =	shalt  }
0x64: {  	_ =	shalt  }
0x65: {  	_ =	shalt  }
0x66: {  	_ =	shalt  }
0x67: {  	_ =	shalt  }
0x68: {  	_ =	shalt  }
0x69: {  	_ =	shalt  }
0x6a: {  	_ =	shalt  }
0x6b: {  	_ =	shalt  }
0x6c: {  	_ =	shalt  }
0x6d: {  	_ =	shalt  }
0x6e: {  	_ =	shalt  }
0x6f: {  	_ =	shalt  }
0x70: {  	_ =	shalt  }
0x71: {  	_ =	shalt  }
0x72: {  	_ =	shalt  }
0x73: {  	_ =	shalt  }
0x74: {  	_ =	shalt  }
0x75: {  	_ =	shalt  }
0x76: {  	_ =	shalt  }
0x77: {  	_ =	shalt  }
0x78: {  	_ =	shalt  }
0x79: {  	_ =	shalt  }
0x7a: {  	_ =	shalt  }
0x7b: {  	_ =	shalt  }
0x7c: {  	_ =	shalt  }
0x7d: {  	_ =	shalt  }
0x7e: {  	_ =	shalt  }
0x7f: {  	_ =	shalt  }
0x80: {  	_ =	shalt  }
0x81: {  	_ =	shalt  }
0x82: {  	_ =	shalt  }
0x83: {  	_ =	shalt  }
0x84: {  	_ =	shalt  }
0x85: {  	_ =	shalt  }
0x86: {  	_ =	shalt  }
0x87: {  	_ =	shalt  }
.Lfunc_end0:
.L_simem_size_0:
called_computation_lowered:
.L_overlay_start_0:
0x88: {  	s2 =	sld [smem:$0x3FD9]  }
0x89: {  	s3 =	sld [smem:$0x3FFE];
	_ =	sdelay $0x1  }
0x8a: {  	s1 =	srdreg.scid  }
0x8b: {  	s0 =	sand.u32 $0x1, s1  }
0x8c: {  	s18 =	sshll.u32 s0, $0xA;
	s2 =	sadd.s32 s3, s2  }
0x8d: {  	s2 =	sadd.s32 s2, s18  }
0x8e: {  	[smem:$0x3FC4] =	sst s2  }
0x8f: {  	_ = 	snop  }
0x90: {  	s2 =	sld [smem:$0x3FC9]  }
0x91: {  	s19 =	sld [smem:$0x3FC8]  }
0x92: {  	s4 =	sld [smem:$0x3FC7]  }
0x93: {  	s5 =	sld [smem:$0x3FC6]  }
0x94: {  	s6 =	sld [smem:$0x3FD0];
	(tm) =	ssettm $0x1  }
0x95: {  	s7 =	sld [smem:$0x3FFB];
	_ =	sdelay $0x3  }
0x96: {  	_ =	strace s7  }
0x97: {  	s7 =	sld [smem:$0x3FFC];
	_ =	sdelay $0x3  }
0x98: {  	_ =	strace s7  }
0x99: {  	s7 =	sld [smem:$0x3FFD];
	_ =	sdelay $0x3  }
0x9a: {  	_ =	strace s7  }
0x9b: {  	_ =	strace $0x8FFFFFFF  }
0x9c: {  	s20 =	sld [smem:$0x3FDB];
	_ =	sdelay $0x1  }
0x9d: {  	s8 =	simm.s32 $_scs_section_size  }
0x9e: {  	s9 =	simm.s32 $_size__tile_overlayer_lowered;
	s10 =	simm.s32 $_tile_overlayer_lowered  }
0x9f: {  	s23 =	simm.s32 $0x1BFF;
	s22 =	sshll.u32 s10, $0x1;
	s7 =	sadd.s32 s8, s20  }
0xa0: {  	s11 =	simm.s32 $0x0;
	s21 =	sshll.u32 s9, $0x1;
	s9 =	sadd.s32 s22, s7  }
0xa1: {  	[timem:s11], [sflag:s23] =	dma.local [hbm:s9], s21  }
0xa2: {  	_ =	swait.ge [sflag:s23], s21  }
0xa3: {  	s8 =	ssub.s32 $0x0, s21;
	[sflag:s23] =	ssyncset.done $0x0  }
0xa4: {  	[sflag:s23] =	ssyncadd.s32 s8;
	_ =	sdelay $0x1  }
0xa5: {  	s24 =	simm.s32 $0x1B8B  }
0xa6: {  	_ =	swait.ge [sflag:s24], $0x1  }
0xa7: {  	[sflag:s24] =	ssyncset.done $0x0  }
0xa8: {  	s25 =	simm.s32 $0x1B8E;
	[sflag:s24] =	ssyncadd.s32 $0xFFFFFFFF  }
0xa9: {  	s26 =	simm.s32 $execute0_lowered;
	[smem:$0x3FD2] =	sst s25  }
0xaa: {  	s8 =	sshll.u32 s26, $0x1;
	_ =	strace $0x80000046;
	[dreg:$0x1] =	wrdreg $0xFFFFFFFF  }
0xab: {  	s28 =	simm.s32 $_size_execute0_lowered;
	s7 =	sadd.s32 s7, s8;
	[dreg:$0x0] =	wrdreg $0x0  }
0xac: {  	s8 =	sshll.u32 s28, $0x1;
	[dreg:$0x2] =	wrdreg s7  }
0xad: {  	[dreg:$0x3] =	wrdreg s8  }
0xae: {  	[dreg:$0x4] =	wrdreg $0xC0  }
0xaf: {  	_ =	task [dreg:s11], $0x5FFFF  }
0xb0: {  	[dreg:$0x1] =	wrdreg $0xFFFFFFFF  }
0xb1: {  	[dreg:$0x0] =	wrdreg $0x60  }
0xb2: {  	[dreg:$0x2] =	wrdreg s2  }
0xb3: {  	[dreg:$0x3] =	wrdreg s19  }
0xb4: {  	[dreg:$0x4] =	wrdreg s4  }
0xb5: {  	[dreg:$0x5] =	wrdreg s5  }
0xb6: {  	[dreg:$0x6] =	wrdreg s6  }
0xb7: {  	[dreg:$0x7] =	wrdreg $0x9  }
0xb8: {  	_ =	task.clear_ibuf [dreg:s11], $0x8FFFF;
	_ =	strace $0x90000046  }
0xb9: {  	s29 =	simm.s32 $0x9;
	_ =	strace $0x80000048  }
0xba: {  	_ =	swait.ge [sflag:s29], $0x1  }
0xbb: {  	[sflag:s29] =	ssyncadd.s32 $0xFFFFFFFF  }
0xbc: {  	_ =	strace $0x90000048  }
0xbd: {  	_ =	sfence  }
0xbe: {  	s30 =	sld [smem:$0x0];
	_ =	sdelay $0x2  }
0xbf: {  	s31 =	sshll.u32 s1, $0xD;
	s1 =	sshrl.u32 s1, $0x2  }
0xc0: {  	s3 =	sand.u32 $0x4000, s31;
	s1 =	sadd.s32 s1, s30  }
0xc1: {  	s0 =	sor.u32 s3, s0;
	s1 =	sshll.u32 s1, $0x11  }
0xc2: {  	s0 =	sor.u32 s1, s0  }
0xc3: {  	s0 =	sadd.s32 $0x8F2B, s0  }
0xc4: {  	[sflag:s0] =	ssyncadd.remote.s32 $0x1  }
0xc5: {  	_ =	sfence.sel $0xFFFF  }
0xc6: {  	[dreg:$0x0] =	wrdreg $0xFFFFFFFF;
	(pc) =	sbr.abs _section_cstart, $3  }
0xc7: {  	[dreg:$0x1] =	wrdreg $0xFFFFFFFF  }
0xc8: {  	_ =	task.clear_ibuf [dreg:s11], $0x2FFFF;
	_ =	strace $0x9FFFFFFF  }
0xc9: {  	(tm) =	ssettm $0x7FFFFFFF  }
tec
execute0_lowered:
.L_overlay_start_1:
0x0: {  	(tag) =	ssettag $0x1  }
0x1: {  	s1 =	rddreg [dreg:$0x1]  }
0x2: {  	s2 =	rddreg [dreg:$0x2]  }
0x3: {  	s3 =	rddreg [dreg:$0x3];
	s4 =	srdreg.scid  }
0x4: {  	s5 =	rddreg [dreg:$0x4];
	s0 =	stileid.u32  }
0x5: {  	s16 =	simm.s32 $0x1;
	s20 =	simm.s32 $0x2;
	s6 =	sand.u32 $0x1, s4  }
0x6: {  	s7 =	sshll.u32 s0, $0xA;
	s4 =	simm.s32 $0x0;
	s8 =	sshll.u32 s6, $0x9  }
0x7: {  	s6 =	ssub.s32 $0x2, s6;
	[smem:$0x7FF] =	sst s4;
	s7 =	sor.u32 s8, s7  }
0x8: {  	s26 =	sshrl.u32 s6, $0x1;
	s9 =	sshrl.u32 s7, $0x3;
	s29 =	sadd.s32 s2, s7  }
0x9: {  	_ =	strace $0x80000047;
	s28 =	sadd.s32 s1, s9;
	[dreg:$0x7] =	wrdreg s29  }
0xa: {  	v0 =	vlaneseq.u32;
	s8 =	ssub.s32 s6, s26;
	s30 =	sadd.s32 s5, s9;
	[dreg:$0x6] =	wrdreg s28  }
0xb: {  	s21 =	simm.s32 $0xC00;
	v2 =	vand.u32 $0x7, v0;
	s31 =	smax.u32 s8, $0x1;
	[dreg:$0x8] =	wrdreg s30  }
0xc: {  	v1 =	vimm.s32 $0x80;
	s23 =	simm.s32 $0x0;
	v3 =	vmul.u32 $0x80, v0;
	v2 =	vmul.u32 $0x10, v2;
	s9 =	simm.s32 $0x3;
	[dreg:$0x9] =	wrdreg s31  }
.LBB2_1:
0xd: {  	s0 =	rddreg [dreg:$0x6]  }
0xe: {  	[tilespmem:s4], [sflag:$0x3] =	stream.linear.gather [hbm4b:s0+s4], $0x200, $0x38;
	[tilespmem:$0x15E00] =	vst v63  }
0xf: {  	_ =	swait.ge [sflag:s9], $0x200  }
0x10: {  	[sflag:s9] =	ssyncset.done $0x0  }
0x11: {  	[sflag:s9] =	ssyncadd.s32 $0xFFFFFE00  }
0x12: {  	s24 =	simm.s32 $0x200;
	s1 =	simm.s32 $0x80;
	s18 =	rddreg [dreg:$0x0]  }
0x13: {  	[tilespmem:s24], [sflag:$0x1] =	stream.indirect.gather [hbm4b:s18+s1], $0x1, s4, s1, $0xb8;
	[tilespmem:$0x15E00] =	vst v63  }
0x14: {  	s2 =	simm.s32 $0x280  }
0x15: {  	[tilespmem:s2], [sflag:$0x1] =	stream.indirect.gather [hbm4b:s18+s1], $0x1, s1, s1, $0xb8;
	[tilespmem:$0x15E00] =	vst v63  }
0x16: {  	s19 =	simm.s32 $0x100;
	s5 =	simm.s32 $0x300  }
0x17: {  	[tilespmem:s5], [sflag:$0x1] =	stream.indirect.gather [hbm4b:s18+s1], $0x1, s19, s1, $0xb8;
	[tilespmem:$0x15E00] =	vst v63  }
0x18: {  	s22 =	simm.s32 $0x180;
	s25 =	simm.s32 $0x380  }
0x19: {  	[tilespmem:s25], [sflag:$0x1] =	stream.indirect.gather [hbm4b:s18+s1], $0x1, s22, s1, $0xb8;
	[tilespmem:$0x15E00] =	vst v63  }
0x1a: {  	_ =	swait.ge [sflag:s16], $0x80  }
0x1b: {  	[sflag:s16] =	ssyncset.done $0x0  }
0x1c: {  	[sflag:s16] =	ssyncadd.s32 $0xFFFFFF80  }
0x1d: {  	_ =	swait.ge [sflag:s16], $0x80  }
0x1e: {  	[sflag:s16] =	ssyncset.done $0x0  }
0x1f: {  	[sflag:s16] =	ssyncadd.s32 $0xFFFFFF80  }
0x20: {  	_ =	swait.ge [sflag:s16], $0x80  }
0x21: {  	[sflag:s16] =	ssyncset.done $0x0  }
0x22: {  	[sflag:s16] =	ssyncadd.s32 $0xFFFFFF80  }
0x23: {  	_ =	swait.ge [sflag:s16], $0x80  }
0x24: {  	s29 =	simm.s32 $0x1000;
	s30 =	simm.s32 $0x20000;
	[sflag:s16] =	ssyncset.done $0x0  }
0x25: {  	s31 =	simm.s32 $0x11C00;
	s26 =	rddreg [dreg:$0x7];
	[sflag:s16] =	ssyncadd.s32 $0xFFFFFF80  }
0x26: {  	[tilespmem:s31], [sflag:$0x1] =	stream.strided.gather [hbm4b:s26+s29], $0x4000, s30, s29, $0x38;
	[tilespmem:$0x15E00] =	vst v63  }
0x27: {  	_ =	swait.ge [sflag:s16], $0x4000  }
0x28: {  	s28 =	simm.s32 $0x0;
	[sflag:s16] =	ssyncset.done $0x0  }
0x29: {  	s25 =	simm.s32 $0x15C00;
	s26 =	simm.s32 $0x0;
	[sflag:s16] =	ssyncadd.s32 $0xFFFFC000  }
.LBB2_2:
0x2a: {  	v4 =	vld [tilespmem:s24+$0x0];
	_ =	sdelay $0x4  }
0x2b: {  	v5 =	vshrl.u32 v4, $0x4  }
0x2c: {  	v5 =	vand.u32 $0x7, v5  }
0x2d: {  	vm0 =	veq.s32 v5, $0x0  }
0x2e: {  	v6 =	vmpcnt.ones.xlane vm0;
	_ =	sdelay $0x1  }
0x2f: {  	(v2sf) =	vpush v6, $0x0  }
0x30: {  	vm1 =	veq.s32 v5, $0x1  }
0x31: {  	vm2 =	veq.s32 v5, $0x3;
	v6 =	vmpcnt.ones.xlane vm1  }
0x32: {  	v4 =	vshll.u32 v4, $0x1;
	vm11 =	veq.s32 v5, $0x2;
	v7 =	vmpcnt.ones.xlane vm2  }
0x33: {  	s1 =	simm.s32 $0x0;
	v4 =	vand.u32 $0xFFFFFF00, v4;
	v8 =	vmpcnt.ones.xlane vm11;
	(v2sf) =	vpush v6, $0x0  }
0x34: {  	s2 =	simm.s32 $0x0;
	v4 =	vor.u32 s1, v4;
	vm12 =	veq.s32 v5, $0x5;
	(v2sf) =	vpush v7, $0x0  }
0x35: {  	s5 =	sand.u32 $0x7F, s1;
	s2 =	sand.u32 $0xFFFFFC00, s2;
	vm13 =	veq.s32 v5, $0x4;
	v6 =	vmpcnt.ones.xlane vm12;
	(v2sf) =	vpush v8, $0x0  }
0x36: {  	s2 =	sor.u32 s5, s2;
	v4 =	vor.u32 v0, v4;
	v7 =	vmpcnt.ones.xlane vm13  }
0x37: {  	[tilespmem:s2+$0x400] =	vst.msk vm0, v4;
	(v2sf) =	vpush v6, $0x0  }
0x38: {  	vm14 =	veq.s32 v5, $0x7;
	[tilespmem:s2+$0x480] =	vst.msk vm1, v4;
	(v2sf) =	vpush v7, $0x0  }
0x39: {  	vm15 =	veq.s32 v5, $0x6;
	v5 =	vmpcnt.ones.xlane vm14;
	[tilespmem:s2+$0x500] =	vst.msk vm11, v4  }
0x3a: {  	[tilespmem:s2+$0x580] =	vst.msk vm2, v4  }
0x3b: {  	[tilespmem:s2+$0x600] =	vst.msk vm13, v4;
	(v2sf) =	vpush v5, $0x0  }
0x3c: {  	[tilespmem:s2+$0x680] =	vst.msk vm12, v4;
	v6 =	vmpcnt.ones.xlane vm15  }
0x3d: {  	s31 =	simm.s32 $0x10;
	s15 =	simm.s32 $0x20;
	[tilespmem:s2+$0x700] =	vst.msk vm15, v4  }
0x3e: {  	s17 =	sadd.s32 $0x10, s24;
	s14 =	simm.s32 $0x0;
	[tilespmem:s2+$0x780] =	vst.msk vm14, v4;
	s19 =	spop (v2sf);
	(v2sf) =	vpush v6, $0x0  }
0x3f: {  	s29 =	simm.s32 $0x0;
	s30 =	simm.s32 $0x0;
	s12 =	simm.s32 $0x0;
	v4 =	vld [tilespmem:s17+$0x0]  }
0x40: {  	s13 =	simm.s32 $0x0;
	s11 =	simm.s32 $0x0;
	s2 =	simm.s32 $0x0  }
.LBB2_3:
0x41: {  	p0 =	sne.s32 s15, $0x70  }
0x42: {  	s5 =	spop (v2sf);
	s18 =	smov.u32 s15;
	s15 =	sadd.s32 $0x10, s15  }
0x43: {  	s1 =	sadd.s32 s1, s19;
	s14 =	sadd.s32 s14, s5;
	s5 =	spop (v2sf)  }
0x44: {  	v5 =	vshll.u32 v4, $0x1;
	v4 =	vshrl.u32 v4, $0x4;
	s19 =	sand.u32 $0x7F, s14;
	s22 =	sshll.u32 s14, $0x3;
	s6 =	spop (v2sf)  }
0x45: {  	s7 =	sand.u32 $0x7F, s1;
	v5 =	vand.u32 $0xFFFFFF00, v5;
	v4 =	vand.u32 $0x7, v4;
	s22 =	sand.u32 $0xFFFFFC00, s22;
	s29 =	sadd.s32 s29, s6  }
0x46: {  	s30 =	sadd.s32 s30, s5;
	s6 =	sshll.u32 s1, $0x3;
	vm3 =	veq.s32 v4, $0x0;
	vm4 =	veq.s32 v4, $0x1;
	vm0 =	veq.s32 v4, $0x7;
	s5 =	spop (v2sf)  }
0x47: {  	s6 =	sand.u32 $0xFFFFFC00, s6;
	s8 =	sand.u32 $0x7F, s29;
	vm2 =	veq.s32 v4, $0x3;
	v6 =	vmpcnt.ones.xlane vm3;
	v7 =	vmpcnt.ones.xlane vm4;
	s0 =	spop (v2sf)  }
0x48: {  	v5 =	vor.u32 s31, v5;
	vm1 =	veq.s32 v4, $0x6;
	s6 =	sor.u32 s7, s6;
	v8 =	vmpcnt.ones.xlane vm2;
	s13 =	sadd.s32 s13, s5;
	s12 =	sadd.s32 s12, s0  }
0x49: {  	vm5 =	veq.s32 v4, $0x2;
	v5 =	vor.u32 v0, v5;
	s5 =	sshll.u32 s30, $0x3;
	s0 =	sshll.u32 s29, $0x3;
	s7 =	sand.u32 $0x7F, s13;
	(v2sf) =	vpush v6, $0x0  }
0x4a: {  	s0 =	sand.u32 $0xFFFFFC00, s0;
	v6 =	vmpcnt.ones.xlane vm5;
	[tilespmem:s6+$0x400] =	vst.msk vm3, v5;
	s6 =	sor.u32 s19, s22;
	vm3 =	veq.s32 v4, $0x5;
	(v2sf) =	vpush v7, $0x0;
	s19 =	spop (v2sf)  }
0x4b: {  	s0 =	sor.u32 s8, s0;
	s8 =	sshll.u32 s12, $0x3;
	[tilespmem:s6+$0x480] =	vst.msk vm4, v5;
	s6 =	sand.u32 $0x7F, s30;
	vm4 =	veq.s32 v4, $0x4;
	v4 =	vmpcnt.ones.xlane vm1;
	(v2sf) =	vpush v8, $0x0  }
0x4c: {  	s8 =	sand.u32 $0xFFFFFC00, s8;
	v8 =	vmpcnt.ones.xlane vm3;
	[tilespmem:s0+$0x500] =	vst.msk vm5, v5;
	s0 =	sand.u32 $0xFFFFFC00, s5;
	s5 =	sand.u32 $0x7F, s12;
	v7 =	vmpcnt.ones.xlane vm4;
	(v2sf) =	vpush v6, $0x0  }
0x4d: {  	s11 =	sadd.s32 s11, s19;
	v6 =	vmpcnt.ones.xlane vm0;
	s5 =	sor.u32 s5, s8;
	s8 =	spop (v2sf)  }
0x4e: {  	s19 =	sshll.u32 s13, $0x3;
	s22 =	sshll.u32 s11, $0x3;
	(v2sf) =	vpush v8, $0x0;
	s2 =	sadd.s32 s2, s8  }
0x4f: {  	s0 =	sor.u32 s6, s0;
	s8 =	sand.u32 $0x7F, s11;
	s6 =	sshll.u32 s2, $0x3;
	(v2sf) =	vpush v7, $0x0  }
0x50: {  	s31 =	smov.u32 s18;
	[tilespmem:s0+$0x580] =	vst.msk vm2, v5;
	s0 =	sand.u32 $0xFFFFFC00, s19;
	s19 =	sand.u32 $0xFFFFFC00, s22  }
0x51: {  	s6 =	sand.u32 $0xFFFFFC00, s6;
	[tilespmem:s5+$0x600] =	vst.msk vm4, v5;
	s0 =	sor.u32 s7, s0;
	s5 =	sand.u32 $0x7F, s2  }
0x52: {  	[tilespmem:s0+$0x680] =	vst.msk vm3, v5;
	s0 =	sor.u32 s5, s6;
	s5 =	sor.u32 s8, s19;
	(v2sf) =	vpush v6, $0x0  }
0x53: {  	[tilespmem:s0+$0x700] =	vst.msk vm1, v5  }
.Ltmp0:
0x54: {  	[tilespmem:s5+$0x780] =	vst.msk vm0, v5;
	(pc) =	sbr.rel @p0 .LBB2_3-.Ltmp0, $3  }
0x55: {  	s17 =	sadd.s32 $0x10, s17;
	(v2sf) =	vpush v4, $0x0  }
0x56: {  	v4 =	vld [tilespmem:s17+$0x0];
	_ =	sdelay $0x1  }
0x57: {  	s19 =	spop (v2sf)  }
0x58: {  	_ =	sdelay $0x1  }
0x59: {  	v5 =	vshrl.u32 v4, $0x4  }
0x5a: {  	v5 =	vand.u32 $0x7, v5  }
0x5b: {  	vm6 =	veq.s32 v5, $0x0  }
0x5c: {  	vm3 =	veq.s32 v5, $0x1;
	v6 =	vmpcnt.ones.xlane vm6  }
0x5d: {  	vm1 =	veq.s32 v5, $0x3;
	v7 =	vmpcnt.ones.xlane vm3  }
0x5e: {  	s0 =	spop (v2sf);
	vm4 =	veq.s32 v5, $0x2;
	v8 =	vmpcnt.ones.xlane vm1;
	(v2sf) =	vpush v6, $0x0  }
0x5f: {  	s1 =	sadd.s32 s1, s19;
	s14 =	sadd.s32 s14, s0;
	s22 =	spop (v2sf);
	vm0 =	veq.s32 v5, $0x5;
	v60 =	vmpcnt.ones.xlane vm4;
	(v2sf) =	vpush v7, $0x0  }
0x60: {  	s8 =	sand.u32 $0x7F, s1;
	s17 =	sshll.u32 s1, $0x3;
	s5 =	sand.u32 $0x7F, s14;
	vm5 =	veq.s32 v5, $0x4;
	v61 =	vmpcnt.ones.xlane vm0;
	(v2sf) =	vpush v8, $0x0  }
0x61: {  	s6 =	spop (v2sf);
	s7 =	sshll.u32 s14, $0x3;
	s0 =	sadd.s32 s30, s22;
	vm2 =	veq.s32 v5, $0x7;
	v62 =	vmpcnt.ones.xlane vm5;
	(v2sf) =	vpush v60, $0x0  }
0x62: {  	s17 =	sand.u32 $0xFFFFFC00, s17;
	s7 =	sand.u32 $0xFFFFFC00, s7;
	s15 =	spop (v2sf);
	vm7 =	veq.s32 v5, $0x6;
	v5 =	vmpcnt.ones.xlane vm2;
	(v2sf) =	vpush v61, $0x0  }
0x63: {  	s6 =	sadd.s32 s29, s6;
	s8 =	sor.u32 s8, s17;
	s18 =	spop (v2sf);
	v63 =	vmpcnt.ones.xlane vm7;
	(v2sf) =	vpush v62, $0x0  }
0x64: {  	s22 =	sshll.u32 s0, $0x3;
	s30 =	sand.u32 $0x7F, s0;
	s17 =	spop (v2sf);
	(v2sf) =	vpush v5, $0x0  }
0x65: {  	s19 =	sand.u32 $0x7F, s6;
	s13 =	sadd.s32 s13, s15;
	s15 =	spop (v2sf);
	(v2sf) =	vpush v63, $0x0  }
0x66: {  	s10 =	sshll.u32 s6, $0x3;
	s5 =	sor.u32 s5, s7;
	s22 =	sand.u32 $0xFFFFFC00, s22  }
0x67: {  	s10 =	sand.u32 $0xFFFFFC00, s10;
	s12 =	sadd.s32 s12, s18;
	s29 =	sand.u32 $0x7F, s13  }
0x68: {  	v4 =	vshll.u32 v4, $0x1;
	s7 =	sor.u32 s19, s10;
	s19 =	sor.u32 s30, s22;
	s18 =	sshll.u32 s12, $0x3  }
0x69: {  	v4 =	vand.u32 $0xFFFFFF00, v4;
	s10 =	sand.u32 $0x7F, s12;
	s18 =	sand.u32 $0xFFFFFC00, s18;
	s17 =	sadd.s32 s11, s17  }
0x6a: {  	v4 =	vor.u32 s31, v4;
	s18 =	sor.u32 s10, s18;
	s11 =	sshll.u32 s13, $0x3;
	s30 =	sand.u32 $0x7F, s17  }
0x6b: {  	v4 =	vor.u32 v0, v4;
	s11 =	sand.u32 $0xFFFFFC00, s11;
	s15 =	sadd.s32 s2, s15;
	s2 =	sshll.u32 s17, $0x3  }
0x6c: {  	[tilespmem:s8+$0x400] =	vst.msk vm6, v4;
	s8 =	sor.u32 s29, s11;
	s10 =	sshll.u32 s15, $0x3;
	s2 =	sand.u32 $0xFFFFFC00, s2  }
0x6d: {  	[tilespmem:s5+$0x480] =	vst.msk vm3, v4;
	s5 =	sand.u32 $0x7F, s15;
	s22 =	sand.u32 $0xFFFFFC00, s10;
	s31 =	spop (v2sf)  }
0x6e: {  	[tilespmem:s7+$0x500] =	vst.msk vm4, v4;
	s7 =	sor.u32 s30, s2;
	s5 =	sor.u32 s5, s22;
	s11 =	spop (v2sf)  }
0x6f: {  	s29 =	sadd.s32 s1, s31;
	s10 =	spop (v2sf);
	s30 =	sadd.s32 s14, s11  }
0x70: {  	[tilespmem:s19+$0x580] =	vst.msk vm1, v4;
	s14 =	sshll.u32 s29, $0x3;
	p0 =	slt.s32 s29, $0x1;
	s2 =	spop (v2sf)  }
.Ltmp1:
0x71: {  	[tilespmem:s18+$0x600] =	vst.msk vm5, v4;
	s19 =	sand.u32 $0x7F, s29;
	s22 =	spop (v2sf);
	(pc) =	sbr.rel @p0 .LBB2_8-.Ltmp1, $4  }
0x72: {  	[tilespmem:s8+$0x680] =	vst.msk vm0, v4;
	s1 =	sadd.s32 s0, s10;
	s0 =	sand.u32 $0xFFFFFC00, s14;
	s10 =	spop (v2sf)  }
0x73: {  	[tilespmem:s5+$0x700] =	vst.msk vm7, v4;
	s14 =	simm.s32 $0x0;
	s31 =	sadd.s32 s6, s2;
	s18 =	spop (v2sf)  }
0x74: {  	[tilespmem:s7+$0x780] =	vst.msk vm2, v4;
	s0 =	sor.u32 s19, s0;
	s11 =	sadd.s32 s13, s22;
	s22 =	spop (v2sf)  }
0x75: {  	[tilespmem:s0+$0x400] =	vst v1;
	s2 =	sadd.s32 s12, s10;
	s12 =	sadd.s32 s17, s18;
	s13 =	sadd.s32 s15, s22  }
.LBB2_5:
0x76: {  	s0 =	sshll.u32 s14, $0x3  }
0x77: {  	s5 =	sand.u32 $0x7F, s14;
	s0 =	sand.u32 $0xFFFFFC00, s0  }
0x78: {  	s0 =	sor.u32 s5, s0  }
0x79: {  	v4 =	vld [tilespmem:s0+$0x400];
	_ =	sdelay $0x4  }
0x7a: {  	(v2sf) =	vpush v4, $0x0;
	_ =	sdelay $0xe  }
0x7b: {  	s7 =	spop (v2sf)  }
0x7c: {  	s8 =	sshll.u32 s7, $0x4;
	s6 =	sshll.u32 s7, $0x7  }
0x7d: {  	s5 =	sand.u32 $0x70, s8;
	s6 =	sand.u32 $0x7C00, s6  }
0x7e: {  	s0 =	sshrl.u32 s7, $0x1;
	s5 =	sor.u32 s5, s6  }
0x7f: {  	s0 =	sand.u32 $0xFFFFF80, s0;
	s15 =	sadd.s32 $0xC00, s5  }
0x80: {  	s0 =	sadd.s32 s3, s0;
	s5 =	sadd.s32 $0x0, s15  }
0x81: {  	[tilespmem:s5], [sflag:$0x2] =	stream.linear.gather [hbm4b:s0+s4], $0x10, $0x38;
	[tilespmem:$0x15E00] =	vst v63  }
0x82: {  	s10 =	sadd.s32 $0x10, s0;
	s7 =	sadd.s32 $0x80, s5  }
0x83: {  	[tilespmem:s7], [sflag:$0x2] =	stream.linear.gather [hbm4b:s10+s4], $0x10, $0x38;
	[tilespmem:$0x15E00] =	vst v63  }
0x84: {  	s17 =	sadd.s32 $0x20, s0;
	s18 =	sadd.s32 $0x100, s5  }
0x85: {  	[tilespmem:s18], [sflag:$0x2] =	stream.linear.gather [hbm4b:s17+s4], $0x10, $0x38;
	[tilespmem:$0x15E00] =	vst v63  }
0x86: {  	s19 =	sadd.s32 $0x30, s0;
	s22 =	sadd.s32 $0x180, s5  }
0x87: {  	[tilespmem:s22], [sflag:$0x2] =	stream.linear.gather [hbm4b:s19+s4], $0x10, $0x38;
	[tilespmem:$0x15E00] =	vst v63  }
0x88: {  	s8 =	sadd.s32 $0x40, s0;
	s10 =	sadd.s32 $0x200, s5  }
0x89: {  	[tilespmem:s10], [sflag:$0x2] =	stream.linear.gather [hbm4b:s8+s4], $0x10, $0x38;
	[tilespmem:$0x15E00] =	vst v63  }
0x8a: {  	s17 =	sadd.s32 $0x50, s0;
	s18 =	sadd.s32 $0x280, s5;
	s19 =	sadd.s32 $0x60, s0  }
0x8b: {  	[tilespmem:s18], [sflag:$0x2] =	stream.linear.gather [hbm4b:s17+s4], $0x10, $0x38;
	[tilespmem:$0x15E00] =	vst v63  }
0x8c: {  	s22 =	sadd.s32 $0x300, s5;
	s5 =	sadd.s32 $0x380, s5;
	s18 =	simm.s32 $0x4400  }
0x8d: {  	[tilespmem:s22], [sflag:$0x2] =	stream.linear.gather [hbm4b:s19+s4], $0x10, $0x38;
	[tilespmem:$0x15E00] =	vst v63  }
0x8e: {  	s17 =	sadd.s32 $0xF4280, s0;
	s19 =	simm.s32 $0x22000;
	s22 =	sadd.s32 $0x70, s0  }
.LBB2_6:
0x8f: {  	[tilespmem:s5], [sflag:$0x2] =	stream.linear.gather [hbm4b:s22+s4], $0x10, $0x38;
	[tilespmem:$0x15E00] =	vst v63  }
0x90: {  	s0 =	smov.u32 s19  }
0x91: {  	s6 =	sadd.s32 $0x11000, s19;
	s5 =	sadd.s32 s18, s15;
	s18 =	sshra.s32 s0, $0x2  }
0x92: {  	[tilespmem:s5], [sflag:$0x2] =	stream.linear.gather [hbm4b:s17+s4], $0x10, $0x38;
	[tilespmem:$0x15E00] =	vst v63  }
0x93: {  	p0 =	sne.s32 s19, $0x33000;
	s0 =	sadd.s32 $0x10, s17;
	s7 =	sadd.s32 $0x80, s5  }
0x94: {  	[tilespmem:s7], [sflag:$0x2] =	stream.linear.gather [hbm4b:s0+s4], $0x10, $0x38;
	[tilespmem:$0x15E00] =	vst v63  }
0x95: {  	s0 =	sadd.s32 $0x20, s17;
	s7 =	sadd.s32 $0x100, s5  }
0x96: {  	[tilespmem:s7], [sflag:$0x2] =	stream.linear.gather [hbm4b:s0+s4], $0x10, $0x38;
	[tilespmem:$0x15E00] =	vst v63  }
0x97: {  	s0 =	sadd.s32 $0x30, s17;
	s7 =	sadd.s32 $0x180, s5  }
0x98: {  	[tilespmem:s7], [sflag:$0x2] =	stream.linear.gather [hbm4b:s0+s4], $0x10, $0x38;
	[tilespmem:$0x15E00] =	vst v63  }
0x99: {  	s0 =	sadd.s32 $0x40, s17;
	s7 =	sadd.s32 $0x200, s5  }
0x9a: {  	[tilespmem:s7], [sflag:$0x2] =	stream.linear.gather [hbm4b:s0+s4], $0x10, $0x38;
	[tilespmem:$0x15E00] =	vst v63  }
.Ltmp2:
0x9b: {  	s0 =	sadd.s32 $0x50, s17;
	s7 =	sadd.s32 $0x280, s5;
	(pc) =	sbr.rel @p0 .LBB2_6-.Ltmp2, $4  }
0x9c: {  	[tilespmem:s7], [sflag:$0x2] =	stream.linear.gather [hbm4b:s0+s4], $0x10, $0x38;
	[tilespmem:$0x15E00] =	vst v63  }
0x9d: {  	s22 =	sadd.s32 $0x70, s17;
	s0 =	sadd.s32 $0x60, s17;
	s7 =	sadd.s32 $0x300, s5  }
0x9e: {  	[tilespmem:s7], [sflag:$0x2] =	stream.linear.gather [hbm4b:s0+s4], $0x10, $0x38;
	[tilespmem:$0x15E00] =	vst v63  }
0x9f: {  	s19 =	smov.u32 s6;
	s5 =	sadd.s32 $0x380, s5;
	s17 =	sadd.s32 $0xF4280, s17  }
0xa0: {  	[tilespmem:s5], [sflag:$0x2] =	stream.linear.gather [hbm4b:s22+s4], $0x10, $0x38;
	[tilespmem:$0x15E00] =	vst v63  }
0xa1: {  	s0 =	sadd.s32 s18, s15  }
0xa2: {  	[tilespmem:s0], [sflag:$0x2] =	stream.linear.gather [hbm4b:s17+s4], $0x10, $0x38;
	[tilespmem:$0x15E00] =	vst v63  }
0xa3: {  	s10 =	sadd.s32 $0x10, s17;
	s6 =	sadd.s32 $0x80, s0  }
0xa4: {  	[tilespmem:s6], [sflag:$0x2] =	stream.linear.gather [hbm4b:s10+s4], $0x10, $0x38;
	[tilespmem:$0x15E00] =	vst v63  }
0xa5: {  	s15 =	sadd.s32 $0x20, s17;
	s18 =	sadd.s32 $0x100, s0  }
0xa6: {  	[tilespmem:s18], [sflag:$0x2] =	stream.linear.gather [hbm4b:s15+s4], $0x10, $0x38;
	[tilespmem:$0x15E00] =	vst v63  }
0xa7: {  	s19 =	sadd.s32 $0x30, s17;
	s22 =	sadd.s32 $0x180, s0  }
0xa8: {  	[tilespmem:s22], [sflag:$0x2] =	stream.linear.gather [hbm4b:s19+s4], $0x10, $0x38;
	[tilespmem:$0x15E00] =	vst v63  }
0xa9: {  	s7 =	sadd.s32 $0x40, s17;
	s14 =	sadd.s32 $0x1, s14;
	s8 =	sadd.s32 $0x200, s0  }
0xaa: {  	[tilespmem:s8], [sflag:$0x2] =	stream.linear.gather [hbm4b:s7+s4], $0x10, $0x38;
	[tilespmem:$0x15E00] =	vst v63  }
0xab: {  	p0 =	sne.s32 s14, s29;
	s10 =	sadd.s32 $0x50, s17;
	s15 =	sadd.s32 $0x280, s0  }
0xac: {  	[tilespmem:s15], [sflag:$0x2] =	stream.linear.gather [hbm4b:s10+s4], $0x10, $0x38;
	[tilespmem:$0x15E00] =	vst v63  }
.Ltmp3:
0xad: {  	_ = 	snop;
	(pc) =	sbr.rel @p0 .LBB2_5-.Ltmp3, $4  }
0xae: {  	s18 =	sadd.s32 $0x60, s17;
	s19 =	sadd.s32 $0x300, s0  }
0xaf: {  	[tilespmem:s19], [sflag:$0x2] =	stream.linear.gather [hbm4b:s18+s4], $0x10, $0x38;
	[tilespmem:$0x15E00] =	vst v63  }
0xb0: {  	s22 =	sadd.s32 $0x70, s17;
	s0 =	sadd.s32 $0x380, s0  }
0xb1: {  	[tilespmem:s0], [sflag:$0x2] =	stream.linear.gather [hbm4b:s22+s4], $0x10, $0x38;
	[tilespmem:$0x15E00] =	vst v63  }
.LBB2_8:
0xb2: {  	p0 =	slt.s32 s30, $0x1  }
.Ltmp4:
0xb3: {  	_ = 	snop;
	(pc) =	sbr.rel @p0 .LBB2_12-.Ltmp4, $4  }
0xb4: {  	s0 =	sshll.u32 s30, $0x3  }
0xb5: {  	s5 =	sand.u32 $0x7F, s30;
	s0 =	sand.u32 $0xFFFFFC00, s0  }
0xb6: {  	s0 =	sor.u32 s5, s0  }
0xb7: {  	s14 =	simm.s32 $0x0;
	[tilespmem:s0+$0x480] =	vst v1  }
.LBB2_9:
0xb8: {  	s0 =	sshll.u32 s14, $0x3  }
0xb9: {  	s5 =	sand.u32 $0x7F, s14;
	s0 =	sand.u32 $0xFFFFFC00, s0  }
0xba: {  	s0 =	sor.u32 s5, s0  }
0xbb: {  	v4 =	vld [tilespmem:s0+$0x480];
	_ =	sdelay $0x4  }
0xbc: {  	(v2sf) =	vpush v4, $0x0;
	_ =	sdelay $0xe  }
0xbd: {  	s7 =	spop (v2sf)  }
0xbe: {  	s8 =	sshll.u32 s7, $0x4;
	s6 =	sshll.u32 s7, $0x7  }
0xbf: {  	s0 =	sshrl.u32 s7, $0x1;
	s5 =	sand.u32 $0x70, s8;
	s6 =	sand.u32 $0x7C00, s6  }
0xc0: {  	s0 =	sand.u32 $0xFFFFF80, s0;
	s5 =	sor.u32 s5, s6  }
0xc1: {  	s0 =	sadd.s32 s3, s0;
	s15 =	sadd.s32 $0xC00, s5  }
0xc2: {  	s0 =	sadd.s32 $0x2, s0;
	s5 =	sadd.s32 $0x0, s15  }
0xc3: {  	[tilespmem:s5], [sflag:$0x2] =	stream.linear.gather [hbm4b:s0+s4], $0x10, $0x38;
	[tilespmem:$0x15E00] =	vst v63  }
0xc4: {  	s10 =	sadd.s32 $0x10, s0;
	s7 =	sadd.s32 $0x80, s5  }
0xc5: {  	[tilespmem:s7], [sflag:$0x2] =	stream.linear.gather [hbm4b:s10+s4], $0x10, $0x38;
	[tilespmem:$0x15E00] =	vst v63  }
0xc6: {  	s17 =	sadd.s32 $0x20, s0;
	s18 =	sadd.s32 $0x100, s5  }
0xc7: {  	[tilespmem:s18], [sflag:$0x2] =	stream.linear.gather [hbm4b:s17+s4], $0x10, $0x38;
	[tilespmem:$0x15E00] =	vst v63  }
0xc8: {  	s19 =	sadd.s32 $0x30, s0;
	s22 =	sadd.s32 $0x180, s5  }
0xc9: {  	[tilespmem:s22], [sflag:$0x2] =	stream.linear.gather [hbm4b:s19+s4], $0x10, $0x38;
	[tilespmem:$0x15E00] =	vst v63  }
0xca: {  	s8 =	sadd.s32 $0x40, s0;
	s10 =	sadd.s32 $0x200, s5  }
0xcb: {  	[tilespmem:s10], [sflag:$0x2] =	stream.linear.gather [hbm4b:s8+s4], $0x10, $0x38;
	[tilespmem:$0x15E00] =	vst v63  }
0xcc: {  	s17 =	sadd.s32 $0x50, s0;
	s18 =	sadd.s32 $0x280, s5;
	s19 =	sadd.s32 $0x60, s0  }
0xcd: {  	[tilespmem:s18], [sflag:$0x2] =	stream.linear.gather [hbm4b:s17+s4], $0x10, $0x38;
	[tilespmem:$0x15E00] =	vst v63  }
0xce: {  	s22 =	sadd.s32 $0x300, s5;
	s5 =	sadd.s32 $0x380, s5;
	s18 =	simm.s32 $0x4400  }
0xcf: {  	[tilespmem:s22], [sflag:$0x2] =	stream.linear.gather [hbm4b:s19+s4], $0x10, $0x38;
	[tilespmem:$0x15E00] =	vst v63  }
0xd0: {  	s17 =	sadd.s32 $0xF4280, s0;
	s19 =	simm.s32 $0x22000;
	s22 =	sadd.s32 $0x70, s0  }
.LBB2_10:
0xd1: {  	[tilespmem:s5], [sflag:$0x2] =	stream.linear.gather [hbm4b:s22+s4], $0x10, $0x38;
	[tilespmem:$0x15E00] =	vst v63  }
0xd2: {  	s0 =	smov.u32 s19  }
0xd3: {  	s6 =	sadd.s32 $0x11000, s19;
	s5 =	sadd.s32 s18, s15;
	s18 =	sshra.s32 s0, $0x2  }
0xd4: {  	[tilespmem:s5], [sflag:$0x2] =	stream.linear.gather [hbm4b:s17+s4], $0x10, $0x38;
	[tilespmem:$0x15E00] =	vst v63  }
0xd5: {  	p0 =	sne.s32 s19, $0x33000;
	s0 =	sadd.s32 $0x10, s17;
	s7 =	sadd.s32 $0x80, s5  }
0xd6: {  	[tilespmem:s7], [sflag:$0x2] =	stream.linear.gather [hbm4b:s0+s4], $0x10, $0x38;
	[tilespmem:$0x15E00] =	vst v63  }
0xd7: {  	s0 =	sadd.s32 $0x20, s17;
	s7 =	sadd.s32 $0x100, s5  }
0xd8: {  	[tilespmem:s7], [sflag:$0x2] =	stream.linear.gather [hbm4b:s0+s4], $0x10, $0x38;
	[tilespmem:$0x15E00] =	vst v63  }
0xd9: {  	s0 =	sadd.s32 $0x30, s17;
	s7 =	sadd.s32 $0x180, s5  }
0xda: {  	[tilespmem:s7], [sflag:$0x2] =	stream.linear.gather [hbm4b:s0+s4], $0x10, $0x38;
	[tilespmem:$0x15E00] =	vst v63  }
0xdb: {  	s0 =	sadd.s32 $0x40, s17;
	s7 =	sadd.s32 $0x200, s5  }
0xdc: {  	[tilespmem:s7], [sflag:$0x2] =	stream.linear.gather [hbm4b:s0+s4], $0x10, $0x38;
	[tilespmem:$0x15E00] =	vst v63  }
.Ltmp5:
0xdd: {  	s0 =	sadd.s32 $0x50, s17;
	s7 =	sadd.s32 $0x280, s5;
	(pc) =	sbr.rel @p0 .LBB2_10-.Ltmp5, $4  }
0xde: {  	[tilespmem:s7], [sflag:$0x2] =	stream.linear.gather [hbm4b:s0+s4], $0x10, $0x38;
	[tilespmem:$0x15E00] =	vst v63  }
0xdf: {  	s22 =	sadd.s32 $0x70, s17;
	s0 =	sadd.s32 $0x60, s17;
	s7 =	sadd.s32 $0x300, s5  }
0xe0: {  	[tilespmem:s7], [sflag:$0x2] =	stream.linear.gather [hbm4b:s0+s4], $0x10, $0x38;
	[tilespmem:$0x15E00] =	vst v63  }
0xe1: {  	s19 =	smov.u32 s6;
	s5 =	sadd.s32 $0x380, s5;
	s17 =	sadd.s32 $0xF4280, s17  }
0xe2: {  	[tilespmem:s5], [sflag:$0x2] =	stream.linear.gather [hbm4b:s22+s4], $0x10, $0x38;
	[tilespmem:$0x15E00] =	vst v63  }
0xe3: {  	s0 =	sadd.s32 s18, s15  }
0xe4: {  	[tilespmem:s0], [sflag:$0x2] =	stream.linear.gather [hbm4b:s17+s4], $0x10, $0x38;
	[tilespmem:$0x15E00] =	vst v63  }
0xe5: {  	s10 =	sadd.s32 $0x10, s17;
	s6 =	sadd.s32 $0x80, s0  }
0xe6: {  	[tilespmem:s6], [sflag:$0x2] =	stream.linear.gather [hbm4b:s10+s4], $0x10, $0x38;
	[tilespmem:$0x15E00] =	vst v63  }
0xe7: {  	s15 =	sadd.s32 $0x20, s17;
	s18 =	sadd.s32 $0x100, s0  }
0xe8: {  	[tilespmem:s18], [sflag:$0x2] =	stream.linear.gather [hbm4b:s15+s4], $0x10, $0x38;
	[tilespmem:$0x15E00] =	vst v63  }
0xe9: {  	s19 =	sadd.s32 $0x30, s17;
	s22 =	sadd.s32 $0x180, s0  }
0xea: {  	[tilespmem:s22], [sflag:$0x2] =	stream.linear.gather [hbm4b:s19+s4], $0x10, $0x38;
	[tilespmem:$0x15E00] =	vst v63  }
0xeb: {  	s7 =	sadd.s32 $0x40, s17;
	s14 =	sadd.s32 $0x1, s14;
	s8 =	sadd.s32 $0x200, s0  }
0xec: {  	[tilespmem:s8], [sflag:$0x2] =	stream.linear.gather [hbm4b:s7+s4], $0x10, $0x38;
	[tilespmem:$0x15E00] =	vst v63  }
0xed: {  	p0 =	sne.s32 s14, s30;
	s10 =	sadd.s32 $0x50, s17;
	s15 =	sadd.s32 $0x280, s0  }
0xee: {  	[tilespmem:s15], [sflag:$0x2] =	stream.linear.gather [hbm4b:s10+s4], $0x10, $0x38;
	[tilespmem:$0x15E00] =	vst v63  }
.Ltmp6:
0xef: {  	_ = 	snop;
	(pc) =	sbr.rel @p0 .LBB2_9-.Ltmp6, $4  }
0xf0: {  	s18 =	sadd.s32 $0x60, s17;
	s19 =	sadd.s32 $0x300, s0  }
0xf1: {  	[tilespmem:s19], [sflag:$0x2] =	stream.linear.gather [hbm4b:s18+s4], $0x10, $0x38;
	[tilespmem:$0x15E00] =	vst v63  }
0xf2: {  	s22 =	sadd.s32 $0x70, s17;
	s0 =	sadd.s32 $0x380, s0  }
0xf3: {  	[tilespmem:s0], [sflag:$0x2] =	stream.linear.gather [hbm4b:s22+s4], $0x10, $0x38;
	[tilespmem:$0x15E00] =	vst v63  }
.LBB2_12:
0xf4: {  	p0 =	slt.s32 s31, $0x1  }
.Ltmp7:
0xf5: {  	_ = 	snop;
	(pc) =	sbr.rel @p0 .LBB2_16-.Ltmp7, $4  }
0xf6: {  	s0 =	sshll.u32 s31, $0x3  }
0xf7: {  	s5 =	sand.u32 $0x7F, s31;
	s0 =	sand.u32 $0xFFFFFC00, s0  }
0xf8: {  	s0 =	sor.u32 s5, s0  }
0xf9: {  	s14 =	simm.s32 $0x0;
	[tilespmem:s0+$0x500] =	vst v1  }
.LBB2_13:
0xfa: {  	s0 =	sshll.u32 s14, $0x3  }
0xfb: {  	s5 =	sand.u32 $0x7F, s14;
	s0 =	sand.u32 $0xFFFFFC00, s0  }
0xfc: {  	s0 =	sor.u32 s5, s0  }
0xfd: {  	v4 =	vld [tilespmem:s0+$0x500];
	_ =	sdelay $0x4  }
0xfe: {  	(v2sf) =	vpush v4, $0x0;
	_ =	sdelay $0xe  }
0xff: {  	s7 =	spop (v2sf)  }
0x100: {  	s8 =	sshll.u32 s7, $0x4;
	s6 =	sshll.u32 s7, $0x7  }
0x101: {  	s0 =	sshrl.u32 s7, $0x1;
	s5 =	sand.u32 $0x70, s8;
	s6 =	sand.u32 $0x7C00, s6  }
0x102: {  	s0 =	sand.u32 $0xFFFFF80, s0;
	s5 =	sor.u32 s5, s6  }
0x103: {  	s0 =	sadd.s32 s3, s0;
	s15 =	sadd.s32 $0xC00, s5  }
0x104: {  	s0 =	sadd.s32 $0x4, s0;
	s5 =	sadd.s32 $0x0, s15  }
0x105: {  	[tilespmem:s5], [sflag:$0x2] =	stream.linear.gather [hbm4b:s0+s4], $0x10, $0x38;
	[tilespmem:$0x15E00] =	vst v63  }
0x106: {  	s10 =	sadd.s32 $0x10, s0;
	s7 =	sadd.s32 $0x80, s5  }
0x107: {  	[tilespmem:s7], [sflag:$0x2] =	stream.linear.gather [hbm4b:s10+s4], $0x10, $0x38;
	[tilespmem:$0x15E00] =	vst v63  }
0x108: {  	s17 =	sadd.s32 $0x20, s0;
	s18 =	sadd.s32 $0x100, s5  }
0x109: {  	[tilespmem:s18], [sflag:$0x2] =	stream.linear.gather [hbm4b:s17+s4], $0x10, $0x38;
	[tilespmem:$0x15E00] =	vst v63  }
0x10a: {  	s19 =	sadd.s32 $0x30, s0;
	s22 =	sadd.s32 $0x180, s5  }
0x10b: {  	[tilespmem:s22], [sflag:$0x2] =	stream.linear.gather [hbm4b:s19+s4], $0x10, $0x38;
	[tilespmem:$0x15E00] =	vst v63  }
0x10c: {  	s8 =	sadd.s32 $0x40, s0;
	s10 =	sadd.s32 $0x200, s5  }
0x10d: {  	[tilespmem:s10], [sflag:$0x2] =	stream.linear.gather [hbm4b:s8+s4], $0x10, $0x38;
	[tilespmem:$0x15E00] =	vst v63  }
0x10e: {  	s17 =	sadd.s32 $0x50, s0;
	s18 =	sadd.s32 $0x280, s5;
	s19 =	sadd.s32 $0x60, s0  }
0x10f: {  	[tilespmem:s18], [sflag:$0x2] =	stream.linear.gather [hbm4b:s17+s4], $0x10, $0x38;
	[tilespmem:$0x15E00] =	vst v63  }
0x110: {  	s22 =	sadd.s32 $0x300, s5;
	s5 =	sadd.s32 $0x380, s5;
	s18 =	simm.s32 $0x4400  }
0x111: {  	[tilespmem:s22], [sflag:$0x2] =	stream.linear.gather [hbm4b:s19+s4], $0x10, $0x38;
	[tilespmem:$0x15E00] =	vst v63  }
0x112: {  	s17 =	sadd.s32 $0xF4280, s0;
	s19 =	simm.s32 $0x22000;
	s22 =	sadd.s32 $0x70, s0  }
.LBB2_14:
0x113: {  	[tilespmem:s5], [sflag:$0x2] =	stream.linear.gather [hbm4b:s22+s4], $0x10, $0x38;
	[tilespmem:$0x15E00] =	vst v63  }
0x114: {  	s0 =	smov.u32 s19  }
0x115: {  	s6 =	sadd.s32 $0x11000, s19;
	s5 =	sadd.s32 s18, s15;
	s18 =	sshra.s32 s0, $0x2  }
0x116: {  	[tilespmem:s5], [sflag:$0x2] =	stream.linear.gather [hbm4b:s17+s4], $0x10, $0x38;
	[tilespmem:$0x15E00] =	vst v63  }
0x117: {  	p0 =	sne.s32 s19, $0x33000;
	s0 =	sadd.s32 $0x10, s17;
	s7 =	sadd.s32 $0x80, s5  }
0x118: {  	[tilespmem:s7], [sflag:$0x2] =	stream.linear.gather [hbm4b:s0+s4], $0x10, $0x38;
	[tilespmem:$0x15E00] =	vst v63  }
0x119: {  	s0 =	sadd.s32 $0x20, s17;
	s7 =	sadd.s32 $0x100, s5  }
0x11a: {  	[tilespmem:s7], [sflag:$0x2] =	stream.linear.gather [hbm4b:s0+s4], $0x10, $0x38;
	[tilespmem:$0x15E00] =	vst v63  }
0x11b: {  	s0 =	sadd.s32 $0x30, s17;
	s7 =	sadd.s32 $0x180, s5  }
0x11c: {  	[tilespmem:s7], [sflag:$0x2] =	stream.linear.gather [hbm4b:s0+s4], $0x10, $0x38;
	[tilespmem:$0x15E00] =	vst v63  }
0x11d: {  	s0 =	sadd.s32 $0x40, s17;
	s7 =	sadd.s32 $0x200, s5  }
0x11e: {  	[tilespmem:s7], [sflag:$0x2] =	stream.linear.gather [hbm4b:s0+s4], $0x10, $0x38;
	[tilespmem:$0x15E00] =	vst v63  }
.Ltmp8:
0x11f: {  	s0 =	sadd.s32 $0x50, s17;
	s7 =	sadd.s32 $0x280, s5;
	(pc) =	sbr.rel @p0 .LBB2_14-.Ltmp8, $4  }
0x120: {  	[tilespmem:s7], [sflag:$0x2] =	stream.linear.gather [hbm4b:s0+s4], $0x10, $0x38;
	[tilespmem:$0x15E00] =	vst v63  }
0x121: {  	s22 =	sadd.s32 $0x70, s17;
	s0 =	sadd.s32 $0x60, s17;
	s7 =	sadd.s32 $0x300, s5  }
0x122: {  	[tilespmem:s7], [sflag:$0x2] =	stream.linear.gather [hbm4b:s0+s4], $0x10, $0x38;
	[tilespmem:$0x15E00] =	vst v63  }
0x123: {  	s19 =	smov.u32 s6;
	s5 =	sadd.s32 $0x380, s5;
	s17 =	sadd.s32 $0xF4280, s17  }
0x124: {  	[tilespmem:s5], [sflag:$0x2] =	stream.linear.gather [hbm4b:s22+s4], $0x10, $0x38;
	[tilespmem:$0x15E00] =	vst v63  }
0x125: {  	s0 =	sadd.s32 s18, s15  }
0x126: {  	[tilespmem:s0], [sflag:$0x2] =	stream.linear.gather [hbm4b:s17+s4], $0x10, $0x38;
	[tilespmem:$0x15E00] =	vst v63  }
0x127: {  	s10 =	sadd.s32 $0x10, s17;
	s6 =	sadd.s32 $0x80, s0  }
0x128: {  	[tilespmem:s6], [sflag:$0x2] =	stream.linear.gather [hbm4b:s10+s4], $0x10, $0x38;
	[tilespmem:$0x15E00] =	vst v63  }
0x129: {  	s15 =	sadd.s32 $0x20, s17;
	s18 =	sadd.s32 $0x100, s0  }
0x12a: {  	[tilespmem:s18], [sflag:$0x2] =	stream.linear.gather [hbm4b:s15+s4], $0x10, $0x38;
	[tilespmem:$0x15E00] =	vst v63  }
0x12b: {  	s19 =	sadd.s32 $0x30, s17;
	s22 =	sadd.s32 $0x180, s0  }
0x12c: {  	[tilespmem:s22], [sflag:$0x2] =	stream.linear.gather [hbm4b:s19+s4], $0x10, $0x38;
	[tilespmem:$0x15E00] =	vst v63  }
0x12d: {  	s7 =	sadd.s32 $0x40, s17;
	s14 =	sadd.s32 $0x1, s14;
	s8 =	sadd.s32 $0x200, s0  }
0x12e: {  	[tilespmem:s8], [sflag:$0x2] =	stream.linear.gather [hbm4b:s7+s4], $0x10, $0x38;
	[tilespmem:$0x15E00] =	vst v63  }
0x12f: {  	p0 =	sne.s32 s14, s31;
	s10 =	sadd.s32 $0x50, s17;
	s15 =	sadd.s32 $0x280, s0  }
0x130: {  	[tilespmem:s15], [sflag:$0x2] =	stream.linear.gather [hbm4b:s10+s4], $0x10, $0x38;
	[tilespmem:$0x15E00] =	vst v63  }
.Ltmp9:
0x131: {  	_ = 	snop;
	(pc) =	sbr.rel @p0 .LBB2_13-.Ltmp9, $4  }
0x132: {  	s18 =	sadd.s32 $0x60, s17;
	s19 =	sadd.s32 $0x300, s0  }
0x133: {  	[tilespmem:s19], [sflag:$0x2] =	stream.linear.gather [hbm4b:s18+s4], $0x10, $0x38;
	[tilespmem:$0x15E00] =	vst v63  }
0x134: {  	s22 =	sadd.s32 $0x70, s17;
	s0 =	sadd.s32 $0x380, s0  }
0x135: {  	[tilespmem:s0], [sflag:$0x2] =	stream.linear.gather [hbm4b:s22+s4], $0x10, $0x38;
	[tilespmem:$0x15E00] =	vst v63  }
.LBB2_16:
0x136: {  	p0 =	slt.s32 s1, $0x1  }
.Ltmp10:
0x137: {  	_ = 	snop;
	(pc) =	sbr.rel @p0 .LBB2_20-.Ltmp10, $4  }
0x138: {  	s0 =	sshll.u32 s1, $0x3  }
0x139: {  	s5 =	sand.u32 $0x7F, s1;
	s0 =	sand.u32 $0xFFFFFC00, s0  }
0x13a: {  	s0 =	sor.u32 s5, s0  }
0x13b: {  	s14 =	simm.s32 $0x0;
	[tilespmem:s0+$0x580] =	vst v1  }
.LBB2_17:
0x13c: {  	s0 =	sshll.u32 s14, $0x3  }
0x13d: {  	s5 =	sand.u32 $0x7F, s14;
	s0 =	sand.u32 $0xFFFFFC00, s0  }
0x13e: {  	s0 =	sor.u32 s5, s0  }
0x13f: {  	v4 =	vld [tilespmem:s0+$0x580];
	_ =	sdelay $0x4  }
0x140: {  	(v2sf) =	vpush v4, $0x0;
	_ =	sdelay $0xe  }
0x141: {  	s7 =	spop (v2sf)  }
0x142: {  	s8 =	sshll.u32 s7, $0x4;
	s6 =	sshll.u32 s7, $0x7  }
0x143: {  	s0 =	sshrl.u32 s7, $0x1;
	s5 =	sand.u32 $0x70, s8;
	s6 =	sand.u32 $0x7C00, s6  }
0x144: {  	s0 =	sand.u32 $0xFFFFF80, s0;
	s5 =	sor.u32 s5, s6  }
0x145: {  	s0 =	sadd.s32 s3, s0;
	s15 =	sadd.s32 $0xC00, s5  }
0x146: {  	s0 =	sadd.s32 $0x6, s0;
	s5 =	sadd.s32 $0x0, s15  }
0x147: {  	[tilespmem:s5], [sflag:$0x2] =	stream.linear.gather [hbm4b:s0+s4], $0x10, $0x38;
	[tilespmem:$0x15E00] =	vst v63  }
0x148: {  	s10 =	sadd.s32 $0x10, s0;
	s7 =	sadd.s32 $0x80, s5  }
0x149: {  	[tilespmem:s7], [sflag:$0x2] =	stream.linear.gather [hbm4b:s10+s4], $0x10, $0x38;
	[tilespmem:$0x15E00] =	vst v63  }
0x14a: {  	s17 =	sadd.s32 $0x20, s0;
	s18 =	sadd.s32 $0x100, s5  }
0x14b: {  	[tilespmem:s18], [sflag:$0x2] =	stream.linear.gather [hbm4b:s17+s4], $0x10, $0x38;
	[tilespmem:$0x15E00] =	vst v63  }
0x14c: {  	s19 =	sadd.s32 $0x30, s0;
	s22 =	sadd.s32 $0x180, s5  }
0x14d: {  	[tilespmem:s22], [sflag:$0x2] =	stream.linear.gather [hbm4b:s19+s4], $0x10, $0x38;
	[tilespmem:$0x15E00] =	vst v63  }
0x14e: {  	s8 =	sadd.s32 $0x40, s0;
	s10 =	sadd.s32 $0x200, s5  }
0x14f: {  	[tilespmem:s10], [sflag:$0x2] =	stream.linear.gather [hbm4b:s8+s4], $0x10, $0x38;
	[tilespmem:$0x15E00] =	vst v63  }
0x150: {  	s17 =	sadd.s32 $0x50, s0;
	s18 =	sadd.s32 $0x280, s5;
	s19 =	sadd.s32 $0x60, s0  }
0x151: {  	[tilespmem:s18], [sflag:$0x2] =	stream.linear.gather [hbm4b:s17+s4], $0x10, $0x38;
	[tilespmem:$0x15E00] =	vst v63  }
0x152: {  	s22 =	sadd.s32 $0x300, s5;
	s5 =	sadd.s32 $0x380, s5;
	s18 =	simm.s32 $0x4400  }
0x153: {  	[tilespmem:s22], [sflag:$0x2] =	stream.linear.gather [hbm4b:s19+s4], $0x10, $0x38;
	[tilespmem:$0x15E00] =	vst v63  }
0x154: {  	s17 =	sadd.s32 $0xF4280, s0;
	s19 =	simm.s32 $0x22000;
	s22 =	sadd.s32 $0x70, s0  }
.LBB2_18:
0x155: {  	[tilespmem:s5], [sflag:$0x2] =	stream.linear.gather [hbm4b:s22+s4], $0x10, $0x38;
	[tilespmem:$0x15E00] =	vst v63  }
0x156: {  	s0 =	smov.u32 s19  }
0x157: {  	s6 =	sadd.s32 $0x11000, s19;
	s5 =	sadd.s32 s18, s15;
	s18 =	sshra.s32 s0, $0x2  }
0x158: {  	[tilespmem:s5], [sflag:$0x2] =	stream.linear.gather [hbm4b:s17+s4], $0x10, $0x38;
	[tilespmem:$0x15E00] =	vst v63  }
0x159: {  	p0 =	sne.s32 s19, $0x33000;
	s0 =	sadd.s32 $0x10, s17;
	s7 =	sadd.s32 $0x80, s5  }
0x15a: {  	[tilespmem:s7], [sflag:$0x2] =	stream.linear.gather [hbm4b:s0+s4], $0x10, $0x38;
	[tilespmem:$0x15E00] =	vst v63  }
0x15b: {  	s0 =	sadd.s32 $0x20, s17;
	s7 =	sadd.s32 $0x100, s5  }
0x15c: {  	[tilespmem:s7], [sflag:$0x2] =	stream.linear.gather [hbm4b:s0+s4], $0x10, $0x38;
	[tilespmem:$0x15E00] =	vst v63  }
0x15d: {  	s0 =	sadd.s32 $0x30, s17;
	s7 =	sadd.s32 $0x180, s5  }
0x15e: {  	[tilespmem:s7], [sflag:$0x2] =	stream.linear.gather [hbm4b:s0+s4], $0x10, $0x38;
	[tilespmem:$0x15E00] =	vst v63  }
0x15f: {  	s0 =	sadd.s32 $0x40, s17;
	s7 =	sadd.s32 $0x200, s5  }
0x160: {  	[tilespmem:s7], [sflag:$0x2] =	stream.linear.gather [hbm4b:s0+s4], $0x10, $0x38;
	[tilespmem:$0x15E00] =	vst v63  }
.Ltmp11:
0x161: {  	s0 =	sadd.s32 $0x50, s17;
	s7 =	sadd.s32 $0x280, s5;
	(pc) =	sbr.rel @p0 .LBB2_18-.Ltmp11, $4  }
0x162: {  	[tilespmem:s7], [sflag:$0x2] =	stream.linear.gather [hbm4b:s0+s4], $0x10, $0x38;
	[tilespmem:$0x15E00] =	vst v63  }
0x163: {  	s22 =	sadd.s32 $0x70, s17;
	s0 =	sadd.s32 $0x60, s17;
	s7 =	sadd.s32 $0x300, s5  }
0x164: {  	[tilespmem:s7], [sflag:$0x2] =	stream.linear.gather [hbm4b:s0+s4], $0x10, $0x38;
	[tilespmem:$0x15E00] =	vst v63  }
0x165: {  	s19 =	smov.u32 s6;
	s5 =	sadd.s32 $0x380, s5;
	s17 =	sadd.s32 $0xF4280, s17  }
0x166: {  	[tilespmem:s5], [sflag:$0x2] =	stream.linear.gather [hbm4b:s22+s4], $0x10, $0x38;
	[tilespmem:$0x15E00] =	vst v63  }
0x167: {  	s0 =	sadd.s32 s18, s15  }
0x168: {  	[tilespmem:s0], [sflag:$0x2] =	stream.linear.gather [hbm4b:s17+s4], $0x10, $0x38;
	[tilespmem:$0x15E00] =	vst v63  }
0x169: {  	s10 =	sadd.s32 $0x10, s17;
	s6 =	sadd.s32 $0x80, s0  }
0x16a: {  	[tilespmem:s6], [sflag:$0x2] =	stream.linear.gather [hbm4b:s10+s4], $0x10, $0x38;
	[tilespmem:$0x15E00] =	vst v63  }
0x16b: {  	s15 =	sadd.s32 $0x20, s17;
	s18 =	sadd.s32 $0x100, s0  }
0x16c: {  	[tilespmem:s18], [sflag:$0x2] =	stream.linear.gather [hbm4b:s15+s4], $0x10, $0x38;
	[tilespmem:$0x15E00] =	vst v63  }
0x16d: {  	s19 =	sadd.s32 $0x30, s17;
	s22 =	sadd.s32 $0x180, s0  }
0x16e: {  	[tilespmem:s22], [sflag:$0x2] =	stream.linear.gather [hbm4b:s19+s4], $0x10, $0x38;
	[tilespmem:$0x15E00] =	vst v63  }
0x16f: {  	s7 =	sadd.s32 $0x40, s17;
	s14 =	sadd.s32 $0x1, s14;
	s8 =	sadd.s32 $0x200, s0  }
0x170: {  	[tilespmem:s8], [sflag:$0x2] =	stream.linear.gather [hbm4b:s7+s4], $0x10, $0x38;
	[tilespmem:$0x15E00] =	vst v63  }
0x171: {  	p0 =	sne.s32 s14, s1;
	s10 =	sadd.s32 $0x50, s17;
	s15 =	sadd.s32 $0x280, s0  }
0x172: {  	[tilespmem:s15], [sflag:$0x2] =	stream.linear.gather [hbm4b:s10+s4], $0x10, $0x38;
	[tilespmem:$0x15E00] =	vst v63  }
.Ltmp12:
0x173: {  	_ = 	snop;
	(pc) =	sbr.rel @p0 .LBB2_17-.Ltmp12, $4  }
0x174: {  	s18 =	sadd.s32 $0x60, s17;
	s19 =	sadd.s32 $0x300, s0  }
0x175: {  	[tilespmem:s19], [sflag:$0x2] =	stream.linear.gather [hbm4b:s18+s4], $0x10, $0x38;
	[tilespmem:$0x15E00] =	vst v63  }
0x176: {  	s22 =	sadd.s32 $0x70, s17;
	s0 =	sadd.s32 $0x380, s0  }
0x177: {  	[tilespmem:s0], [sflag:$0x2] =	stream.linear.gather [hbm4b:s22+s4], $0x10, $0x38;
	[tilespmem:$0x15E00] =	vst v63  }
.LBB2_20:
0x178: {  	p0 =	slt.s32 s2, $0x1  }
.Ltmp13:
0x179: {  	_ = 	snop;
	(pc) =	sbr.rel @p0 .LBB2_24-.Ltmp13, $4  }
0x17a: {  	s0 =	sshll.u32 s2, $0x3  }
0x17b: {  	s5 =	sand.u32 $0x7F, s2;
	s0 =	sand.u32 $0xFFFFFC00, s0  }
0x17c: {  	s0 =	sor.u32 s5, s0  }
0x17d: {  	s14 =	simm.s32 $0x0;
	[tilespmem:s0+$0x600] =	vst v1  }
.LBB2_21:
0x17e: {  	s0 =	sshll.u32 s14, $0x3  }
0x17f: {  	s5 =	sand.u32 $0x7F, s14;
	s0 =	sand.u32 $0xFFFFFC00, s0  }
0x180: {  	s0 =	sor.u32 s5, s0  }
0x181: {  	v4 =	vld [tilespmem:s0+$0x600];
	_ =	sdelay $0x4  }
0x182: {  	(v2sf) =	vpush v4, $0x0;
	_ =	sdelay $0xe  }
0x183: {  	s7 =	spop (v2sf)  }
0x184: {  	s8 =	sshll.u32 s7, $0x4;
	s6 =	sshll.u32 s7, $0x7  }
0x185: {  	s0 =	sshrl.u32 s7, $0x1;
	s5 =	sand.u32 $0x70, s8;
	s6 =	sand.u32 $0x7C00, s6  }
0x186: {  	s0 =	sand.u32 $0xFFFFF80, s0;
	s5 =	sor.u32 s5, s6  }
0x187: {  	s0 =	sadd.s32 s3, s0;
	s15 =	sadd.s32 $0xC00, s5  }
0x188: {  	s0 =	sadd.s32 $0x8, s0;
	s5 =	sadd.s32 $0x0, s15  }
0x189: {  	[tilespmem:s5], [sflag:$0x2] =	stream.linear.gather [hbm4b:s0+s4], $0x10, $0x38;
	[tilespmem:$0x15E00] =	vst v63  }
0x18a: {  	s10 =	sadd.s32 $0x10, s0;
	s7 =	sadd.s32 $0x80, s5  }
0x18b: {  	[tilespmem:s7], [sflag:$0x2] =	stream.linear.gather [hbm4b:s10+s4], $0x10, $0x38;
	[tilespmem:$0x15E00] =	vst v63  }
0x18c: {  	s17 =	sadd.s32 $0x20, s0;
	s18 =	sadd.s32 $0x100, s5  }
0x18d: {  	[tilespmem:s18], [sflag:$0x2] =	stream.linear.gather [hbm4b:s17+s4], $0x10, $0x38;
	[tilespmem:$0x15E00] =	vst v63  }
0x18e: {  	s19 =	sadd.s32 $0x30, s0;
	s22 =	sadd.s32 $0x180, s5  }
0x18f: {  	[tilespmem:s22], [sflag:$0x2] =	stream.linear.gather [hbm4b:s19+s4], $0x10, $0x38;
	[tilespmem:$0x15E00] =	vst v63  }
0x190: {  	s8 =	sadd.s32 $0x40, s0;
	s10 =	sadd.s32 $0x200, s5  }
0x191: {  	[tilespmem:s10], [sflag:$0x2] =	stream.linear.gather [hbm4b:s8+s4], $0x10, $0x38;
	[tilespmem:$0x15E00] =	vst v63  }
0x192: {  	s17 =	sadd.s32 $0x50, s0;
	s18 =	sadd.s32 $0x280, s5;
	s19 =	sadd.s32 $0x60, s0  }
0x193: {  	[tilespmem:s18], [sflag:$0x2] =	stream.linear.gather [hbm4b:s17+s4], $0x10, $0x38;
	[tilespmem:$0x15E00] =	vst v63  }
0x194: {  	s22 =	sadd.s32 $0x300, s5;
	s5 =	sadd.s32 $0x380, s5;
	s18 =	simm.s32 $0x4400  }
0x195: {  	[tilespmem:s22], [sflag:$0x2] =	stream.linear.gather [hbm4b:s19+s4], $0x10, $0x38;
	[tilespmem:$0x15E00] =	vst v63  }
0x196: {  	s17 =	sadd.s32 $0xF4280, s0;
	s19 =	simm.s32 $0x22000;
	s22 =	sadd.s32 $0x70, s0  }
.LBB2_22:
0x197: {  	[tilespmem:s5], [sflag:$0x2] =	stream.linear.gather [hbm4b:s22+s4], $0x10, $0x38;
	[tilespmem:$0x15E00] =	vst v63  }
0x198: {  	s0 =	smov.u32 s19  }
0x199: {  	s6 =	sadd.s32 $0x11000, s19;
	s5 =	sadd.s32 s18, s15;
	s18 =	sshra.s32 s0, $0x2  }
0x19a: {  	[tilespmem:s5], [sflag:$0x2] =	stream.linear.gather [hbm4b:s17+s4], $0x10, $0x38;
	[tilespmem:$0x15E00] =	vst v63  }
0x19b: {  	p0 =	sne.s32 s19, $0x33000;
	s0 =	sadd.s32 $0x10, s17;
	s7 =	sadd.s32 $0x80, s5  }
0x19c: {  	[tilespmem:s7], [sflag:$0x2] =	stream.linear.gather [hbm4b:s0+s4], $0x10, $0x38;
	[tilespmem:$0x15E00] =	vst v63  }
0x19d: {  	s0 =	sadd.s32 $0x20, s17;
	s7 =	sadd.s32 $0x100, s5  }
0x19e: {  	[tilespmem:s7], [sflag:$0x2] =	stream.linear.gather [hbm4b:s0+s4], $0x10, $0x38;
	[tilespmem:$0x15E00] =	vst v63  }
0x19f: {  	s0 =	sadd.s32 $0x30, s17;
	s7 =	sadd.s32 $0x180, s5  }
0x1a0: {  	[tilespmem:s7], [sflag:$0x2] =	stream.linear.gather [hbm4b:s0+s4], $0x10, $0x38;
	[tilespmem:$0x15E00] =	vst v63  }
0x1a1: {  	s0 =	sadd.s32 $0x40, s17;
	s7 =	sadd.s32 $0x200, s5  }
0x1a2: {  	[tilespmem:s7], [sflag:$0x2] =	stream.linear.gather [hbm4b:s0+s4], $0x10, $0x38;
	[tilespmem:$0x15E00] =	vst v63  }
.Ltmp14:
0x1a3: {  	s0 =	sadd.s32 $0x50, s17;
	s7 =	sadd.s32 $0x280, s5;
	(pc) =	sbr.rel @p0 .LBB2_22-.Ltmp14, $4  }
0x1a4: {  	[tilespmem:s7], [sflag:$0x2] =	stream.linear.gather [hbm4b:s0+s4], $0x10, $0x38;
	[tilespmem:$0x15E00] =	vst v63  }
0x1a5: {  	s22 =	sadd.s32 $0x70, s17;
	s0 =	sadd.s32 $0x60, s17;
	s7 =	sadd.s32 $0x300, s5  }
0x1a6: {  	[tilespmem:s7], [sflag:$0x2] =	stream.linear.gather [hbm4b:s0+s4], $0x10, $0x38;
	[tilespmem:$0x15E00] =	vst v63  }
0x1a7: {  	s19 =	smov.u32 s6;
	s5 =	sadd.s32 $0x380, s5;
	s17 =	sadd.s32 $0xF4280, s17  }
0x1a8: {  	[tilespmem:s5], [sflag:$0x2] =	stream.linear.gather [hbm4b:s22+s4], $0x10, $0x38;
	[tilespmem:$0x15E00] =	vst v63  }
0x1a9: {  	s0 =	sadd.s32 s18, s15  }
0x1aa: {  	[tilespmem:s0], [sflag:$0x2] =	stream.linear.gather [hbm4b:s17+s4], $0x10, $0x38;
	[tilespmem:$0x15E00] =	vst v63  }
0x1ab: {  	s10 =	sadd.s32 $0x10, s17;
	s6 =	sadd.s32 $0x80, s0  }
0x1ac: {  	[tilespmem:s6], [sflag:$0x2] =	stream.linear.gather [hbm4b:s10+s4], $0x10, $0x38;
	[tilespmem:$0x15E00] =	vst v63  }
0x1ad: {  	s15 =	sadd.s32 $0x20, s17;
	s18 =	sadd.s32 $0x100, s0  }
0x1ae: {  	[tilespmem:s18], [sflag:$0x2] =	stream.linear.gather [hbm4b:s15+s4], $0x10, $0x38;
	[tilespmem:$0x15E00] =	vst v63  }
0x1af: {  	s19 =	sadd.s32 $0x30, s17;
	s22 =	sadd.s32 $0x180, s0  }
0x1b0: {  	[tilespmem:s22], [sflag:$0x2] =	stream.linear.gather [hbm4b:s19+s4], $0x10, $0x38;
	[tilespmem:$0x15E00] =	vst v63  }
0x1b1: {  	s7 =	sadd.s32 $0x40, s17;
	s14 =	sadd.s32 $0x1, s14;
	s8 =	sadd.s32 $0x200, s0  }
0x1b2: {  	[tilespmem:s8], [sflag:$0x2] =	stream.linear.gather [hbm4b:s7+s4], $0x10, $0x38;
	[tilespmem:$0x15E00] =	vst v63  }
0x1b3: {  	p0 =	sne.s32 s14, s2;
	s10 =	sadd.s32 $0x50, s17;
	s15 =	sadd.s32 $0x280, s0  }
0x1b4: {  	[tilespmem:s15], [sflag:$0x2] =	stream.linear.gather [hbm4b:s10+s4], $0x10, $0x38;
	[tilespmem:$0x15E00] =	vst v63  }
.Ltmp15:
0x1b5: {  	_ = 	snop;
	(pc) =	sbr.rel @p0 .LBB2_21-.Ltmp15, $4  }
0x1b6: {  	s18 =	sadd.s32 $0x60, s17;
	s19 =	sadd.s32 $0x300, s0  }
0x1b7: {  	[tilespmem:s19], [sflag:$0x2] =	stream.linear.gather [hbm4b:s18+s4], $0x10, $0x38;
	[tilespmem:$0x15E00] =	vst v63  }
0x1b8: {  	s22 =	sadd.s32 $0x70, s17;
	s0 =	sadd.s32 $0x380, s0  }
0x1b9: {  	[tilespmem:s0], [sflag:$0x2] =	stream.linear.gather [hbm4b:s22+s4], $0x10, $0x38;
	[tilespmem:$0x15E00] =	vst v63  }
.LBB2_24:
0x1ba: {  	p0 =	slt.s32 s11, $0x1  }
.Ltmp16:
0x1bb: {  	_ = 	snop;
	(pc) =	sbr.rel @p0 .LBB2_28-.Ltmp16, $4  }
0x1bc: {  	s0 =	sshll.u32 s11, $0x3  }
0x1bd: {  	s5 =	sand.u32 $0x7F, s11;
	s0 =	sand.u32 $0xFFFFFC00, s0  }
0x1be: {  	s0 =	sor.u32 s5, s0  }
0x1bf: {  	s14 =	simm.s32 $0x0;
	[tilespmem:s0+$0x680] =	vst v1  }
.LBB2_25:
0x1c0: {  	s0 =	sshll.u32 s14, $0x3  }
0x1c1: {  	s5 =	sand.u32 $0x7F, s14;
	s0 =	sand.u32 $0xFFFFFC00, s0  }
0x1c2: {  	s0 =	sor.u32 s5, s0  }
0x1c3: {  	v4 =	vld [tilespmem:s0+$0x680];
	_ =	sdelay $0x4  }
0x1c4: {  	(v2sf) =	vpush v4, $0x0;
	_ =	sdelay $0xe  }
0x1c5: {  	s7 =	spop (v2sf)  }
0x1c6: {  	s8 =	sshll.u32 s7, $0x4;
	s6 =	sshll.u32 s7, $0x7  }
0x1c7: {  	s0 =	sshrl.u32 s7, $0x1;
	s5 =	sand.u32 $0x70, s8;
	s6 =	sand.u32 $0x7C00, s6  }
0x1c8: {  	s0 =	sand.u32 $0xFFFFF80, s0;
	s5 =	sor.u32 s5, s6  }
0x1c9: {  	s0 =	sadd.s32 s3, s0;
	s15 =	sadd.s32 $0xC00, s5  }
0x1ca: {  	s0 =	sadd.s32 $0xA, s0;
	s5 =	sadd.s32 $0x0, s15  }
0x1cb: {  	[tilespmem:s5], [sflag:$0x2] =	stream.linear.gather [hbm4b:s0+s4], $0x10, $0x38;
	[tilespmem:$0x15E00] =	vst v63  }
0x1cc: {  	s10 =	sadd.s32 $0x10, s0;
	s7 =	sadd.s32 $0x80, s5  }
0x1cd: {  	[tilespmem:s7], [sflag:$0x2] =	stream.linear.gather [hbm4b:s10+s4], $0x10, $0x38;
	[tilespmem:$0x15E00] =	vst v63  }
0x1ce: {  	s17 =	sadd.s32 $0x20, s0;
	s18 =	sadd.s32 $0x100, s5  }
0x1cf: {  	[tilespmem:s18], [sflag:$0x2] =	stream.linear.gather [hbm4b:s17+s4], $0x10, $0x38;
	[tilespmem:$0x15E00] =	vst v63  }
0x1d0: {  	s19 =	sadd.s32 $0x30, s0;
	s22 =	sadd.s32 $0x180, s5  }
0x1d1: {  	[tilespmem:s22], [sflag:$0x2] =	stream.linear.gather [hbm4b:s19+s4], $0x10, $0x38;
	[tilespmem:$0x15E00] =	vst v63  }
0x1d2: {  	s8 =	sadd.s32 $0x40, s0;
	s10 =	sadd.s32 $0x200, s5  }
0x1d3: {  	[tilespmem:s10], [sflag:$0x2] =	stream.linear.gather [hbm4b:s8+s4], $0x10, $0x38;
	[tilespmem:$0x15E00] =	vst v63  }
0x1d4: {  	s17 =	sadd.s32 $0x50, s0;
	s18 =	sadd.s32 $0x280, s5;
	s19 =	sadd.s32 $0x60, s0  }
0x1d5: {  	[tilespmem:s18], [sflag:$0x2] =	stream.linear.gather [hbm4b:s17+s4], $0x10, $0x38;
	[tilespmem:$0x15E00] =	vst v63  }
0x1d6: {  	s22 =	sadd.s32 $0x300, s5;
	s5 =	sadd.s32 $0x380, s5;
	s18 =	simm.s32 $0x4400  }
0x1d7: {  	[tilespmem:s22], [sflag:$0x2] =	stream.linear.gather [hbm4b:s19+s4], $0x10, $0x38;
	[tilespmem:$0x15E00] =	vst v63  }
0x1d8: {  	s17 =	sadd.s32 $0xF4280, s0;
	s19 =	simm.s32 $0x22000;
	s22 =	sadd.s32 $0x70, s0  }
.LBB2_26:
0x1d9: {  	[tilespmem:s5], [sflag:$0x2] =	stream.linear.gather [hbm4b:s22+s4], $0x10, $0x38;
	[tilespmem:$0x15E00] =	vst v63  }
0x1da: {  	s0 =	smov.u32 s19  }
0x1db: {  	s6 =	sadd.s32 $0x11000, s19;
	s5 =	sadd.s32 s18, s15;
	s18 =	sshra.s32 s0, $0x2  }
0x1dc: {  	[tilespmem:s5], [sflag:$0x2] =	stream.linear.gather [hbm4b:s17+s4], $0x10, $0x38;
	[tilespmem:$0x15E00] =	vst v63  }
0x1dd: {  	p0 =	sne.s32 s19, $0x33000;
	s0 =	sadd.s32 $0x10, s17;
	s7 =	sadd.s32 $0x80, s5  }
0x1de: {  	[tilespmem:s7], [sflag:$0x2] =	stream.linear.gather [hbm4b:s0+s4], $0x10, $0x38;
	[tilespmem:$0x15E00] =	vst v63  }
0x1df: {  	s0 =	sadd.s32 $0x20, s17;
	s7 =	sadd.s32 $0x100, s5  }
0x1e0: {  	[tilespmem:s7], [sflag:$0x2] =	stream.linear.gather [hbm4b:s0+s4], $0x10, $0x38;
	[tilespmem:$0x15E00] =	vst v63  }
0x1e1: {  	s0 =	sadd.s32 $0x30, s17;
	s7 =	sadd.s32 $0x180, s5  }
0x1e2: {  	[tilespmem:s7], [sflag:$0x2] =	stream.linear.gather [hbm4b:s0+s4], $0x10, $0x38;
	[tilespmem:$0x15E00] =	vst v63  }
0x1e3: {  	s0 =	sadd.s32 $0x40, s17;
	s7 =	sadd.s32 $0x200, s5  }
0x1e4: {  	[tilespmem:s7], [sflag:$0x2] =	stream.linear.gather [hbm4b:s0+s4], $0x10, $0x38;
	[tilespmem:$0x15E00] =	vst v63  }
.Ltmp17:
0x1e5: {  	s0 =	sadd.s32 $0x50, s17;
	s7 =	sadd.s32 $0x280, s5;
	(pc) =	sbr.rel @p0 .LBB2_26-.Ltmp17, $4  }
0x1e6: {  	[tilespmem:s7], [sflag:$0x2] =	stream.linear.gather [hbm4b:s0+s4], $0x10, $0x38;
	[tilespmem:$0x15E00] =	vst v63  }
0x1e7: {  	s22 =	sadd.s32 $0x70, s17;
	s0 =	sadd.s32 $0x60, s17;
	s7 =	sadd.s32 $0x300, s5  }
0x1e8: {  	[tilespmem:s7], [sflag:$0x2] =	stream.linear.gather [hbm4b:s0+s4], $0x10, $0x38;
	[tilespmem:$0x15E00] =	vst v63  }
0x1e9: {  	s19 =	smov.u32 s6;
	s5 =	sadd.s32 $0x380, s5;
	s17 =	sadd.s32 $0xF4280, s17  }
0x1ea: {  	[tilespmem:s5], [sflag:$0x2] =	stream.linear.gather [hbm4b:s22+s4], $0x10, $0x38;
	[tilespmem:$0x15E00] =	vst v63  }
0x1eb: {  	s0 =	sadd.s32 s18, s15  }
0x1ec: {  	[tilespmem:s0], [sflag:$0x2] =	stream.linear.gather [hbm4b:s17+s4], $0x10, $0x38;
	[tilespmem:$0x15E00] =	vst v63  }
0x1ed: {  	s10 =	sadd.s32 $0x10, s17;
	s6 =	sadd.s32 $0x80, s0  }
0x1ee: {  	[tilespmem:s6], [sflag:$0x2] =	stream.linear.gather [hbm4b:s10+s4], $0x10, $0x38;
	[tilespmem:$0x15E00] =	vst v63  }
0x1ef: {  	s15 =	sadd.s32 $0x20, s17;
	s18 =	sadd.s32 $0x100, s0  }
0x1f0: {  	[tilespmem:s18], [sflag:$0x2] =	stream.linear.gather [hbm4b:s15+s4], $0x10, $0x38;
	[tilespmem:$0x15E00] =	vst v63  }
0x1f1: {  	s19 =	sadd.s32 $0x30, s17;
	s22 =	sadd.s32 $0x180, s0  }
0x1f2: {  	[tilespmem:s22], [sflag:$0x2] =	stream.linear.gather [hbm4b:s19+s4], $0x10, $0x38;
	[tilespmem:$0x15E00] =	vst v63  }
0x1f3: {  	s7 =	sadd.s32 $0x40, s17;
	s14 =	sadd.s32 $0x1, s14;
	s8 =	sadd.s32 $0x200, s0  }
0x1f4: {  	[tilespmem:s8], [sflag:$0x2] =	stream.linear.gather [hbm4b:s7+s4], $0x10, $0x38;
	[tilespmem:$0x15E00] =	vst v63  }
0x1f5: {  	p0 =	sne.s32 s14, s11;
	s10 =	sadd.s32 $0x50, s17;
	s15 =	sadd.s32 $0x280, s0  }
0x1f6: {  	[tilespmem:s15], [sflag:$0x2] =	stream.linear.gather [hbm4b:s10+s4], $0x10, $0x38;
	[tilespmem:$0x15E00] =	vst v63  }
.Ltmp18:
0x1f7: {  	_ = 	snop;
	(pc) =	sbr.rel @p0 .LBB2_25-.Ltmp18, $4  }
0x1f8: {  	s18 =	sadd.s32 $0x60, s17;
	s19 =	sadd.s32 $0x300, s0  }
0x1f9: {  	[tilespmem:s19], [sflag:$0x2] =	stream.linear.gather [hbm4b:s18+s4], $0x10, $0x38;
	[tilespmem:$0x15E00] =	vst v63  }
0x1fa: {  	s22 =	sadd.s32 $0x70, s17;
	s0 =	sadd.s32 $0x380, s0  }
0x1fb: {  	[tilespmem:s0], [sflag:$0x2] =	stream.linear.gather [hbm4b:s22+s4], $0x10, $0x38;
	[tilespmem:$0x15E00] =	vst v63  }
.LBB2_28:
0x1fc: {  	p0 =	slt.s32 s13, $0x1  }
.Ltmp19:
0x1fd: {  	_ = 	snop;
	(pc) =	sbr.rel @p0 .LBB2_32-.Ltmp19, $4  }
0x1fe: {  	s0 =	sshll.u32 s13, $0x3  }
0x1ff: {  	s5 =	sand.u32 $0x7F, s13;
	s0 =	sand.u32 $0xFFFFFC00, s0  }
0x200: {  	s0 =	sor.u32 s5, s0  }
0x201: {  	s14 =	simm.s32 $0x0;
	[tilespmem:s0+$0x700] =	vst v1  }
.LBB2_29:
0x202: {  	s0 =	sshll.u32 s14, $0x3  }
0x203: {  	s5 =	sand.u32 $0x7F, s14;
	s0 =	sand.u32 $0xFFFFFC00, s0  }
0x204: {  	s0 =	sor.u32 s5, s0  }
0x205: {  	v4 =	vld [tilespmem:s0+$0x700];
	_ =	sdelay $0x4  }
0x206: {  	(v2sf) =	vpush v4, $0x0;
	_ =	sdelay $0xe  }
0x207: {  	s7 =	spop (v2sf)  }
0x208: {  	s8 =	sshll.u32 s7, $0x4;
	s6 =	sshll.u32 s7, $0x7  }
0x209: {  	s0 =	sshrl.u32 s7, $0x1;
	s5 =	sand.u32 $0x70, s8;
	s6 =	sand.u32 $0x7C00, s6  }
0x20a: {  	s0 =	sand.u32 $0xFFFFF80, s0;
	s5 =	sor.u32 s5, s6  }
0x20b: {  	s0 =	sadd.s32 s3, s0;
	s15 =	sadd.s32 $0xC00, s5  }
0x20c: {  	s0 =	sadd.s32 $0xC, s0;
	s5 =	sadd.s32 $0x0, s15  }
0x20d: {  	[tilespmem:s5], [sflag:$0x2] =	stream.linear.gather [hbm4b:s0+s4], $0x10, $0x38;
	[tilespmem:$0x15E00] =	vst v63  }
0x20e: {  	s10 =	sadd.s32 $0x10, s0;
	s7 =	sadd.s32 $0x80, s5  }
0x20f: {  	[tilespmem:s7], [sflag:$0x2] =	stream.linear.gather [hbm4b:s10+s4], $0x10, $0x38;
	[tilespmem:$0x15E00] =	vst v63  }
0x210: {  	s17 =	sadd.s32 $0x20, s0;
	s18 =	sadd.s32 $0x100, s5  }
0x211: {  	[tilespmem:s18], [sflag:$0x2] =	stream.linear.gather [hbm4b:s17+s4], $0x10, $0x38;
	[tilespmem:$0x15E00] =	vst v63  }
0x212: {  	s19 =	sadd.s32 $0x30, s0;
	s22 =	sadd.s32 $0x180, s5  }
0x213: {  	[tilespmem:s22], [sflag:$0x2] =	stream.linear.gather [hbm4b:s19+s4], $0x10, $0x38;
	[tilespmem:$0x15E00] =	vst v63  }
0x214: {  	s8 =	sadd.s32 $0x40, s0;
	s10 =	sadd.s32 $0x200, s5  }
0x215: {  	[tilespmem:s10], [sflag:$0x2] =	stream.linear.gather [hbm4b:s8+s4], $0x10, $0x38;
	[tilespmem:$0x15E00] =	vst v63  }
0x216: {  	s17 =	sadd.s32 $0x50, s0;
	s18 =	sadd.s32 $0x280, s5;
	s19 =	sadd.s32 $0x60, s0  }
0x217: {  	[tilespmem:s18], [sflag:$0x2] =	stream.linear.gather [hbm4b:s17+s4], $0x10, $0x38;
	[tilespmem:$0x15E00] =	vst v63  }
0x218: {  	s22 =	sadd.s32 $0x300, s5;
	s5 =	sadd.s32 $0x380, s5;
	s18 =	simm.s32 $0x4400  }
0x219: {  	[tilespmem:s22], [sflag:$0x2] =	stream.linear.gather [hbm4b:s19+s4], $0x10, $0x38;
	[tilespmem:$0x15E00] =	vst v63  }
0x21a: {  	s17 =	sadd.s32 $0xF4280, s0;
	s19 =	simm.s32 $0x22000;
	s22 =	sadd.s32 $0x70, s0  }
.LBB2_30:
0x21b: {  	[tilespmem:s5], [sflag:$0x2] =	stream.linear.gather [hbm4b:s22+s4], $0x10, $0x38;
	[tilespmem:$0x15E00] =	vst v63  }
0x21c: {  	s0 =	smov.u32 s19  }
0x21d: {  	s6 =	sadd.s32 $0x11000, s19;
	s5 =	sadd.s32 s18, s15;
	s18 =	sshra.s32 s0, $0x2  }
0x21e: {  	[tilespmem:s5], [sflag:$0x2] =	stream.linear.gather [hbm4b:s17+s4], $0x10, $0x38;
	[tilespmem:$0x15E00] =	vst v63  }
0x21f: {  	p0 =	sne.s32 s19, $0x33000;
	s0 =	sadd.s32 $0x10, s17;
	s7 =	sadd.s32 $0x80, s5  }
0x220: {  	[tilespmem:s7], [sflag:$0x2] =	stream.linear.gather [hbm4b:s0+s4], $0x10, $0x38;
	[tilespmem:$0x15E00] =	vst v63  }
0x221: {  	s0 =	sadd.s32 $0x20, s17;
	s7 =	sadd.s32 $0x100, s5  }
0x222: {  	[tilespmem:s7], [sflag:$0x2] =	stream.linear.gather [hbm4b:s0+s4], $0x10, $0x38;
	[tilespmem:$0x15E00] =	vst v63  }
0x223: {  	s0 =	sadd.s32 $0x30, s17;
	s7 =	sadd.s32 $0x180, s5  }
0x224: {  	[tilespmem:s7], [sflag:$0x2] =	stream.linear.gather [hbm4b:s0+s4], $0x10, $0x38;
	[tilespmem:$0x15E00] =	vst v63  }
0x225: {  	s0 =	sadd.s32 $0x40, s17;
	s7 =	sadd.s32 $0x200, s5  }
0x226: {  	[tilespmem:s7], [sflag:$0x2] =	stream.linear.gather [hbm4b:s0+s4], $0x10, $0x38;
	[tilespmem:$0x15E00] =	vst v63  }
.Ltmp20:
0x227: {  	s0 =	sadd.s32 $0x50, s17;
	s7 =	sadd.s32 $0x280, s5;
	(pc) =	sbr.rel @p0 .LBB2_30-.Ltmp20, $4  }
0x228: {  	[tilespmem:s7], [sflag:$0x2] =	stream.linear.gather [hbm4b:s0+s4], $0x10, $0x38;
	[tilespmem:$0x15E00] =	vst v63  }
0x229: {  	s22 =	sadd.s32 $0x70, s17;
	s0 =	sadd.s32 $0x60, s17;
	s7 =	sadd.s32 $0x300, s5  }
0x22a: {  	[tilespmem:s7], [sflag:$0x2] =	stream.linear.gather [hbm4b:s0+s4], $0x10, $0x38;
	[tilespmem:$0x15E00] =	vst v63  }
0x22b: {  	s19 =	smov.u32 s6;
	s5 =	sadd.s32 $0x380, s5;
	s17 =	sadd.s32 $0xF4280, s17  }
0x22c: {  	[tilespmem:s5], [sflag:$0x2] =	stream.linear.gather [hbm4b:s22+s4], $0x10, $0x38;
	[tilespmem:$0x15E00] =	vst v63  }
0x22d: {  	s0 =	sadd.s32 s18, s15  }
0x22e: {  	[tilespmem:s0], [sflag:$0x2] =	stream.linear.gather [hbm4b:s17+s4], $0x10, $0x38;
	[tilespmem:$0x15E00] =	vst v63  }
0x22f: {  	s10 =	sadd.s32 $0x10, s17;
	s6 =	sadd.s32 $0x80, s0  }
0x230: {  	[tilespmem:s6], [sflag:$0x2] =	stream.linear.gather [hbm4b:s10+s4], $0x10, $0x38;
	[tilespmem:$0x15E00] =	vst v63  }
0x231: {  	s15 =	sadd.s32 $0x20, s17;
	s18 =	sadd.s32 $0x100, s0  }
0x232: {  	[tilespmem:s18], [sflag:$0x2] =	stream.linear.gather [hbm4b:s15+s4], $0x10, $0x38;
	[tilespmem:$0x15E00] =	vst v63  }
0x233: {  	s19 =	sadd.s32 $0x30, s17;
	s22 =	sadd.s32 $0x180, s0  }
0x234: {  	[tilespmem:s22], [sflag:$0x2] =	stream.linear.gather [hbm4b:s19+s4], $0x10, $0x38;
	[tilespmem:$0x15E00] =	vst v63  }
0x235: {  	s7 =	sadd.s32 $0x40, s17;
	s14 =	sadd.s32 $0x1, s14;
	s8 =	sadd.s32 $0x200, s0  }
0x236: {  	[tilespmem:s8], [sflag:$0x2] =	stream.linear.gather [hbm4b:s7+s4], $0x10, $0x38;
	[tilespmem:$0x15E00] =	vst v63  }
0x237: {  	p0 =	sne.s32 s14, s13;
	s10 =	sadd.s32 $0x50, s17;
	s15 =	sadd.s32 $0x280, s0  }
0x238: {  	[tilespmem:s15], [sflag:$0x2] =	stream.linear.gather [hbm4b:s10+s4], $0x10, $0x38;
	[tilespmem:$0x15E00] =	vst v63  }
.Ltmp21:
0x239: {  	_ = 	snop;
	(pc) =	sbr.rel @p0 .LBB2_29-.Ltmp21, $4  }
0x23a: {  	s18 =	sadd.s32 $0x60, s17;
	s19 =	sadd.s32 $0x300, s0  }
0x23b: {  	[tilespmem:s19], [sflag:$0x2] =	stream.linear.gather [hbm4b:s18+s4], $0x10, $0x38;
	[tilespmem:$0x15E00] =	vst v63  }
0x23c: {  	s22 =	sadd.s32 $0x70, s17;
	s0 =	sadd.s32 $0x380, s0  }
0x23d: {  	[tilespmem:s0], [sflag:$0x2] =	stream.linear.gather [hbm4b:s22+s4], $0x10, $0x38;
	[tilespmem:$0x15E00] =	vst v63  }
.LBB2_32:
0x23e: {  	p0 =	slt.s32 s12, $0x1  }
.Ltmp22:
0x23f: {  	_ = 	snop;
	(pc) =	sbr.rel @p0 .LBB2_36-.Ltmp22, $4  }
0x240: {  	s0 =	sshll.u32 s12, $0x3  }
0x241: {  	s5 =	sand.u32 $0x7F, s12;
	s0 =	sand.u32 $0xFFFFFC00, s0  }
0x242: {  	s0 =	sor.u32 s5, s0  }
0x243: {  	s14 =	simm.s32 $0x0;
	[tilespmem:s0+$0x780] =	vst v1  }
.LBB2_33:
0x244: {  	s0 =	sshll.u32 s14, $0x3  }
0x245: {  	s5 =	sand.u32 $0x7F, s14;
	s0 =	sand.u32 $0xFFFFFC00, s0  }
0x246: {  	s0 =	sor.u32 s5, s0  }
0x247: {  	v4 =	vld [tilespmem:s0+$0x780];
	_ =	sdelay $0x4  }
0x248: {  	(v2sf) =	vpush v4, $0x0;
	_ =	sdelay $0xe  }
0x249: {  	s7 =	spop (v2sf)  }
0x24a: {  	s8 =	sshll.u32 s7, $0x4;
	s6 =	sshll.u32 s7, $0x7  }
0x24b: {  	s0 =	sshrl.u32 s7, $0x1;
	s5 =	sand.u32 $0x70, s8;
	s6 =	sand.u32 $0x7C00, s6  }
0x24c: {  	s0 =	sand.u32 $0xFFFFF80, s0;
	s5 =	sor.u32 s5, s6  }
0x24d: {  	s0 =	sadd.s32 s3, s0;
	s15 =	sadd.s32 $0xC00, s5  }
0x24e: {  	s0 =	sadd.s32 $0xE, s0;
	s5 =	sadd.s32 $0x0, s15  }
0x24f: {  	[tilespmem:s5], [sflag:$0x2] =	stream.linear.gather [hbm4b:s0+s4], $0x10, $0x38;
	[tilespmem:$0x15E00] =	vst v63  }
0x250: {  	s10 =	sadd.s32 $0x10, s0;
	s7 =	sadd.s32 $0x80, s5  }
0x251: {  	[tilespmem:s7], [sflag:$0x2] =	stream.linear.gather [hbm4b:s10+s4], $0x10, $0x38;
	[tilespmem:$0x15E00] =	vst v63  }
0x252: {  	s17 =	sadd.s32 $0x20, s0;
	s18 =	sadd.s32 $0x100, s5  }
0x253: {  	[tilespmem:s18], [sflag:$0x2] =	stream.linear.gather [hbm4b:s17+s4], $0x10, $0x38;
	[tilespmem:$0x15E00] =	vst v63  }
0x254: {  	s19 =	sadd.s32 $0x30, s0;
	s22 =	sadd.s32 $0x180, s5  }
0x255: {  	[tilespmem:s22], [sflag:$0x2] =	stream.linear.gather [hbm4b:s19+s4], $0x10, $0x38;
	[tilespmem:$0x15E00] =	vst v63  }
0x256: {  	s8 =	sadd.s32 $0x40, s0;
	s10 =	sadd.s32 $0x200, s5  }
0x257: {  	[tilespmem:s10], [sflag:$0x2] =	stream.linear.gather [hbm4b:s8+s4], $0x10, $0x38;
	[tilespmem:$0x15E00] =	vst v63  }
0x258: {  	s17 =	sadd.s32 $0x50, s0;
	s18 =	sadd.s32 $0x280, s5;
	s19 =	sadd.s32 $0x60, s0  }
0x259: {  	[tilespmem:s18], [sflag:$0x2] =	stream.linear.gather [hbm4b:s17+s4], $0x10, $0x38;
	[tilespmem:$0x15E00] =	vst v63  }
0x25a: {  	s22 =	sadd.s32 $0x300, s5;
	s5 =	sadd.s32 $0x380, s5;
	s18 =	simm.s32 $0x4400  }
0x25b: {  	[tilespmem:s22], [sflag:$0x2] =	stream.linear.gather [hbm4b:s19+s4], $0x10, $0x38;
	[tilespmem:$0x15E00] =	vst v63  }
0x25c: {  	s17 =	sadd.s32 $0xF4280, s0;
	s19 =	simm.s32 $0x22000;
	s22 =	sadd.s32 $0x70, s0  }
.LBB2_34:
0x25d: {  	[tilespmem:s5], [sflag:$0x2] =	stream.linear.gather [hbm4b:s22+s4], $0x10, $0x38;
	[tilespmem:$0x15E00] =	vst v63  }
0x25e: {  	s0 =	smov.u32 s19  }
0x25f: {  	s6 =	sadd.s32 $0x11000, s19;
	s5 =	sadd.s32 s18, s15;
	s18 =	sshra.s32 s0, $0x2  }
0x260: {  	[tilespmem:s5], [sflag:$0x2] =	stream.linear.gather [hbm4b:s17+s4], $0x10, $0x38;
	[tilespmem:$0x15E00] =	vst v63  }
0x261: {  	p0 =	sne.s32 s19, $0x33000;
	s0 =	sadd.s32 $0x10, s17;
	s7 =	sadd.s32 $0x80, s5  }
0x262: {  	[tilespmem:s7], [sflag:$0x2] =	stream.linear.gather [hbm4b:s0+s4], $0x10, $0x38;
	[tilespmem:$0x15E00] =	vst v63  }
0x263: {  	s0 =	sadd.s32 $0x20, s17;
	s7 =	sadd.s32 $0x100, s5  }
0x264: {  	[tilespmem:s7], [sflag:$0x2] =	stream.linear.gather [hbm4b:s0+s4], $0x10, $0x38;
	[tilespmem:$0x15E00] =	vst v63  }
0x265: {  	s0 =	sadd.s32 $0x30, s17;
	s7 =	sadd.s32 $0x180, s5  }
0x266: {  	[tilespmem:s7], [sflag:$0x2] =	stream.linear.gather [hbm4b:s0+s4], $0x10, $0x38;
	[tilespmem:$0x15E00] =	vst v63  }
0x267: {  	s0 =	sadd.s32 $0x40, s17;
	s7 =	sadd.s32 $0x200, s5  }
0x268: {  	[tilespmem:s7], [sflag:$0x2] =	stream.linear.gather [hbm4b:s0+s4], $0x10, $0x38;
	[tilespmem:$0x15E00] =	vst v63  }
.Ltmp23:
0x269: {  	s0 =	sadd.s32 $0x50, s17;
	s7 =	sadd.s32 $0x280, s5;
	(pc) =	sbr.rel @p0 .LBB2_34-.Ltmp23, $4  }
0x26a: {  	[tilespmem:s7], [sflag:$0x2] =	stream.linear.gather [hbm4b:s0+s4], $0x10, $0x38;
	[tilespmem:$0x15E00] =	vst v63  }
0x26b: {  	s22 =	sadd.s32 $0x70, s17;
	s0 =	sadd.s32 $0x60, s17;
	s7 =	sadd.s32 $0x300, s5  }
0x26c: {  	[tilespmem:s7], [sflag:$0x2] =	stream.linear.gather [hbm4b:s0+s4], $0x10, $0x38;
	[tilespmem:$0x15E00] =	vst v63  }
0x26d: {  	s19 =	smov.u32 s6;
	s5 =	sadd.s32 $0x380, s5;
	s17 =	sadd.s32 $0xF4280, s17  }
0x26e: {  	[tilespmem:s5], [sflag:$0x2] =	stream.linear.gather [hbm4b:s22+s4], $0x10, $0x38;
	[tilespmem:$0x15E00] =	vst v63  }
0x26f: {  	s0 =	sadd.s32 s18, s15  }
0x270: {  	[tilespmem:s0], [sflag:$0x2] =	stream.linear.gather [hbm4b:s17+s4], $0x10, $0x38;
	[tilespmem:$0x15E00] =	vst v63  }
0x271: {  	s10 =	sadd.s32 $0x10, s17;
	s6 =	sadd.s32 $0x80, s0  }
0x272: {  	[tilespmem:s6], [sflag:$0x2] =	stream.linear.gather [hbm4b:s10+s4], $0x10, $0x38;
	[tilespmem:$0x15E00] =	vst v63  }
0x273: {  	s15 =	sadd.s32 $0x20, s17;
	s18 =	sadd.s32 $0x100, s0  }
0x274: {  	[tilespmem:s18], [sflag:$0x2] =	stream.linear.gather [hbm4b:s15+s4], $0x10, $0x38;
	[tilespmem:$0x15E00] =	vst v63  }
0x275: {  	s19 =	sadd.s32 $0x30, s17;
	s22 =	sadd.s32 $0x180, s0  }
0x276: {  	[tilespmem:s22], [sflag:$0x2] =	stream.linear.gather [hbm4b:s19+s4], $0x10, $0x38;
	[tilespmem:$0x15E00] =	vst v63  }
0x277: {  	s7 =	sadd.s32 $0x40, s17;
	s14 =	sadd.s32 $0x1, s14;
	s8 =	sadd.s32 $0x200, s0  }
0x278: {  	[tilespmem:s8], [sflag:$0x2] =	stream.linear.gather [hbm4b:s7+s4], $0x10, $0x38;
	[tilespmem:$0x15E00] =	vst v63  }
0x279: {  	p0 =	sne.s32 s14, s12;
	s10 =	sadd.s32 $0x50, s17;
	s15 =	sadd.s32 $0x280, s0  }
0x27a: {  	[tilespmem:s15], [sflag:$0x2] =	stream.linear.gather [hbm4b:s10+s4], $0x10, $0x38;
	[tilespmem:$0x15E00] =	vst v63  }
.Ltmp24:
0x27b: {  	_ = 	snop;
	(pc) =	sbr.rel @p0 .LBB2_33-.Ltmp24, $4  }
0x27c: {  	s18 =	sadd.s32 $0x60, s17;
	s19 =	sadd.s32 $0x300, s0  }
0x27d: {  	[tilespmem:s19], [sflag:$0x2] =	stream.linear.gather [hbm4b:s18+s4], $0x10, $0x38;
	[tilespmem:$0x15E00] =	vst v63  }
0x27e: {  	s22 =	sadd.s32 $0x70, s17;
	s0 =	sadd.s32 $0x380, s0  }
0x27f: {  	[tilespmem:s0], [sflag:$0x2] =	stream.linear.gather [hbm4b:s22+s4], $0x10, $0x38;
	[tilespmem:$0x15E00] =	vst v63  }
.LBB2_36:
0x280: {  	s0 =	sadd.s32 s29, s30  }
0x281: {  	s0 =	sadd.s32 s31, s0  }
0x282: {  	s0 =	sadd.s32 s1, s0  }
0x283: {  	s0 =	sadd.s32 s2, s0  }
0x284: {  	s0 =	sadd.s32 s11, s0  }
0x285: {  	s0 =	sadd.s32 s13, s0  }
0x286: {  	s1 =	sadd.s32 s12, s0  }
0x287: {  	p0 =	slt.s32 s1, $0x1  }
.Ltmp25:
0x288: {  	_ = 	snop;
	(pc) =	sbr.rel @p0 .LBB2_40-.Ltmp25, $2  }
0x289: {  	_ =	sdelay $0x2  }
0x28a: {  	s2 =	simm.s32 $0x0  }
0x28b: {  	s2 =	sadd.s32 $0x1, s2  }
0x28c: {  	p0 =	slt.s32 s2, s1  }
.Ltmp26:
0x28d: {  	_ = 	snop;
	(pc) =	sbr.rel @!p0 .LBB2_39-.Ltmp26, $3  }
0x28e: {  	_ =	sdelay $0x1  }
0x28f: {  	_ =	swait.ge [sflag:s20], $0x200  }
0x290: {  	[sflag:s20] =	ssyncset.done $0x0  }
.LBB2_38:
0x291: {  	s2 =	sadd.s32 $0x1, s2  }
0x292: {  	[sflag:s20] =	ssyncadd.s32 $0xFFFFFE00;
	p0 =	slt.s32 s2, s1  }
.Ltmp27:
0x293: {  	(pc) =	sbr.rel @p0 .LBB2_38-.Ltmp27, $3  }
0x294: {  	_ =	sdelay $0x1  }
0x295: {  	_ =	swait.ge [sflag:s20], $0x200  }
0x296: {  	[sflag:s20] =	ssyncset.done $0x0  }
.LBB2_39:
0x297: {  	[sflag:s20] =	ssyncadd.s32 $0xFFFFFE00  }
.LBB2_40:
0x298: {  	s0 =	sand.u32 $0x3FFFFC00, s26  }
0x299: {  	s0 =	sadd.s32 $0x0, s0  }
0x29a: {  	s11 =	sadd.s32 $0x11C00, s0;
	v7 =	vld [tilespmem:s0+$0x11C00]  }
0x29b: {  	v6 =	vld [tilespmem:s11+$0x80];
	_ =	sdelay $0x1  }
0x29c: {  	v8 =	vld [tilespmem:s11+$0x100];
	_ =	sdelay $0x1  }
0x29d: {  	v9 =	vld [tilespmem:s11+$0x180]  }
0x29e: {  	v10 =	vmul.f32 v7, v7;
	v5 =	vmul.f32 v6, v6  }
0x29f: {  	v4 =	vmov s24;
	v11 =	vld [tilespmem:s11+$0x200]  }
0x2a0: {  	v12 =	vmul.f32 v8, v8;
	v5 =	vadd.f32 v5, v10  }
0x2a1: {  	v10 =	vld [tilespmem:s11+$0x280]  }
0x2a2: {  	s1 =	simm.s32 $0x0;
	v14 =	vmul.f32 v9, v9;
	v5 =	vadd.f32 v12, v5  }
0x2a3: {  	s2 =	simm.s32 $0x0;
	s31 =	sor.u32 s26, s1;
	v13 =	vld [tilespmem:s11+$0x300]  }
0x2a4: {  	s0 =	sor.u32 $0x380, s31;
	v62 =	vld.idx.msk [tilespmem:v4+s2+$0x0 ss:$0x1], $0xffff;
	v15 =	vmul.f32 v11, v11;
	v5 =	vadd.f32 v14, v5  }
0x2a5: {  	v63 =	vld [tilespmem:s0+$0x11C00]  }
0x2a6: {  	v17 =	vmov s1;
	v16 =	vmul.f32 v10, v10;
	v5 =	vadd.f32 v15, v5  }
0x2a7: {  	v17 =	vshll.u32 v17, $0x3;
	v33 =	vld [tilespmem:s11+$0x1000]  }
0x2a8: {  	v34 =	vor.u32 v3, v17;
	v18 =	vmul.f32 v13, v13;
	v5 =	vadd.f32 v16, v5  }
0x2a9: {  	v35 =	vld [tilespmem:s11+$0x1080];
	v19 =	vand.u32 $0x3C00, v34;
	v12 =	vand.u32 $0xF, v62  }
0x2aa: {  	v20 =	vmul.f32 v63, v63;
	v12 =	vor.u32 v2, v12;
	v18 =	vadd.f32 v18, v5  }
0x2ab: {  	v36 =	vld [tilespmem:s11+$0x1100];
	v5 =	vor.u32 v19, v12  }
0x2ac: {  	v21 =	vmul.f32 v33, v33;
	v18 =	vadd.f32 v20, v18  }
0x2ad: {  	v22 =	vld [tilespmem:s11+$0x1180];
	v37 =	vor.u32 $0x80, v5  }
0x2ae: {  	v23 =	vmul.f32 v35, v35;
	v18 =	vadd.f32 v21, v18  }
0x2af: {  	v24 =	vld [tilespmem:s11+$0x1200];
	v38 =	vor.u32 $0x100, v5  }
0x2b0: {  	v26 =	vmul.f32 v36, v36;
	v25 =	vld.idx.msk [tilespmem:v5+s21+$0x0], $0xffff;
	v18 =	vadd.f32 v23, v18  }
0x2b1: {  	v27 =	vor.u32 $0x180, v5;
	v23 =	vld [tilespmem:s11+$0x1280]  }
0x2b2: {  	v28 =	vmul.f32 v22, v22;
	v20 =	vld.idx.msk [tilespmem:v37+s21+$0x0], $0xffff;
	v18 =	vadd.f32 v26, v18  }
0x2b3: {  	v29 =	vld [tilespmem:s11+$0x1300];
	v39 =	vor.u32 $0x200, v5  }
0x2b4: {  	v30 =	vmul.f32 v24, v24;
	v21 =	vld.idx.msk [tilespmem:v38+s21+$0x0], $0xffff;
	v18 =	vadd.f32 v28, v18  }
0x2b5: {  	v31 =	vld [tilespmem:s11+$0x1380];
	v40 =	vor.u32 $0x280, v5;
	v7 =	vmul.f32 v25, v7  }
0x2b6: {  	v41 =	vld.idx.msk [tilespmem:v27+s21+$0x0], $0xffff;
	v42 =	vmul.f32 v23, v23;
	v18 =	vadd.f32 v30, v18  }
0x2b7: {  	v43 =	vor.u32 $0x300, v5;
	v6 =	vmul.f32 v20, v6;
	v20 =	vld [tilespmem:s11+$0x2000];
	v7 =	vadd.f32 $0.0e+00, v7  }
0x2b8: {  	v45 =	vmul.f32 v29, v29;
	v12 =	vor.u32 v12, v34;
	v44 =	vld.idx.msk [tilespmem:v39+s21+$0x0], $0xffff;
	v18 =	vadd.f32 v42, v18  }
0x2b9: {  	v12 =	vor.u32 $0x380, v12;
	v27 =	vld [tilespmem:s11+$0x2080];
	v6 =	vadd.f32 v6, v7;
	v7 =	vmul.f32 v21, v8  }
0x2ba: {  	v46 =	vmul.f32 v31, v31;
	v8 =	vld.idx.msk [tilespmem:v40+s21+$0x0], $0xffff;
	v18 =	vadd.f32 v45, v18  }
0x2bb: {  	v47 =	vadd.s32 $0x4400, v5;
	v28 =	vld [tilespmem:s11+$0x2100];
	v6 =	vadd.f32 v7, v6;
	v7 =	vmul.f32 v41, v9  }
0x2bc: {  	v9 =	vld.idx.msk [tilespmem:v43+s21+$0x0], $0xffff;
	v48 =	vmul.f32 v20, v20;
	v18 =	vadd.f32 v46, v18  }
0x2bd: {  	v49 =	vadd.s32 $0x4480, v5;
	v30 =	vld [tilespmem:s11+$0x2180];
	v6 =	vadd.f32 v7, v6;
	v7 =	vmul.f32 v44, v11  }
0x2be: {  	v50 =	vmul.f32 v27, v27;
	v11 =	vld.idx.msk [tilespmem:v12+s21+$0x0], $0xffff;
	v51 =	vadd.f32 v48, v18  }
0x2bf: {  	v52 =	vadd.s32 $0x4500, v5;
	v25 =	vld [tilespmem:s11+$0x2200];
	v6 =	vadd.f32 v7, v6;
	v7 =	vmul.f32 v8, v10  }
0x2c0: {  	v8 =	vld.idx.msk [tilespmem:v47+s21+$0x0], $0xffff;
	v10 =	vmul.f32 v28, v28;
	v12 =	vadd.f32 v50, v51  }
0x2c1: {  	v53 =	vadd.s32 $0x4580, v5;
	v26 =	vld [tilespmem:s11+$0x2280];
	v6 =	vadd.f32 v7, v6;
	v7 =	vmul.f32 v9, v13  }
0x2c2: {  	v54 =	vmul.f32 v30, v30;
	v9 =	vld.idx.msk [tilespmem:v49+s21+$0x0], $0xffff;
	v10 =	vadd.f32 v10, v12  }
0x2c3: {  	v55 =	vadd.s32 $0x4600, v5;
	v21 =	vld [tilespmem:s11+$0x2300];
	v6 =	vadd.f32 v7, v6;
	v7 =	vmul.f32 v11, v63  }
0x2c4: {  	v56 =	vmul.f32 v25, v25;
	v11 =	vld.idx.msk [tilespmem:v52+s21+$0x0], $0xffff;
	v10 =	vadd.f32 v54, v10  }
0x2c5: {  	v57 =	vadd.s32 $0x4680, v5;
	v18 =	vld [tilespmem:s11+$0x2380];
	v6 =	vadd.f32 v7, v6;
	v7 =	vmul.f32 v8, v33  }
0x2c6: {  	v58 =	vmul.f32 v26, v26;
	v8 =	vld.idx.msk [tilespmem:v53+s21+$0x0], $0xffff;
	v10 =	vadd.f32 v56, v10  }
0x2c7: {  	v16 =	vld [tilespmem:s11+$0x3000];
	v59 =	vadd.s32 $0x4700, v5;
	v6 =	vadd.f32 v7, v6;
	v7 =	vmul.f32 v9, v35  }
0x2c8: {  	v60 =	vmul.f32 v21, v21;
	v9 =	vld.idx.msk [tilespmem:v55+s21+$0x0], $0xffff;
	v10 =	vadd.f32 v58, v10  }
0x2c9: {  	v62 =	vld [tilespmem:s11+$0x3080];
	v61 =	vadd.s32 $0x4780, v5;
	v6 =	vadd.f32 v7, v6;
	v7 =	vmul.f32 v11, v36  }
0x2ca: {  	v63 =	vmul.f32 v18, v18;
	v11 =	vld.idx.msk [tilespmem:v57+s21+$0x0], $0xffff;
	v10 =	vadd.f32 v60, v10  }
0x2cb: {  	v32 =	vadd.s32 $0x8800, v5;
	v33 =	vld [tilespmem:s11+$0x3100];
	v6 =	vadd.f32 v7, v6;
	v7 =	vmul.f32 v8, v22  }
0x2cc: {  	v34 =	vmul.f32 v16, v16;
	v8 =	vld.idx.msk [tilespmem:v59+s21+$0x0], $0xffff;
	v10 =	vadd.f32 v63, v10  }
0x2cd: {  	v35 =	vadd.s32 $0x8880, v5;
	v36 =	vld [tilespmem:s11+$0x3180];
	v6 =	vadd.f32 v7, v6;
	v7 =	vmul.f32 v9, v24  }
0x2ce: {  	v37 =	vmul.f32 v62, v62;
	v9 =	vld.idx.msk [tilespmem:v61+s21+$0x0], $0xffff;
	v10 =	vadd.f32 v34, v10  }
0x2cf: {  	v38 =	vadd.s32 $0x8900, v5;
	v39 =	vld [tilespmem:s11+$0x3200];
	v6 =	vadd.f32 v7, v6;
	v7 =	vmul.f32 v11, v23  }
0x2d0: {  	v40 =	vmul.f32 v33, v33;
	v11 =	vld.idx.msk [tilespmem:v32+s21+$0x0], $0xffff;
	v10 =	vadd.f32 v37, v10  }
0x2d1: {  	v42 =	vld [tilespmem:s11+$0x3280];
	v41 =	vadd.s32 $0x8980, v5;
	v6 =	vadd.f32 v7, v6;
	v7 =	vmul.f32 v8, v29  }
0x2d2: {  	v43 =	vmul.f32 v36, v36;
	v8 =	vld.idx.msk [tilespmem:v35+s21+$0x0], $0xffff;
	v10 =	vadd.f32 v40, v10  }
0x2d3: {  	v45 =	vld [tilespmem:s11+$0x3300];
	v44 =	vadd.s32 $0x8A00, v5;
	v6 =	vadd.f32 v7, v6;
	v7 =	vmul.f32 v9, v31  }
0x2d4: {  	v46 =	vmul.f32 v39, v39;
	v9 =	vld.idx.msk [tilespmem:v38+s21+$0x0], $0xffff;
	v10 =	vadd.f32 v43, v10  }
0x2d5: {  	v47 =	vadd.s32 $0x8A80, v5;
	v48 =	vld [tilespmem:s11+$0x3380];
	v6 =	vadd.f32 v7, v6;
	v7 =	vmul.f32 v11, v20  }
0x2d6: {  	v49 =	vmul.f32 v42, v42;
	v11 =	vld.idx.msk [tilespmem:v41+s21+$0x0], $0xffff;
	v10 =	vadd.f32 v46, v10  }
0x2d7: {  	v50 =	vadd.s32 $0x8B00, v5;
	v6 =	vadd.f32 v7, v6;
	v7 =	vmul.f32 v8, v27  }
0x2d8: {  	v51 =	vmul.f32 v45, v45;
	v8 =	vld.idx.msk [tilespmem:v44+s21+$0x0], $0xffff;
	v10 =	vadd.f32 v49, v10  }
0x2d9: {  	v52 =	vadd.s32 $0x8B80, v5;
	v6 =	vadd.f32 v7, v6;
	v7 =	vmul.f32 v9, v28  }
0x2da: {  	v53 =	vmul.f32 v48, v48;
	v9 =	vld.idx.msk [tilespmem:v47+s21+$0x0], $0xffff;
	v10 =	vadd.f32 v51, v10  }
0x2db: {  	v54 =	vadd.s32 $0xCC00, v5;
	v6 =	vadd.f32 v7, v6;
	v7 =	vmul.f32 v11, v30  }
0x2dc: {  	v11 =	vld.idx.msk [tilespmem:v50+s21+$0x0], $0xffff;
	v10 =	vadd.f32 v53, v10  }
0x2dd: {  	v55 =	vadd.s32 $0xCC80, v5;
	v6 =	vadd.f32 v7, v6;
	v7 =	vmul.f32 v8, v25  }
0x2de: {  	v56 =	vld.idx.msk [tilespmem:v52+s21+$0x0], $0xffff;
	v8 =	vadd.s32 $0xCD00, v5;
	v57 =	vshra.s32 v10, $0x1  }
0x2df: {  	v10 =	vmul.f32 $5.000000000e-01, v10;
	v6 =	vadd.f32 v7, v6;
	v7 =	vmul.f32 v9, v26  }
0x2e0: {  	v12 =	vld.idx.msk [tilespmem:v54+s21+$0x0], $0xffff;
	v9 =	vadd.s32 $0xCD80, v5;
	v15 =	vsub.s32 $0x5F3759DF, v57  }
0x2e1: {  	v58 =	vmul.f32 v15, v10;
	v6 =	vadd.f32 v7, v6;
	v7 =	vmul.f32 v11, v21  }
0x2e2: {  	v13 =	vld.idx.msk [tilespmem:v55+s21+$0x0], $0xffff;
	v11 =	vadd.s32 $0xCE00, v5  }
0x2e3: {  	v20 =	vmul.f32 v15, v58;
	v6 =	vadd.f32 v7, v6;
	v7 =	vmul.f32 v56, v18  }
0x2e4: {  	v59 =	vadd.s32 $0xCE80, v5;
	v8 =	vld.idx.msk [tilespmem:v8+s21+$0x0], $0xffff  }
0x2e5: {  	v60 =	vsub.f32 $1.500000000e+00, v20;
	v6 =	vadd.f32 v7, v6;
	v7 =	vmul.f32 v12, v16  }
0x2e6: {  	v61 =	vadd.s32 $0xCF00, v5;
	v9 =	vld.idx.msk [tilespmem:v9+s21+$0x0], $0xffff  }
0x2e7: {  	v15 =	vmul.f32 v15, v60;
	v6 =	vadd.f32 v7, v6;
	v7 =	vmul.f32 v13, v62  }
0x2e8: {  	v5 =	vadd.s32 $0xCF80, v5;
	v11 =	vld.idx.msk [tilespmem:v11+s21+$0x0], $0xffff  }
0x2e9: {  	v62 =	vmul.f32 v15, v10;
	v6 =	vadd.f32 v7, v6;
	v7 =	vmul.f32 v8, v33  }
0x2ea: {  	v8 =	vld.idx.msk [tilespmem:v59+s21+$0x0], $0xffff  }
0x2eb: {  	v13 =	vmul.f32 v62, v15;
	v6 =	vadd.f32 v7, v6;
	v7 =	vmul.f32 v9, v36  }
0x2ec: {  	v9 =	vld.idx.msk [tilespmem:v61+s21+$0x0], $0xffff  }
0x2ed: {  	v11 =	vmul.f32 v11, v39;
	v63 =	vsub.f32 $1.500000000e+00, v13;
	v7 =	vadd.f32 v7, v6  }
0x2ee: {  	v5 =	vld.idx.msk [tilespmem:v5+s21+$0x0], $0xffff  }
0x2ef: {  	v8 =	vmul.f32 v8, v42;
	v6 =	vmul.f32 v63, v15;
	v7 =	vadd.f32 v11, v7;
	_ =	sdelay $0x1  }
0x2f0: {  	v10 =	vmul.f32 v6, v10;
	v7 =	vadd.f32 v8, v7;
	v8 =	vmul.f32 v9, v45;
	_ =	sdelay $0x1  }
0x2f1: {  	v9 =	vmul.f32 v10, v6;
	v7 =	vadd.f32 v8, v7;
	v10 =	vmul.f32 v5, v48  }
0x2f2: {  	s14 =	simm.s32 $0x80;
	s11 =	sadd.s32 $0x80, s26  }
0x2f3: {  	s30 =	simm.s32 $0x10;
	s12 =	simm.s32 $0x10;
	s15 =	sand.u32 $0x3FFFFC00, s11;
	v5 =	vmov s25;
	v8 =	vsub.f32 $1.500000000e+00, v9;
	v7 =	vadd.f32 v10, v7  }
.LBB2_41:
0x2f4: {  	s0 =	sadd.s32 s30, s15  }
0x2f5: {  	v6 =	vmul.f32 v8, v6;
	s1 =	sadd.s32 $0x100, s1;
	s29 =	smov.u32 s14;
	s13 =	sadd.s32 $0x40, s14  }
0x2f6: {  	p0 =	sne.s32 s14, $0x1C0;
	s31 =	sadd.s32 $0x11C00, s0  }
0x2f7: {  	v6 =	vmul.f32 v6, v7;
	_ =	sdelay $0x1  }
0x2f8: {  	[tilespmem:v5+s2+$0x0 ss:$0x1] =	vst.idx.msk $0xffff, v6;
	s2 =	smov.u32 s30  }
0x2f9: {  	v7 =	vld [tilespmem:s31+$0x80]  }
0x2fa: {  	v8 =	vld [tilespmem:s0+$0x11C00]  }
0x2fb: {  	v9 =	vld [tilespmem:s31+$0x100]  }
0x2fc: {  	v6 =	vld [tilespmem:s31+$0x200]  }
0x2fd: {  	v11 =	vld [tilespmem:s31+$0x180]  }
0x2fe: {  	v10 =	vmul.f32 v7, v7;
	v22 =	vld [tilespmem:s31+$0x280]  }
0x2ff: {  	v12 =	vmul.f32 v8, v8  }
0x300: {  	s0 =	sor.u32 s11, s12;
	v13 =	vmul.f32 v9, v9;
	v21 =	vld [tilespmem:s31+$0x300]  }
0x301: {  	s0 =	sor.u32 $0x380, s0;
	v10 =	vadd.f32 v10, v12  }
0x302: {  	v12 =	vmul.f32 v11, v11;
	v19 =	vld [tilespmem:s0+$0x11C00]  }
0x303: {  	v14 =	vld.idx.msk [tilespmem:v4+s2+$0x0 ss:$0x1], $0xffff;
	v10 =	vadd.f32 v13, v10  }
0x304: {  	v13 =	vmul.f32 v6, v6  }
0x305: {  	v10 =	vadd.f32 v12, v10  }
0x306: {  	v12 =	vmul.f32 v22, v22  }
0x307: {  	v15 =	vmov s1;
	v10 =	vadd.f32 v13, v10;
	v24 =	vld [tilespmem:s31+$0x1000]  }
0x308: {  	v13 =	vshll.u32 v15, $0x3;
	v15 =	vmul.f32 v21, v21  }
0x309: {  	v14 =	vand.u32 $0xF, v14;
	v13 =	vor.u32 v3, v13;
	v10 =	vadd.f32 v12, v10;
	v25 =	vld [tilespmem:s31+$0x1080]  }
0x30a: {  	v16 =	vmul.f32 v19, v19;
	v12 =	vor.u32 v2, v14;
	v14 =	vand.u32 $0x3C00, v13  }
0x30b: {  	v34 =	vor.u32 v14, v12;
	v12 =	vor.u32 v12, v13;
	v10 =	vadd.f32 v15, v10;
	v26 =	vld [tilespmem:s31+$0x1100]  }
0x30c: {  	v13 =	vor.u32 $0x80, v34;
	v14 =	vor.u32 $0x100, v34;
	v15 =	vmul.f32 v24, v24  }
0x30d: {  	v33 =	vor.u32 $0x200, v34;
	v35 =	vor.u32 $0x280, v34;
	v10 =	vadd.f32 v16, v10;
	v27 =	vld [tilespmem:s31+$0x1180]  }
0x30e: {  	v36 =	vor.u32 $0x300, v34;
	v37 =	vor.u32 $0x380, v12;
	v12 =	vmul.f32 v25, v25;
	v16 =	vld [tilespmem:s31+$0x1280]  }
0x30f: {  	v38 =	vadd.s32 $0x4400, v34;
	v39 =	vadd.s32 $0x4480, v34;
	v10 =	vadd.f32 v15, v10;
	v28 =	vld [tilespmem:s31+$0x1200]  }
0x310: {  	v40 =	vadd.s32 $0x4500, v34;
	v41 =	vadd.s32 $0x4580, v34;
	v15 =	vld.idx.msk [tilespmem:v34+s21+$0x0], $0xffff;
	v17 =	vmul.f32 v26, v26  }
0x311: {  	v31 =	vor.u32 $0x180, v34;
	v42 =	vadd.s32 $0x4600, v34;
	v13 =	vld.idx.msk [tilespmem:v13+s21+$0x0], $0xffff;
	v10 =	vadd.f32 v12, v10  }
0x312: {  	v43 =	vadd.s32 $0x4680, v34;
	v44 =	vadd.s32 $0x4700, v34;
	v12 =	vmul.f32 v27, v27;
	v20 =	vld [tilespmem:s31+$0x1380]  }
0x313: {  	v45 =	vadd.s32 $0x4780, v34;
	v46 =	vadd.s32 $0x8800, v34;
	v10 =	vadd.f32 v17, v10;
	v30 =	vld [tilespmem:s31+$0x1300]  }
0x314: {  	v32 =	vadd.s32 $0x8880, v34;
	v29 =	vadd.s32 $0x8900, v34;
	v47 =	vld.idx.msk [tilespmem:v14+s21+$0x0], $0xffff;
	v14 =	vmul.f32 v28, v28  }
0x315: {  	v23 =	vadd.s32 $0x8980, v34;
	v18 =	vadd.s32 $0x8A00, v34;
	v10 =	vadd.f32 v12, v10  }
0x316: {  	v17 =	vadd.s32 $0x8A80, v34;
	v8 =	vmul.f32 v15, v8;
	v12 =	vmul.f32 v16, v16;
	v48 =	vld.idx.msk [tilespmem:v31+s21+$0x0], $0xffff  }
0x317: {  	v15 =	vadd.s32 $0x8B00, v34;
	v7 =	vmul.f32 v13, v7;
	v10 =	vadd.f32 v14, v10;
	v31 =	vld [tilespmem:s31+$0x2000]  }
0x318: {  	v8 =	vadd.f32 $0.0e+00, v8;
	v14 =	vadd.s32 $0x8B80, v34;
	v49 =	vld.idx.msk [tilespmem:v33+s21+$0x0], $0xffff;
	v50 =	vmul.f32 v30, v30  }
0x319: {  	v13 =	vadd.s32 $0xCC00, v34;
	v12 =	vadd.f32 v12, v10;
	v33 =	vld [tilespmem:s31+$0x2080];
	v10 =	vadd.s32 $0xCC80, v34  }
0x31a: {  	v7 =	vadd.f32 v7, v8;
	v9 =	vmul.f32 v47, v9;
	v47 =	vmul.f32 v20, v20;
	v35 =	vld.idx.msk [tilespmem:v35+s21+$0x0], $0xffff  }
0x31b: {  	v8 =	vadd.s32 $0xCD80, v34;
	v50 =	vadd.f32 v50, v12;
	v51 =	vld [tilespmem:s31+$0x2100];
	v12 =	vadd.s32 $0xCD00, v34  }
0x31c: {  	v9 =	vadd.f32 v9, v7;
	v48 =	vmul.f32 v48, v11;
	v36 =	vld.idx.msk [tilespmem:v36+s21+$0x0], $0xffff;
	v52 =	vmul.f32 v31, v31  }
0x31d: {  	v11 =	vadd.s32 $0xCE00, v34;
	v7 =	vadd.s32 $0xCE80, v34;
	v47 =	vadd.f32 v47, v50;
	v50 =	vld [tilespmem:s31+$0x2180]  }
0x31e: {  	v48 =	vadd.f32 v48, v9;
	v49 =	vmul.f32 v49, v6;
	v37 =	vld.idx.msk [tilespmem:v37+s21+$0x0], $0xffff;
	v53 =	vmul.f32 v33, v33  }
0x31f: {  	v9 =	vadd.s32 $0xCF00, v34;
	v6 =	vadd.s32 $0xCF80, v34;
	v47 =	vadd.f32 v52, v47;
	v52 =	vld [tilespmem:s31+$0x2200]  }
0x320: {  	v34 =	vadd.f32 v49, v48;
	v22 =	vmul.f32 v35, v22;
	v35 =	vld.idx.msk [tilespmem:v38+s21+$0x0], $0xffff;
	v38 =	vmul.f32 v51, v51  }
0x321: {  	v47 =	vadd.f32 v53, v47;
	v48 =	vld [tilespmem:s31+$0x2280]  }
0x322: {  	v22 =	vadd.f32 v22, v34;
	v21 =	vmul.f32 v36, v21;
	v34 =	vld.idx.msk [tilespmem:v39+s21+$0x0], $0xffff;
	v36 =	vmul.f32 v50, v50  }
0x323: {  	v38 =	vadd.f32 v38, v47;
	v39 =	vld [tilespmem:s31+$0x2300]  }
0x324: {  	v21 =	vadd.f32 v21, v22;
	v19 =	vmul.f32 v37, v19;
	v22 =	vld.idx.msk [tilespmem:v40+s21+$0x0], $0xffff;
	v37 =	vmul.f32 v52, v52  }
0x325: {  	v36 =	vadd.f32 v36, v38;
	v38 =	vld [tilespmem:s31+$0x2380]  }
0x326: {  	v19 =	vadd.f32 v19, v21;
	v21 =	vmul.f32 v35, v24;
	v24 =	vld.idx.msk [tilespmem:v41+s21+$0x0], $0xffff;
	v35 =	vmul.f32 v48, v48  }
0x327: {  	v36 =	vadd.f32 v37, v36;
	v37 =	vld [tilespmem:s31+$0x3000]  }
0x328: {  	v19 =	vadd.f32 v21, v19;
	v21 =	vmul.f32 v34, v25;
	v25 =	vld.idx.msk [tilespmem:v42+s21+$0x0], $0xffff;
	v34 =	vmul.f32 v39, v39  }
0x329: {  	v35 =	vadd.f32 v35, v36;
	v36 =	vld [tilespmem:s31+$0x3080]  }
0x32a: {  	v19 =	vadd.f32 v21, v19;
	v21 =	vmul.f32 v22, v26;
	v22 =	vld.idx.msk [tilespmem:v43+s21+$0x0], $0xffff;
	v26 =	vmul.f32 v38, v38  }
0x32b: {  	v34 =	vadd.f32 v34, v35;
	v35 =	vld [tilespmem:s31+$0x3100]  }
0x32c: {  	v19 =	vadd.f32 v21, v19;
	v21 =	vmul.f32 v24, v27;
	v24 =	vld.idx.msk [tilespmem:v44+s21+$0x0], $0xffff;
	v27 =	vmul.f32 v37, v37  }
0x32d: {  	v26 =	vadd.f32 v26, v34;
	v34 =	vld [tilespmem:s31+$0x3180]  }
0x32e: {  	v19 =	vadd.f32 v21, v19;
	v21 =	vmul.f32 v25, v28;
	v25 =	vld.idx.msk [tilespmem:v45+s21+$0x0], $0xffff;
	v28 =	vmul.f32 v36, v36  }
0x32f: {  	v26 =	vadd.f32 v27, v26;
	v27 =	vld [tilespmem:s31+$0x3200]  }
0x330: {  	v19 =	vadd.f32 v21, v19;
	v16 =	vmul.f32 v22, v16;
	v21 =	vld.idx.msk [tilespmem:v46+s21+$0x0], $0xffff;
	v22 =	vmul.f32 v35, v35  }
0x331: {  	v26 =	vadd.f32 v28, v26;
	v28 =	vld [tilespmem:s31+$0x3280]  }
0x332: {  	v16 =	vadd.f32 v16, v19;
	v19 =	vmul.f32 v24, v30;
	v24 =	vld.idx.msk [tilespmem:v32+s21+$0x0], $0xffff;
	v30 =	vmul.f32 v34, v34  }
0x333: {  	v22 =	vadd.f32 v22, v26;
	v26 =	vld [tilespmem:s31+$0x3300]  }
0x334: {  	v16 =	vadd.f32 v19, v16;
	v19 =	vmul.f32 v25, v20;
	v20 =	vld.idx.msk [tilespmem:v29+s21+$0x0], $0xffff;
	v25 =	vmul.f32 v27, v27  }
0x335: {  	v22 =	vadd.f32 v30, v22;
	v29 =	vld [tilespmem:s31+$0x3380]  }
0x336: {  	v16 =	vadd.f32 v19, v16;
	v19 =	vmul.f32 v21, v31;
	v21 =	vld.idx.msk [tilespmem:v23+s21+$0x0], $0xffff;
	v23 =	vmul.f32 v28, v28  }
0x337: {  	v22 =	vadd.f32 v25, v22  }
0x338: {  	v16 =	vadd.f32 v19, v16;
	v19 =	vmul.f32 v24, v33;
	v18 =	vld.idx.msk [tilespmem:v18+s21+$0x0], $0xffff;
	v24 =	vmul.f32 v26, v26  }
0x339: {  	v22 =	vadd.f32 v23, v22  }
0x33a: {  	v16 =	vadd.f32 v19, v16;
	v19 =	vmul.f32 v20, v51;
	v17 =	vld.idx.msk [tilespmem:v17+s21+$0x0], $0xffff;
	v20 =	vmul.f32 v29, v29  }
0x33b: {  	v22 =	vadd.f32 v24, v22  }
0x33c: {  	v16 =	vadd.f32 v19, v16;
	v19 =	vmul.f32 v21, v50;
	v15 =	vld.idx.msk [tilespmem:v15+s21+$0x0], $0xffff  }
0x33d: {  	v20 =	vadd.f32 v20, v22  }
0x33e: {  	v16 =	vadd.f32 v19, v16;
	v18 =	vmul.f32 v18, v52;
	v14 =	vld.idx.msk [tilespmem:v14+s21+$0x0], $0xffff  }
0x33f: {  	v19 =	vshra.s32 v20, $0x1;
	v20 =	vmul.f32 $5.000000000e-01, v20  }
0x340: {  	v16 =	vadd.f32 v18, v16;
	v17 =	vmul.f32 v17, v48;
	v13 =	vld.idx.msk [tilespmem:v13+s21+$0x0], $0xffff;
	v18 =	vsub.s32 $0x5F3759DF, v19  }
0x341: {  	v19 =	vmul.f32 v18, v20  }
0x342: {  	v16 =	vadd.f32 v17, v16;
	v15 =	vmul.f32 v15, v39;
	v10 =	vld.idx.msk [tilespmem:v10+s21+$0x0], $0xffff  }
0x343: {  	v17 =	vmul.f32 v18, v19  }
0x344: {  	v15 =	vadd.f32 v15, v16;
	v14 =	vmul.f32 v14, v38;
	v12 =	vld.idx.msk [tilespmem:v12+s21+$0x0], $0xffff  }
0x345: {  	v16 =	vsub.f32 $1.500000000e+00, v17  }
0x346: {  	v14 =	vadd.f32 v14, v15;
	v13 =	vmul.f32 v13, v37;
	v8 =	vld.idx.msk [tilespmem:v8+s21+$0x0], $0xffff  }
0x347: {  	v15 =	vmul.f32 v18, v16  }
0x348: {  	v13 =	vadd.f32 v13, v14;
	v10 =	vmul.f32 v10, v36;
	v11 =	vld.idx.msk [tilespmem:v11+s21+$0x0], $0xffff  }
0x349: {  	v14 =	vmul.f32 v15, v20  }
0x34a: {  	v10 =	vadd.f32 v10, v13;
	v12 =	vmul.f32 v12, v35;
	v7 =	vld.idx.msk [tilespmem:v7+s21+$0x0], $0xffff  }
0x34b: {  	v13 =	vmul.f32 v14, v15  }
0x34c: {  	v10 =	vadd.f32 v12, v10;
	v8 =	vmul.f32 v8, v34;
	v9 =	vld.idx.msk [tilespmem:v9+s21+$0x0], $0xffff  }
0x34d: {  	v12 =	vsub.f32 $1.500000000e+00, v13  }
0x34e: {  	v8 =	vadd.f32 v8, v10;
	v10 =	vmul.f32 v11, v27;
	v11 =	vld.idx.msk [tilespmem:v6+s21+$0x0], $0xffff  }
0x34f: {  	v6 =	vmul.f32 v12, v15  }
0x350: {  	v8 =	vadd.f32 v10, v8;
	v7 =	vmul.f32 v7, v28  }
0x351: {  	v10 =	vmul.f32 v6, v20  }
.Ltmp28:
0x352: {  	v7 =	vadd.f32 v7, v8;
	v8 =	vmul.f32 v9, v26;
	(pc) =	sbr.rel @p0 .LBB2_41-.Ltmp28, $4  }
0x353: {  	v9 =	vmul.f32 v10, v6  }
0x354: {  	v7 =	vadd.f32 v8, v7;
	v10 =	vmul.f32 v11, v29  }
0x355: {  	s14 =	smov.u32 s13;
	s11 =	sadd.s32 $0x80, s11;
	v8 =	vsub.f32 $1.500000000e+00, v9  }
0x356: {  	s30 =	sshra.s32 s29, $0x2;
	s12 =	sadd.s32 $0x10, s12;
	s15 =	sand.u32 $0x3FFFFC00, s11;
	v7 =	vadd.f32 v10, v7  }
0x357: {  	v6 =	vmul.f32 v8, v6;
	_ =	sdelay $0x1  }
0x358: {  	v6 =	vmul.f32 v6, v7  }
0x359: {  	s0 =	sadd.s32 s30, s15  }
0x35a: {  	s13 =	sadd.s32 $0x11C00, s0;
	[tilespmem:v5+s2+$0x0 ss:$0x1] =	vst.idx.msk $0xffff, v6  }
0x35b: {  	v6 =	vld [tilespmem:s13+$0x80]  }
0x35c: {  	v54 =	vld [tilespmem:s0+$0x11C00];
	_ =	sdelay $0x1  }
0x35d: {  	v55 =	vld [tilespmem:s13+$0x100];
	_ =	sdelay $0x1  }
0x35e: {  	v9 =	vld [tilespmem:s13+$0x180]  }
0x35f: {  	v10 =	vmul.f32 v6, v6;
	v11 =	vmul.f32 v54, v54  }
0x360: {  	v12 =	vld [tilespmem:s13+$0x200]  }
0x361: {  	v13 =	vmul.f32 v55, v55;
	v10 =	vadd.f32 v10, v11  }
0x362: {  	v56 =	vld [tilespmem:s13+$0x280]  }
0x363: {  	v14 =	vld [tilespmem:s13+$0x300];
	v15 =	vmul.f32 v9, v9;
	v10 =	vadd.f32 v13, v10  }
0x364: {  	s31 =	sor.u32 s11, s12;
	v4 =	vld.idx.msk [tilespmem:v4+s30+$0x0 ss:$0x1], $0xffff  }
0x365: {  	s0 =	sor.u32 $0x380, s31;
	v57 =	vmul.f32 v12, v12;
	v10 =	vadd.f32 v15, v10  }
0x366: {  	s1 =	sadd.s32 $0x100, s1;
	v58 =	vld [tilespmem:s0+$0x11C00]  }
0x367: {  	v17 =	vmov s1;
	v16 =	vmul.f32 v56, v56;
	v10 =	vadd.f32 v57, v10  }
0x368: {  	v17 =	vshll.u32 v17, $0x3;
	v13 =	vld [tilespmem:s13+$0x1000]  }
0x369: {  	v18 =	vmul.f32 v14, v14;
	v4 =	vand.u32 $0xF, v4;
	v10 =	vadd.f32 v16, v10  }
0x36a: {  	v59 =	vor.u32 v3, v17;
	v17 =	vld [tilespmem:s13+$0x1080];
	v19 =	vor.u32 v2, v4  }
0x36b: {  	v4 =	vand.u32 $0x3C00, v59;
	v20 =	vmul.f32 v58, v58;
	v10 =	vadd.f32 v18, v10  }
0x36c: {  	v4 =	vor.u32 v4, v19;
	v18 =	vld [tilespmem:s13+$0x1100]  }
0x36d: {  	v21 =	vmul.f32 v13, v13;
	v10 =	vadd.f32 v20, v10  }
0x36e: {  	v22 =	vld [tilespmem:s13+$0x1180];
	v60 =	vor.u32 $0x80, v4  }
0x36f: {  	v24 =	vld [tilespmem:s13+$0x1200];
	v23 =	vmul.f32 v17, v17;
	v10 =	vadd.f32 v21, v10  }
0x370: {  	v29 =	vld [tilespmem:s13+$0x1300];
	v27 =	vor.u32 $0x180, v4  }
0x371: {  	v61 =	vor.u32 $0x100, v4;
	v25 =	vld.idx.msk [tilespmem:v4+s21+$0x0], $0xffff;
	v26 =	vmul.f32 v18, v18;
	v10 =	vadd.f32 v23, v10  }
0x372: {  	v62 =	vor.u32 $0x200, v4;
	v23 =	vld [tilespmem:s13+$0x1280]  }
0x373: {  	v28 =	vmul.f32 v22, v22;
	v20 =	vld.idx.msk [tilespmem:v60+s21+$0x0], $0xffff;
	v10 =	vadd.f32 v26, v10  }
0x374: {  	v31 =	vld [tilespmem:s13+$0x1380]  }
0x375: {  	v30 =	vmul.f32 v24, v24;
	v63 =	vor.u32 $0x280, v4;
	v33 =	vld.idx.msk [tilespmem:v27+s21+$0x0], $0xffff;
	v10 =	vadd.f32 v28, v10  }
0x376: {  	v35 =	vor.u32 $0x300, v4;
	v21 =	vld.idx.msk [tilespmem:v61+s21+$0x0], $0xffff  }
0x377: {  	v36 =	vld.idx.msk [tilespmem:v62+s21+$0x0], $0xffff;
	v7 =	vmul.f32 v25, v54;
	v34 =	vmul.f32 v23, v23;
	v10 =	vadd.f32 v30, v10  }
0x378: {  	v37 =	vmul.f32 v29, v29;
	v41 =	vadd.s32 $0x4400, v4;
	v6 =	vmul.f32 v20, v6;
	v20 =	vld [tilespmem:s13+$0x2000]  }
0x379: {  	v27 =	vld [tilespmem:s13+$0x2080];
	v16 =	vor.u32 v19, v59;
	v7 =	vadd.f32 $0.0e+00, v7;
	v10 =	vadd.f32 v34, v10  }
0x37a: {  	v40 =	vmul.f32 v31, v31;
	v39 =	vld.idx.msk [tilespmem:v63+s21+$0x0], $0xffff;
	v16 =	vor.u32 $0x380, v16  }
0x37b: {  	v43 =	vld.idx.msk [tilespmem:v35+s21+$0x0], $0xffff;
	v6 =	vadd.f32 v6, v7;
	v38 =	vmul.f32 v21, v55;
	v10 =	vadd.f32 v37, v10  }
0x37c: {  	v53 =	vadd.s32 $0x4580, v4;
	v42 =	vmul.f32 v33, v9;
	v28 =	vld [tilespmem:s13+$0x2100]  }
0x37d: {  	v51 =	vld.idx.msk [tilespmem:v41+s21+$0x0], $0xffff;
	v6 =	vadd.f32 v38, v6;
	v44 =	vmul.f32 v20, v20;
	v10 =	vadd.f32 v40, v10  }
0x37e: {  	v45 =	vadd.s32 $0x4480, v4;
	v46 =	vmul.f32 v36, v12;
	v30 =	vld [tilespmem:s13+$0x2180]  }
0x37f: {  	v25 =	vld [tilespmem:s13+$0x2200];
	v48 =	vmul.f32 v27, v27;
	v6 =	vadd.f32 v42, v6;
	v10 =	vadd.f32 v44, v10  }
0x380: {  	v49 =	vadd.s32 $0x4500, v4;
	v50 =	vmul.f32 v39, v56;
	v47 =	vld.idx.msk [tilespmem:v16+s21+$0x0], $0xffff  }
0x381: {  	v63 =	vld.idx.msk [tilespmem:v53+s21+$0x0], $0xffff;
	v6 =	vadd.f32 v46, v6;
	v52 =	vmul.f32 v28, v28;
	v10 =	vadd.f32 v48, v10  }
0x382: {  	v57 =	vadd.s32 $0x4600, v4;
	v54 =	vmul.f32 v43, v14;
	v26 =	vld [tilespmem:s13+$0x2280]  }
0x383: {  	v55 =	vld.idx.msk [tilespmem:v45+s21+$0x0], $0xffff;
	v6 =	vadd.f32 v50, v6;
	v56 =	vmul.f32 v30, v30;
	v10 =	vadd.f32 v52, v10  }
0x384: {  	v33 =	vadd.s32 $0x4700, v4;
	v60 =	vmul.f32 v25, v25;
	v21 =	vld [tilespmem:s13+$0x2300]  }
0x385: {  	v59 =	vld.idx.msk [tilespmem:v49+s21+$0x0], $0xffff;
	v58 =	vmul.f32 v47, v58;
	v6 =	vadd.f32 v54, v6;
	v10 =	vadd.f32 v56, v10  }
0x386: {  	v19 =	vld [tilespmem:s13+$0x2380];
	v62 =	vmul.f32 v51, v13;
	v61 =	vadd.s32 $0x4680, v4  }
0x387: {  	v35 =	vld.idx.msk [tilespmem:v57+s21+$0x0], $0xffff;
	v32 =	vmul.f32 v26, v26;
	v6 =	vadd.f32 v58, v6;
	v10 =	vadd.f32 v60, v10  }
0x388: {  	v41 =	vadd.s32 $0x8800, v4;
	v16 =	vld [tilespmem:s13+$0x3000];
	v34 =	vmul.f32 v55, v17  }
0x389: {  	v43 =	vld.idx.msk [tilespmem:v33+s21+$0x0], $0xffff;
	v36 =	vmul.f32 v21, v21;
	v6 =	vadd.f32 v62, v6;
	v10 =	vadd.f32 v32, v10  }
0x38a: {  	v38 =	vmul.f32 v59, v18;
	v17 =	vld [tilespmem:s13+$0x3080];
	v37 =	vadd.s32 $0x4780, v4  }
0x38b: {  	v18 =	vld [tilespmem:s13+$0x3100];
	v40 =	vmul.f32 v19, v19;
	v6 =	vadd.f32 v34, v6;
	v10 =	vadd.f32 v36, v10  }
0x38c: {  	v39 =	vld.idx.msk [tilespmem:v61+s21+$0x0], $0xffff;
	v42 =	vmul.f32 v63, v22  }
0x38d: {  	v22 =	vld [tilespmem:s13+$0x3180];
	v44 =	vmul.f32 v16, v16;
	v6 =	vadd.f32 v38, v6;
	v10 =	vadd.f32 v40, v10  }
0x38e: {  	v11 =	vld.idx.msk [tilespmem:v41+s21+$0x0], $0xffff;
	v45 =	vadd.s32 $0x8880, v4;
	v46 =	vmul.f32 v35, v24  }
0x38f: {  	v24 =	vld [tilespmem:s13+$0x3200];
	v48 =	vmul.f32 v17, v17;
	v6 =	vadd.f32 v42, v6;
	v10 =	vadd.f32 v44, v10  }
0x390: {  	v49 =	vadd.s32 $0x8900, v4;
	v51 =	vmul.f32 v18, v18;
	v47 =	vld.idx.msk [tilespmem:v37+s21+$0x0], $0xffff  }
0x391: {  	v50 =	vmul.f32 v39, v23;
	v23 =	vld [tilespmem:s13+$0x3280];
	v6 =	vadd.f32 v46, v6;
	v10 =	vadd.f32 v48, v10  }
0x392: {  	v53 =	vmul.f32 v43, v29;
	v55 =	vmul.f32 v22, v22  }
0x393: {  	v54 =	vld.idx.msk [tilespmem:v45+s21+$0x0], $0xffff;
	v52 =	vadd.s32 $0x8980, v4;
	v6 =	vadd.f32 v50, v6;
	v10 =	vadd.f32 v51, v10  }
0x394: {  	v12 =	vld [tilespmem:s13+$0x3300];
	v57 =	vadd.s32 $0x8A00, v4;
	v58 =	vmul.f32 v24, v24  }
0x395: {  	v14 =	vld [tilespmem:s13+$0x3380];
	v56 =	vmul.f32 v47, v31;
	v6 =	vadd.f32 v53, v6;
	v10 =	vadd.f32 v55, v10  }
0x396: {  	v15 =	vld.idx.msk [tilespmem:v49+s21+$0x0], $0xffff;
	v59 =	vmul.f32 v11, v20;
	v61 =	vmul.f32 v23, v23  }
0x397: {  	v60 =	vadd.s32 $0x8A80, v4;
	v6 =	vadd.f32 v56, v6;
	v10 =	vadd.f32 v58, v10  }
0x398: {  	v63 =	vadd.s32 $0x8B00, v4;
	v62 =	vmul.f32 v54, v27;
	v13 =	vld.idx.msk [tilespmem:v52+s21+$0x0], $0xffff  }
0x399: {  	v9 =	vld.idx.msk [tilespmem:v57+s21+$0x0], $0xffff;
	v31 =	vmul.f32 v12, v12;
	v6 =	vadd.f32 v59, v6;
	v10 =	vadd.f32 v61, v10  }
0x39a: {  	v33 =	vadd.s32 $0x8B80, v4;
	v34 =	vmul.f32 v14, v14  }
0x39b: {  	v32 =	vmul.f32 v15, v28;
	v6 =	vadd.f32 v62, v6;
	v10 =	vadd.f32 v31, v10  }
0x39c: {  	v36 =	vadd.s32 $0xCC00, v4;
	v11 =	vld.idx.msk [tilespmem:v60+s21+$0x0], $0xffff  }
0x39d: {  	v35 =	vmul.f32 v13, v30;
	v6 =	vadd.f32 v32, v6;
	v10 =	vadd.f32 v34, v10  }
0x39e: {  	v8 =	vld.idx.msk [tilespmem:v63+s21+$0x0], $0xffff;
	v37 =	vadd.s32 $0xCC80, v4;
	v38 =	vmul.f32 v9, v25  }
0x39f: {  	v6 =	vadd.f32 v35, v6;
	v39 =	vshra.s32 v10, $0x1;
	v10 =	vmul.f32 $5.000000000e-01, v10  }
0x3a0: {  	v15 =	vld.idx.msk [tilespmem:v33+s21+$0x0], $0xffff;
	v40 =	vadd.s32 $0xCD00, v4;
	v9 =	vsub.s32 $0x5F3759DF, v39  }
0x3a1: {  	v41 =	vmul.f32 v11, v26;
	v6 =	vadd.f32 v38, v6;
	v42 =	vmul.f32 v9, v10  }
0x3a2: {  	v43 =	vadd.s32 $0xCD80, v4;
	v13 =	vld.idx.msk [tilespmem:v36+s21+$0x0], $0xffff  }
0x3a3: {  	v20 =	vld.idx.msk [tilespmem:v37+s21+$0x0], $0xffff;
	v44 =	vmul.f32 v8, v21;
	v6 =	vadd.f32 v41, v6;
	v45 =	vmul.f32 v9, v42  }
0x3a4: {  	v46 =	vadd.s32 $0xCE00, v4  }
0x3a5: {  	v47 =	vmul.f32 v15, v19;
	v6 =	vadd.f32 v44, v6;
	v8 =	vsub.f32 $1.500000000e+00, v45  }
0x3a6: {  	v48 =	vadd.s32 $0xCE80, v4;
	v49 =	vld.idx.msk [tilespmem:v40+s21+$0x0], $0xffff  }
0x3a7: {  	v50 =	vmul.f32 v13, v16;
	v6 =	vadd.f32 v47, v6;
	v8 =	vmul.f32 v9, v8  }
0x3a8: {  	v52 =	vld.idx.msk [tilespmem:v43+s21+$0x0], $0xffff;
	v53 =	vmul.f32 v20, v17  }
0x3a9: {  	v51 =	vadd.s32 $0xCF00, v4;
	v6 =	vadd.f32 v50, v6;
	v54 =	vmul.f32 v8, v10  }
0x3aa: {  	v11 =	vld.idx.msk [tilespmem:v46+s21+$0x0], $0xffff;
	v4 =	vadd.s32 $0xCF80, v4  }
0x3ab: {  	v55 =	vmul.f32 v49, v18;
	v6 =	vadd.f32 v53, v6;
	v16 =	vmul.f32 v54, v8  }
0x3ac: {  	v15 =	vld.idx.msk [tilespmem:v48+s21+$0x0], $0xffff  }
0x3ad: {  	v56 =	vmul.f32 v52, v22;
	v6 =	vadd.f32 v55, v6;
	v57 =	vsub.f32 $1.500000000e+00, v16  }
0x3ae: {  	v9 =	vld.idx.msk [tilespmem:v51+s21+$0x0], $0xffff  }
0x3af: {  	v58 =	vmul.f32 v11, v24;
	v6 =	vadd.f32 v56, v6;
	v8 =	vmul.f32 v57, v8  }
0x3b0: {  	v4 =	vld.idx.msk [tilespmem:v4+s21+$0x0], $0xffff  }
0x3b1: {  	v59 =	vmul.f32 v15, v23;
	v6 =	vadd.f32 v58, v6;
	v10 =	vmul.f32 v8, v10;
	_ =	sdelay $0x1  }
0x3b2: {  	v6 =	vadd.f32 v59, v6;
	v60 =	vmul.f32 v9, v12;
	v61 =	vmul.f32 v10, v8;
	_ =	sdelay $0x1  }
0x3b3: {  	s28 =	sadd.s32 $0x1, s28;
	v4 =	vmul.f32 v4, v14;
	v6 =	vadd.f32 v60, v6;
	v62 =	vsub.f32 $1.500000000e+00, v61  }
0x3b4: {  	p0 =	sne.s32 s28, $0x4  }
.Ltmp29:
0x3b5: {  	v4 =	vadd.f32 v4, v6;
	v63 =	vmul.f32 v62, v8;
	(pc) =	sbr.rel @p0 .LBB2_2-.Ltmp29, $3  }
0x3b6: {  	_ = 	snop  }
0x3b7: {  	v4 =	vmul.f32 v63, v4;
	_ =	sdelay $0x1  }
0x3b8: {  	s24 =	sadd.s32 $0x80, s24;
	s26 =	sadd.s32 $0x400, s26;
	s25 =	sadd.s32 $0x80, s25;
	[tilespmem:v5+s30+$0x0 ss:$0x1] =	vst.idx.msk $0xffff, v4  }
0x3b9: {  	s0 =	rddreg [dreg:$0x8];
	s1 =	simm.s32 $0x15C00  }
0x3ba: {  	[hbm4b:s0+s4] =	stream.linear.scatter [tilespmem:s1], [sflag:$0x3], $0x200, $0x38;
	[tilespmem:$0x15E00] =	vst v63  }
0x3bb: {  	_ =	swait.ge [sflag:s9], $0x200  }
0x3bc: {  	s23 =	sadd.s32 $0x1, s23;
	s31 =	rddreg [dreg:$0x9]  }
0x3bd: {  	p0 =	sne.s32 s23, s31  }
.Ltmp30:
0x3be: {  	_ = 	snop;
	(pc) =	sbr.rel @p0 .LBB2_1-.Ltmp30, $3  }
0x3bf: {  	_ =	sdelay $0x1  }
0x3c0: {  	[sflag:s9] =	ssyncset.done $0x0  }
0x3c1: {  	[sflag:s9] =	ssyncadd.s32 $0xFFFFFE00  }
0x3c2: {  	_ =	sfence.sel $0x180000  }
0x3c3: {  	[bflag:$0x0] =	sbarrier.arrive $0xFFFF  }
0x3c4: {  	_ =	strace $0x90000047  }
0x3c5: {  	s0 =	stileid.u32;
	[bflag:$0x2] =	sbarrier.arrive $0xFFFF  }
0x3c6: {  	p0 =	sne.s32 s0, $0x0;
	s0 =	rddreg [dreg:$0x5]  }
0x3c7: {  	s0 =	sadd.s32 @!p0 $0x100000, s0  }
0x3c8: {  	[sflag:s0] =	ssyncadd.tile.s32 @!p0 $0x1;
	_ =	shalt  }
.Lfunc_end2:
_tile_overlayer_lowered:
.L_overlay_start_2:
0x3c9: {  	(tag) =	ssettag $0x2  }
0x3ca: {  	s0 =	rddreg [dreg:$0x0];
	s2 =	stileid.u32  }
0x3cb: {  	s1 =	rddreg [dreg:$0x1];
	p0 =	sne.s32 s2, $0x0  }
0x3cc: {  	s3 =	rddreg [dreg:$0x2];
	[bflag:$0x3] =	sbarrier.arrive $0xFFFF;
	s2 =	simm.s32 @!p0 $0x1C03  }
0x3cd: {  	[timem:s3], [sflag:s2] =	dma.local @!p0 [hbm:s0], s1  }
0x3ce: {  	s0 =	simm.s32 @!p0 $0x3  }
0x3cf: {  	_ =	swait.ge @!p0 [sflag:s0], s1  }
0x3d0: {  	s1 =	ssub.s32 @!p0 $0x0, s1;
	[sflag:s0] =	ssyncset.done @!p0 $0x0  }
0x3d1: {  	[sflag:s0] =	ssyncadd.s32 @!p0 s1  }
0x3d2: {  	[bflag:$0x3] =	sbarrier.arrive $0xFFFF  }
0x3d3: {  	_ =	shalt  }

</sc_bundles>
